<compile_context>
chip_gen: v7x
topology: tpu7x:2x2x1
jax: 0.10.2.dev20260603
libtpu: 0.0.44.dev20260713+nightly
codegen_flags: <defaults>
</compile_context>

<pallas_src>
import functools

import jax
import jax.numpy as jnp
from jax import lax
from jax.experimental import pallas as pl
from jax.experimental.pallas import tpu as pltpu
from jax.experimental.pallas import tpu_sc as plsc

N0, N1, N2 = 100000, 50000, 10000
E0, E1, EP = 300000, 100000, 30000
HID = 128

N1P = 50176
N2P = 10112
TRASH = N2
E0P = 307200
E1P = 102400
ESP = 61440

NW = 32
CHUNK = 128
ROWS_PER_SUB = N2P // 16
DEGW = 8

_f32 = jnp.float32



def _clamp_loop(dst_v):
    def cl_body(i, _):
        d = dst_v[pl.ds(i * 16, 16)]
        dst_v[pl.ds(i * 16, 16)] = jnp.minimum(d, TRASH)
        return 0
    lax.fori_loop(0, CHUNK // 16, cl_body, 0)


def _zero_shared_rows(z_v, sh, sid):
    def body(i, _):
        off = pl.multiple_of(sid * ROWS_PER_SUB + i * 64, 8)
        pltpu.sync_copy(z_v, sh.at[pl.ds(off, 64)])
        return 0
    lax.fori_loop(0, ROWS_PER_SUB // 64, body, 0)
    tail = ROWS_PER_SUB % 64
    if tail:
        off = pl.multiple_of(sid * ROWS_PER_SUB + (ROWS_PER_SUB - tail), 8)
        pltpu.sync_copy(z_v.at[pl.ds(0, tail)], sh.at[pl.ds(off, tail)])


def _export_shared_rows(sh, out, cid, sid):
    rb = pl.multiple_of(cid * N2P + sid * ROWS_PER_SUB, 8)
    sb = pl.multiple_of(sid * ROWS_PER_SUB, 8)
    pltpu.sync_copy(sh.at[pl.ds(sb, ROWS_PER_SUB)],
                    out.at[pl.ds(rb, ROWS_PER_SUB)])


def _make_deg():
    mesh = plsc.VectorSubcoreMesh(core_axis_name="c", subcore_axis_name="s")

    @functools.partial(
        pl.kernel,
        out_type=[
            jax.ShapeDtypeStruct((2 * N2P, DEGW), _f32),
            jax.ShapeDtypeStruct((2 * N2P, DEGW), _f32),
        ],
        mesh=mesh,
        scratch_types=[
            pltpu.VMEM((CHUNK,), jnp.int32),
            pltpu.VMEM((CHUNK, DEGW), _f32),
            pltpu.VMEM((64, DEGW), _f32),
            pltpu.VMEM_SHARED((N2P, DEGW), _f32),
            pltpu.VMEM_SHARED((N2P, DEGW), _f32),
        ],
    )
    def degk(dst0, dst1, konst, deg0_out, deg1_out,
             dst_v, ones_v, zd_v, sh0, sh1):
        cid = lax.axis_index("c")
        sid = lax.axis_index("s")
        wid = sid * 2 + cid

        pltpu.sync_copy(konst.at[pl.ds(0, CHUNK)], ones_v)
        pltpu.sync_copy(konst.at[pl.ds(CHUNK, 64)], zd_v)
        _zero_shared_rows(zd_v, sh0, sid)
        _zero_shared_rows(zd_v, sh1, sid)
        plsc.subcore_barrier()

        for dst, sh, ep in ((dst0, sh0, E0P), (dst1, sh1, E1P)):
            per_w = ep // NW
            base0 = wid * per_w

            def chunk_body(ci, _):
                base = pl.multiple_of(base0 + ci * CHUNK, 8)
                pltpu.sync_copy(dst.at[pl.ds(base, CHUNK)], dst_v)
                _clamp_loop(dst_v)
                pltpu.sync_copy(ones_v, sh.at[dst_v], add=True)
                return 0
            lax.fori_loop(0, per_w // CHUNK, chunk_body, 0)

        plsc.subcore_barrier()
        _export_shared_rows(sh0, deg0_out, cid, sid)
        _export_shared_rows(sh1, deg1_out, cid, sid)

    return degk


def _make_seg(ep):
    per_w = ep // NW
    n_chunks = per_w // CHUNK
    mesh = plsc.VectorSubcoreMesh(core_axis_name="c", subcore_axis_name="s")

    @functools.partial(
        pl.kernel,
        out_type=jax.ShapeDtypeStruct((2 * N2P, HID), _f32),
        mesh=mesh,
        scratch_types=[
            pltpu.VMEM((CHUNK,), jnp.int32),
            pltpu.VMEM((CHUNK,), jnp.int32),
            pltpu.VMEM((CHUNK, HID), _f32),
            pltpu.VMEM((64, HID), _f32),
            pltpu.VMEM_SHARED((N2P, HID), _f32),
            pltpu.SemaphoreType.DMA,
        ],
    )
    def seg(table, src, dst, acc_out, src_v, dst_v, rows_v, zb_v, acc_sh, sem):
        cid = lax.axis_index("c")
        sid = lax.axis_index("s")
        wid = sid * 2 + cid
        zero16 = jnp.zeros((16,), _f32)

        def zb_body(r, _):
            for g in range(HID // 16):
                zb_v[r, pl.ds(g * 16, 16)] = zero16
            return 0
        lax.fori_loop(0, 64, zb_body, 0)
        _zero_shared_rows(zb_v, acc_sh, sid)
        plsc.subcore_barrier()

        base0 = wid * per_w

        def chunk_body(ci, _):
            base = pl.multiple_of(base0 + ci * CHUNK, 8)
            pltpu.sync_copy(src.at[pl.ds(base, CHUNK)], src_v)
            pltpu.sync_copy(dst.at[pl.ds(base, CHUNK)], dst_v)
            _clamp_loop(dst_v)
            pltpu.async_copy(table.at[src_v], rows_v, sem).wait()
            pltpu.sync_copy(rows_v, acc_sh.at[dst_v], add=True)
            return 0
        lax.fori_loop(0, n_chunks, chunk_body, 0)

        plsc.subcore_barrier()
        _export_shared_rows(acc_sh, acc_out, cid, sid)

    return seg


def _make_pair_gather(ep):
    per_w = ep // NW
    n_chunks = per_w // CHUNK
    mesh = plsc.VectorSubcoreMesh(core_axis_name="c", subcore_axis_name="s")

    @functools.partial(
        pl.kernel,
        out_type=[
            jax.ShapeDtypeStruct((ep, HID), _f32),
            jax.ShapeDtypeStruct((ep, HID), _f32),
        ],
        mesh=mesh,
        scratch_types=[
            pltpu.VMEM((CHUNK,), jnp.int32),
            pltpu.VMEM((CHUNK, HID), _f32),
            pltpu.SemaphoreType.DMA,
        ],
    )
    def gk(s_tab, d_tab, sidx, didx, es_out, ed_out, idx_v, rows_v, sem):
        cid = lax.axis_index("c")
        sid = lax.axis_index("s")
        wid = sid * 2 + cid
        base0 = wid * per_w

        def chunk_body(ci, _):
            base = pl.multiple_of(base0 + ci * CHUNK, 8)
            pltpu.sync_copy(sidx.at[pl.ds(base, CHUNK)], idx_v)
            pltpu.async_copy(s_tab.at[idx_v], rows_v, sem).wait()
            pltpu.sync_copy(rows_v, es_out.at[pl.ds(base, CHUNK)])
            pltpu.sync_copy(didx.at[pl.ds(base, CHUNK)], idx_v)
            pltpu.async_copy(d_tab.at[idx_v], rows_v, sem).wait()
            pltpu.sync_copy(rows_v, ed_out.at[pl.ds(base, CHUNK)])
            return 0
        lax.fori_loop(0, n_chunks, chunk_body, 0)

    return gk



_BS = 512
_MB = 128


def _dot(a, b):
    return jnp.dot(a, b, preferred_element_type=_f32)


def _prep0_body(x_ref, yf_ref, tw_ref, tb_ref, wna_ref, wnb_ref,
                wsa_ref, wsb_ref, b0_ref, y0_ref, z0_ref):
    te = jnp.cos(yf_ref[...] * tw_ref[...] + tb_ref[...])
    xb = x_ref[...]
    y0_ref[...] = _dot(xb, wna_ref[...]) + _dot(te, wnb_ref[...])
    z0_ref[...] = _dot(xb, wsa_ref[...]) + _dot(te, wsb_ref[...]) + b0_ref[...]


def _mid_body(acca_ref, accb_ref, dega_ref, degb_ref, z0_ref,
              wn1_ref, ws1_ref, b1_ref, y1_ref, z1_ref):
    deg = dega_ref[:, 0] + degb_ref[:, 0]
    recip = 1.0 / jnp.clip(deg, 1.0)
    mean = (acca_ref[...] + accb_ref[...]) * recip[:, None]
    h1 = jnp.maximum(mean + z0_ref[...], 0.0)
    y1_ref[...] = _dot(h1, wn1_ref[...])
    z1_ref[...] = _dot(h1, ws1_ref[...]) + b1_ref[...]


def _post_body(acca_ref, accb_ref, dega_ref, degb_ref, z1_ref, feat_ref,
               yf_ref, tw_ref, tb_ref, wpa_ref, wpb_ref, wpc_ref, bp1_ref,
               s_ref, d_ref):
    deg = dega_ref[:, 0] + degb_ref[:, 0]
    recip = 1.0 / jnp.clip(deg, 1.0)
    h2 = (acca_ref[...] + accb_ref[...]) * recip[:, None] + z1_ref[...]
    te = jnp.cos(yf_ref[...] * tw_ref[...] + tb_ref[...])
    tt = feat_ref[...] + te
    s_ref[...] = _dot(tt, wpa_ref[...])
    d_ref[...] = _dot(h2, wpb_ref[...]) + _dot(tt, wpc_ref[...]) + bp1_ref[...]


def _score_body(es_ref, ed_ref, wp2_ref, bp2_ref, out_ref):
    h = jnp.maximum(es_ref[...] + ed_ref[...], 0.0)
    out_ref[...] = jnp.sum(h * wp2_ref[...], axis=1, keepdims=True) + bp2_ref[...]


def _row_spec(bs, cols):
    return pl.BlockSpec((bs, cols), lambda i: (i, 0))


def _fixed_spec(r, c):
    return pl.BlockSpec((r, c), lambda i: (0, 0))



def kernel(x, years0, edge_index0, edge_index1, feat_dst, years2,
           pos_edges, neg_edges, time_w, time_b,
           Ws0, Wn0, b0, Ws1, Wn1, b1, Wp1, bp1, Wp2, bp2):
    f32 = _f32

    xp = jnp.pad(x[:N1], ((0, N1P - N1), (0, 0)))
    y0f = jnp.pad(years0[:N1].astype(f32), (0, N1P - N1))[:, None]
    tw = time_w[None, :]
    tb = time_b[None, :]

    y0_tab, z0f = pl.pallas_call(
        _prep0_body,
        grid=(N1P // _BS,),
        in_specs=[
            _row_spec(_BS, HID), _row_spec(_BS, 1),
            _fixed_spec(1, HID), _fixed_spec(1, HID),
            _fixed_spec(HID, HID), _fixed_spec(HID, HID),
            _fixed_spec(HID, HID), _fixed_spec(HID, HID),
            _fixed_spec(1, HID),
        ],
        out_specs=[_row_spec(_BS, HID), _row_spec(_BS, HID)],
        out_shape=[
            jax.ShapeDtypeStruct((N1P, HID), f32),
            jax.ShapeDtypeStruct((N1P, HID), f32),
        ],
    )(xp, y0f, tw, tb, Wn0[:HID], Wn0[HID:], Ws0[:HID], Ws0[HID:], b0[None, :])

    konst = jnp.concatenate(
        [jnp.ones((CHUNK, DEGW), f32), jnp.zeros((64, DEGW), f32)])

    src0 = jnp.pad(edge_index0[0], (0, E0P - E0))
    dst0 = jnp.pad(edge_index0[1], (0, E0P - E0), constant_values=TRASH)
    src1 = jnp.pad(edge_index1[0], (0, E1P - E1))
    dst1 = jnp.pad(edge_index1[1], (0, E1P - E1), constant_values=TRASH)

    deg0, deg1 = _make_deg()(dst0, dst1, konst)

    acc0 = _make_seg(E0P)(y0_tab, src0, dst0)

    y1_tab, z1 = pl.pallas_call(
        _mid_body,
        grid=(N2P // _MB,),
        in_specs=[
            _row_spec(_MB, HID), _row_spec(_MB, HID),
            _row_spec(_MB, DEGW), _row_spec(_MB, DEGW),
            _row_spec(_MB, HID),
            _fixed_spec(HID, HID), _fixed_spec(HID, HID), _fixed_spec(1, HID),
        ],
        out_specs=[_row_spec(_MB, HID), _row_spec(_MB, HID)],
        out_shape=[
            jax.ShapeDtypeStruct((N2P, HID), f32),
            jax.ShapeDtypeStruct((N2P, HID), f32),
        ],
    )(acc0[:N2P], acc0[N2P:], deg0[:N2P], deg0[N2P:], z0f[:N2P],
      Wn1, Ws1, b1[None, :])

    acc1 = _make_seg(E1P)(y1_tab, src1, dst1)

    featp = jnp.pad(feat_dst, ((0, N2P - N2), (0, 0)))
    y2f = jnp.pad(years2.astype(f32), (0, N2P - N2))[:, None]

    s_tab, d_tab = pl.pallas_call(
        _post_body,
        grid=(N2P // _MB,),
        in_specs=[
            _row_spec(_MB, HID), _row_spec(_MB, HID),
            _row_spec(_MB, DEGW), _row_spec(_MB, DEGW),
            _row_spec(_MB, HID), _row_spec(_MB, HID), _row_spec(_MB, 1),
            _fixed_spec(1, HID), _fixed_spec(1, HID),
            _fixed_spec(HID, HID), _fixed_spec(HID, HID), _fixed_spec(HID, HID),
            _fixed_spec(1, HID),
        ],
        out_specs=[_row_spec(_MB, HID), _row_spec(_MB, HID)],
        out_shape=[
            jax.ShapeDtypeStruct((N2P, HID), f32),
            jax.ShapeDtypeStruct((N2P, HID), f32),
        ],
    )(acc1[:N2P], acc1[N2P:], deg1[:N2P], deg1[N2P:], z1, featp, y2f,
      tw, tb, Wp1[:HID], Wp1[HID:2 * HID], Wp1[2 * HID:], bp1[None, :])

    sidx = jnp.pad(jnp.concatenate([pos_edges[0], neg_edges[0]]),
                   (0, ESP - 2 * EP))
    didx = jnp.pad(jnp.concatenate([pos_edges[1], neg_edges[1]]),
                   (0, ESP - 2 * EP))
    es, ed = _make_pair_gather(ESP)(s_tab, d_tab, sidx, didx)

    scores = pl.pallas_call(
        _score_body,
        grid=(ESP // _BS,),
        in_specs=[
            _row_spec(_BS, HID), _row_spec(_BS, HID),
            _fixed_spec(1, HID), _fixed_spec(1, 1),
        ],
        out_specs=_row_spec(_BS, 1),
        out_shape=jax.ShapeDtypeStruct((ESP, 1), f32),
    )(es, ed, Wp2[:, 0][None, :], bp2[None, :])

    return scores[:EP, 0], scores[EP:2 * EP, 0]

# --- scband reference (transcript-rebuilt; emitter-appended) ---
"""Pipeline reference for scband-pr-text-tagc-24146306138427 (READ-ONLY COPY).

The authoritative reference and input builder live on the scoring server;
editing this copy changes nothing except your own understanding.
"""

import jax, jax.numpy as jnp
import numpy as np

N0, N1, N2 = 100000, 50000, 10000
E0, E1, EP = 300000, 100000, 30000
RAW, TIME, HID = 128, 128, 128
IN_FEATS = RAW + TIME  # time 'concat' merged into gnn input
SRC_OUT = RAW          # time_merge 'add' keeps raw dim
DST_OUT = HID + RAW    # gcn 'concat' merge
PRED_HID = 128


def setup_inputs(seed: int = 0) -> dict:
    key = jax.random.key(seed)
    ks = jax.random.split(key, 24)
    inp = {}
    inp['x'] = jax.random.normal(ks[0], (N0, RAW), jnp.float32)
    inp['years0'] = jax.random.randint(ks[1], (N0,), 0, 50)
    inp['edge_index0'] = jax.random.randint(ks[2], (2, E0), 0, N1)
    inp['edge_index1'] = jax.random.randint(ks[3], (2, E1), 0, N2)
    inp['feat_dst'] = jax.random.normal(ks[4], (N2, RAW), jnp.float32)
    inp['years2'] = jax.random.randint(ks[5], (N2,), 0, 50)
    inp['pos_edges'] = jax.random.randint(ks[6], (2, EP), 0, N2)
    inp['neg_edges'] = jax.random.randint(ks[7], (2, EP), 0, N2)
    # TimeEncode params (TGN-style init)
    inp['time_w'] = jnp.asarray(1.0 / 10 ** np.linspace(0, 9, TIME), jnp.float32)
    inp['time_b'] = jnp.zeros((TIME,), jnp.float32)
    # SAGE layer 0: in=IN_FEATS, out=HID
    inp['Ws0'] = jax.random.normal(ks[8], (IN_FEATS, HID), jnp.float32) * 0.05
    inp['Wn0'] = jax.random.normal(ks[9], (IN_FEATS, HID), jnp.float32) * 0.05
    inp['b0'] = jnp.zeros((HID,), jnp.float32)
    # SAGE layer 1: in=HID, out=HID
    inp['Ws1'] = jax.random.normal(ks[10], (HID, HID), jnp.float32) * 0.05
    inp['Wn1'] = jax.random.normal(ks[11], (HID, HID), jnp.float32) * 0.05
    inp['b1'] = jnp.zeros((HID,), jnp.float32)
    # MLP edge predictor: concat(src_emb, dst_emb) -> hidden -> 1
    inp['Wp1'] = jax.random.normal(ks[12], (SRC_OUT + DST_OUT, PRED_HID), jnp.float32) * 0.05
    inp['bp1'] = jnp.zeros((PRED_HID,), jnp.float32)
    inp['Wp2'] = jax.random.normal(ks[13], (PRED_HID, 1), jnp.float32) * 0.05
    inp['bp2'] = jnp.zeros((1,), jnp.float32)
    return inp


def _time_encode(t, w, b):
    return jnp.cos(t[:, None] * w[None, :] + b[None, :])


def _sage_layer(h_src, src, dst, n_dst, Wn, Ws, b):
    # DGL SAGEConv, mean aggregator; dst nodes are prefix of src nodes
    agg = jax.ops.segment_sum(h_src[src], dst, num_segments=n_dst)
    deg = jax.ops.segment_sum(jnp.ones_like(dst, dtype=jnp.float32), dst, num_segments=n_dst)
    mean = agg / jnp.clip(deg, 1.0)[:, None]
    h_dst = h_src[:n_dst]
    return mean @ Wn + h_dst @ Ws + b


def _edge_score(edges, src_emb, dst_emb, Wp1, bp1, Wp2, bp2):
    e = jnp.concatenate([src_emb[edges[0]], dst_emb[edges[1]]], axis=-1)
    h = jax.nn.relu(e @ Wp1 + bp1)
    return (h @ Wp2 + bp2)[:, 0]


def reference(x, years0, edge_index0, edge_index1, feat_dst, years2,
              pos_edges, neg_edges, time_w, time_b,
              Ws0, Wn0, b0, Ws1, Wn1, b1, Wp1, bp1, Wp2, bp2):
    # _get_dst_embedding: concat time encoding onto block0 src features
    te0 = _time_encode(years0.astype(jnp.float32), time_w, time_b)
    x_t = jnp.concatenate([x, te0], axis=-1)  # [N0, IN_FEATS]
    # SAGE over 2 blocks (dropout is identity at eval)
    h1 = jax.nn.relu(_sage_layer(x_t, edge_index0[0], edge_index0[1], N1, Wn0, Ws0, b0))
    h2 = _sage_layer(h1, edge_index1[0], edge_index1[1], N2, Wn1, Ws1, b1)  # [N2, HID]
    # text features of final dst nodes, time-merged with 'add'
    te2 = _time_encode(years2.astype(jnp.float32), time_w, time_b)
    text_time = feat_dst + te2  # [N2, RAW]
    dst_emb = jnp.concatenate([h2, text_time], axis=-1)  # [N2, DST_OUT]
    # _get_src_embedding: dst text feats + time ('add')
    src_emb = text_time  # [N2, SRC_OUT]
    pos_score = _edge_score(pos_edges, src_emb, dst_emb, Wp1, bp1, Wp2, bp2)
    neg_score = _edge_score(neg_edges, src_emb, dst_emb, Wp1, bp1, Wp2, bp2)
    return (pos_score, neg_score)

if __name__ == "__main__":
    import jax
    _d = setup_inputs()
    print(jax.jit(kernel)(*tuple(_d.values())))

</pallas_src>

<mosaic_0001>
#map = affine_map<(d0, d1) -> (0, 0)>
#map1 = affine_map<(d0, d1) -> (0)>
module attributes {stable_mosaic.version = 14 : i64} {
  func.func @seg(%arg0: i32, %arg1: i32, %arg2: memref<50176x128xf32, #tpu.memory_space<hbm>>, %arg3: memref<307200xi32, #tpu.memory_space<hbm>>, %arg4: memref<307200xi32, #tpu.memory_space<hbm>>, %arg5: memref<20224x128xf32, #tpu.memory_space<hbm>>, %arg6: memref<128xi32, #tpu.memory_space<vmem>>, %arg7: memref<128xi32, #tpu.memory_space<vmem>>, %arg8: memref<128x128xf32, #tpu.memory_space<vmem>>, %arg9: memref<64x128xf32, #tpu.memory_space<vmem>>, %arg10: memref<10112x128xf32, #tpu.memory_space<vmem_shared>>, %arg11: memref<!tpu.dma_semaphore, #tpu.memory_space<semaphore_mem>>) attributes {dimension_semantics = [#tpu.dimension_semantics<core_parallel>, #tpu.dimension_semantics<subcore_parallel>], iteration_bounds = array<i64: 2, 16>, scalar_prefetch = 0 : i64, scratch_operands = 6 : i64, tpu.core_type = #tpu.core_type<sc_vector_subcore>, window_params = [{transform_indices = #map}, {transform_indices = #map1}, {transform_indices = #map1}, {transform_indices = #map}]} {
    %mul3A = arith.constant 2 : i32
    %mul3A_0 = arith.muli %arg1, %mul3A : i32
    %add3A = arith.addi %mul3A_0, %arg0 : i32
    %broadcast_in_dim3A = arith.constant 0.000000e+00 : f32
    %broadcast_in_dim3A_1 = vector.broadcast %broadcast_in_dim3A : f32 to vector<16xf32>
    %scan3A = arith.constant 0 : i32
    %scan3A_2 = arith.constant 0 : i32
    %scan3A_3 = arith.constant 64 : i32
    %scan3A_4 = arith.addi %scan3A_2, %scan3A_3 : i32
    %scan3A_5 = arith.constant 1 : i32
    %scan3A_6 = scf.for %scan3A_38 = %scan3A_2 to %scan3A_4 step %scan3A_5 iter_args(%scan3A_39 = %scan3A) -> (i32)  : i32 {
      %swap3A = arith.index_cast %scan3A_38 : i32 to index
      %swap3A_40 = arith.constant 0 : index
      %swap3A_41 = tpu.vector_load %arg9[%swap3A, %swap3A_40] {strides = array<i32>} : memref<64x128xf32, #tpu.memory_space<vmem>>, vector<1x16xf32>,
      %swap3A_42 = vector.shape_cast %swap3A_41 : vector<1x16xf32> to vector<16xf32>
      %swap3A_43 = vector.shape_cast %broadcast_in_dim3A_1 : vector<16xf32> to vector<1x16xf32>
      tpu.vector_store %arg9[%swap3A, %swap3A_40], %swap3A_43 {strides = array<i32>} : memref<64x128xf32, #tpu.memory_space<vmem>>, vector<1x16xf32>,
      %swap3A_44 = arith.index_cast %scan3A_38 : i32 to index
      %swap3A_45 = arith.constant 16 : index
      %swap3A_46 = tpu.vector_load %arg9[%swap3A_44, %swap3A_45] {strides = array<i32>} : memref<64x128xf32, #tpu.memory_space<vmem>>, vector<1x16xf32>,
      %swap3A_47 = vector.shape_cast %swap3A_46 : vector<1x16xf32> to vector<16xf32>
      %swap3A_48 = vector.shape_cast %broadcast_in_dim3A_1 : vector<16xf32> to vector<1x16xf32>
      tpu.vector_store %arg9[%swap3A_44, %swap3A_45], %swap3A_48 {strides = array<i32>} : memref<64x128xf32, #tpu.memory_space<vmem>>, vector<1x16xf32>,
      %swap3A_49 = arith.index_cast %scan3A_38 : i32 to index
      %swap3A_50 = arith.constant 32 : index
      %swap3A_51 = tpu.vector_load %arg9[%swap3A_49, %swap3A_50] {strides = array<i32>} : memref<64x128xf32, #tpu.memory_space<vmem>>, vector<1x16xf32>,
      %swap3A_52 = vector.shape_cast %swap3A_51 : vector<1x16xf32> to vector<16xf32>
      %swap3A_53 = vector.shape_cast %broadcast_in_dim3A_1 : vector<16xf32> to vector<1x16xf32>
      tpu.vector_store %arg9[%swap3A_49, %swap3A_50], %swap3A_53 {strides = array<i32>} : memref<64x128xf32, #tpu.memory_space<vmem>>, vector<1x16xf32>,
      %swap3A_54 = arith.index_cast %scan3A_38 : i32 to index
      %swap3A_55 = arith.constant 48 : index
      %swap3A_56 = tpu.vector_load %arg9[%swap3A_54, %swap3A_55] {strides = array<i32>} : memref<64x128xf32, #tpu.memory_space<vmem>>, vector<1x16xf32>,
      %swap3A_57 = vector.shape_cast %swap3A_56 : vector<1x16xf32> to vector<16xf32>
      %swap3A_58 = vector.shape_cast %broadcast_in_dim3A_1 : vector<16xf32> to vector<1x16xf32>
      tpu.vector_store %arg9[%swap3A_54, %swap3A_55], %swap3A_58 {strides = array<i32>} : memref<64x128xf32, #tpu.memory_space<vmem>>, vector<1x16xf32>,
      %swap3A_59 = arith.index_cast %scan3A_38 : i32 to index
      %swap3A_60 = arith.constant 64 : index
      %swap3A_61 = tpu.vector_load %arg9[%swap3A_59, %swap3A_60] {strides = array<i32>} : memref<64x128xf32, #tpu.memory_space<vmem>>, vector<1x16xf32>,
      %swap3A_62 = vector.shape_cast %swap3A_61 : vector<1x16xf32> to vector<16xf32>
      %swap3A_63 = vector.shape_cast %broadcast_in_dim3A_1 : vector<16xf32> to vector<1x16xf32>
      tpu.vector_store %arg9[%swap3A_59, %swap3A_60], %swap3A_63 {strides = array<i32>} : memref<64x128xf32, #tpu.memory_space<vmem>>, vector<1x16xf32>,
      %swap3A_64 = arith.index_cast %scan3A_38 : i32 to index
      %swap3A_65 = arith.constant 80 : index
      %swap3A_66 = tpu.vector_load %arg9[%swap3A_64, %swap3A_65] {strides = array<i32>} : memref<64x128xf32, #tpu.memory_space<vmem>>, vector<1x16xf32>,
      %swap3A_67 = vector.shape_cast %swap3A_66 : vector<1x16xf32> to vector<16xf32>
      %swap3A_68 = vector.shape_cast %broadcast_in_dim3A_1 : vector<16xf32> to vector<1x16xf32>
      tpu.vector_store %arg9[%swap3A_64, %swap3A_65], %swap3A_68 {strides = array<i32>} : memref<64x128xf32, #tpu.memory_space<vmem>>, vector<1x16xf32>,
      %swap3A_69 = arith.index_cast %scan3A_38 : i32 to index
      %swap3A_70 = arith.constant 96 : index
      %swap3A_71 = tpu.vector_load %arg9[%swap3A_69, %swap3A_70] {strides = array<i32>} : memref<64x128xf32, #tpu.memory_space<vmem>>, vector<1x16xf32>,
      %swap3A_72 = vector.shape_cast %swap3A_71 : vector<1x16xf32> to vector<16xf32>
      %swap3A_73 = vector.shape_cast %broadcast_in_dim3A_1 : vector<16xf32> to vector<1x16xf32>
      tpu.vector_store %arg9[%swap3A_69, %swap3A_70], %swap3A_73 {strides = array<i32>} : memref<64x128xf32, #tpu.memory_space<vmem>>, vector<1x16xf32>,
      %swap3A_74 = arith.index_cast %scan3A_38 : i32 to index
      %swap3A_75 = arith.constant 112 : index
      %swap3A_76 = tpu.vector_load %arg9[%swap3A_74, %swap3A_75] {strides = array<i32>} : memref<64x128xf32, #tpu.memory_space<vmem>>, vector<1x16xf32>,
      %swap3A_77 = vector.shape_cast %swap3A_76 : vector<1x16xf32> to vector<16xf32>
      %swap3A_78 = vector.shape_cast %broadcast_in_dim3A_1 : vector<16xf32> to vector<1x16xf32>
      tpu.vector_store %arg9[%swap3A_74, %swap3A_75], %swap3A_78 {strides = array<i32>} : memref<64x128xf32, #tpu.memory_space<vmem>>, vector<1x16xf32>,
      %scan3A_79 = arith.constant 0 : i32
      scf.yield %scan3A_79 : i32
    }
    %scan3A_7 = arith.constant 64 : i32
    %scan3A_8 = arith.constant 0 : i32
    %scan3A_9 = arith.constant 0 : i32
    %scan3A_10 = arith.constant 9 : i32
    %scan3A_11 = arith.addi %scan3A_9, %scan3A_10 : i32
    %scan3A_12 = arith.constant 1 : i32
    %scan3A_13 = scf.for %scan3A_38 = %scan3A_9 to %scan3A_11 step %scan3A_12 iter_args(%scan3A_39 = %scan3A_8) -> (i32)  : i32 {
      %mul3A_40 = arith.constant 632 : i32
      %mul3A_41 = arith.muli %arg1, %mul3A_40 : i32
      %mul3A_42 = arith.constant 64 : i32
      %mul3A_43 = arith.muli %scan3A_38, %mul3A_42 : i32
      %add3A_44 = arith.addi %mul3A_41, %mul3A_43 : i32
      %multiple_of3A_45 = tpu.assume_multiple %add3A_44, 8 : i32
      "tpu.region"() ({
        %run_scoped3A = tpu.sem_alloc : memref<!tpu.dma_semaphore, #tpu.memory_space<semaphore_mem>>
        %dma_start3A = arith.constant 0 : i32
        %dma_start3A_47 = tpu.memref_slice %arg10[%multiple_of3A_45, %dma_start3A] : memref<10112x128xf32, #tpu.memory_space<vmem_shared>> -> memref<64x128xf32, #tpu.memory_space<vmem_shared>>
        %dma_start3A_48 = arith.constant 0 : i32
        %dma_start3A_49 = tpu.memref_slice %arg10[%multiple_of3A_45, %dma_start3A_48] : memref<10112x128xf32, #tpu.memory_space<vmem_shared>> -> memref<64x128xf32, #tpu.memory_space<vmem_shared>>
        tpu.enqueue_dma source(%arg9 : memref<64x128xf32, #tpu.memory_space<vmem>>) target(%dma_start3A_49 : memref<64x128xf32, #tpu.memory_space<vmem_shared>>) target_semaphore(%run_scoped3A : memref<!tpu.dma_semaphore, #tpu.memory_space<semaphore_mem>>)
        %dma_wait3A = arith.constant 0 : i32
        %dma_wait3A_50 = tpu.memref_slice %arg10[%multiple_of3A_45, %dma_wait3A] : memref<10112x128xf32, #tpu.memory_space<vmem_shared>> -> memref<64x128xf32, #tpu.memory_space<vmem_shared>>
        %dma_wait3A_51 = arith.constant 0 : i32
        %dma_wait3A_52 = tpu.memref_slice %arg10[%multiple_of3A_45, %dma_wait3A_51] : memref<10112x128xf32, #tpu.memory_space<vmem_shared>> -> memref<64x128xf32, #tpu.memory_space<vmem_shared>>
        tpu.wait_dma2 semaphore(%run_scoped3A : memref<!tpu.dma_semaphore, #tpu.memory_space<semaphore_mem>>) src(%arg9 : memref<64x128xf32, #tpu.memory_space<vmem>>) dst(%dma_wait3A_52 : memref<64x128xf32, #tpu.memory_space<vmem_shared>>)
        tpu.yield
      }) : () -> ()
      %scan3A_46 = arith.constant 0 : i32
      scf.yield %scan3A_46 : i32
    }
    %scan3A_14 = arith.constant 9 : i32
    %mul3A_15 = arith.constant 632 : i32
    %mul3A_16 = arith.muli %arg1, %mul3A_15 : i32
    %add3A_17 = arith.constant 576 : i32
    %add3A_18 = arith.addi %mul3A_16, %add3A_17 : i32
    %multiple_of3A = tpu.assume_multiple %add3A_18, 8 : i32
    "tpu.region"() ({
      %run_scoped3A = tpu.sem_alloc : memref<!tpu.dma_semaphore, #tpu.memory_space<semaphore_mem>>
      %dma_start3A = arith.constant 0 : i32
      %dma_start3A_38 = arith.constant 0 : i32
      %dma_start3A_39 = tpu.memref_slice %arg9[%dma_start3A, %dma_start3A_38] : memref<64x128xf32, #tpu.memory_space<vmem>> -> memref<56x128xf32, #tpu.memory_space<vmem>>
      %dma_start3A_40 = arith.constant 0 : i32
      %dma_start3A_41 = tpu.memref_slice %arg10[%multiple_of3A, %dma_start3A_40] : memref<10112x128xf32, #tpu.memory_space<vmem_shared>> -> memref<56x128xf32, #tpu.memory_space<vmem_shared>>
      %dma_start3A_42 = arith.constant 0 : i32
      %dma_start3A_43 = tpu.memref_slice %arg10[%multiple_of3A, %dma_start3A_42] : memref<10112x128xf32, #tpu.memory_space<vmem_shared>> -> memref<56x128xf32, #tpu.memory_space<vmem_shared>>
      %dma_start3A_44 = arith.constant 0 : i32
      %dma_start3A_45 = arith.constant 0 : i32
      %dma_start3A_46 = tpu.memref_slice %arg9[%dma_start3A_44, %dma_start3A_45] : memref<64x128xf32, #tpu.memory_space<vmem>> -> memref<56x128xf32, #tpu.memory_space<vmem>>
      tpu.enqueue_dma source(%dma_start3A_46 : memref<56x128xf32, #tpu.memory_space<vmem>>) target(%dma_start3A_43 : memref<56x128xf32, #tpu.memory_space<vmem_shared>>) target_semaphore(%run_scoped3A : memref<!tpu.dma_semaphore, #tpu.memory_space<semaphore_mem>>)
      %dma_wait3A = arith.constant 0 : i32
      %dma_wait3A_47 = arith.constant 0 : i32
      %dma_wait3A_48 = tpu.memref_slice %arg9[%dma_wait3A, %dma_wait3A_47] : memref<64x128xf32, #tpu.memory_space<vmem>> -> memref<56x128xf32, #tpu.memory_space<vmem>>
      %dma_wait3A_49 = arith.constant 0 : i32
      %dma_wait3A_50 = tpu.memref_slice %arg10[%multiple_of3A, %dma_wait3A_49] : memref<10112x128xf32, #tpu.memory_space<vmem_shared>> -> memref<56x128xf32, #tpu.memory_space<vmem_shared>>
      %dma_wait3A_51 = arith.constant 0 : i32
      %dma_wait3A_52 = tpu.memref_slice %arg10[%multiple_of3A, %dma_wait3A_51] : memref<10112x128xf32, #tpu.memory_space<vmem_shared>> -> memref<56x128xf32, #tpu.memory_space<vmem_shared>>
      %dma_wait3A_53 = arith.constant 0 : i32
      %dma_wait3A_54 = arith.constant 0 : i32
      %dma_wait3A_55 = tpu.memref_slice %arg9[%dma_wait3A_53, %dma_wait3A_54] : memref<64x128xf32, #tpu.memory_space<vmem>> -> memref<56x128xf32, #tpu.memory_space<vmem>>
      tpu.wait_dma2 semaphore(%run_scoped3A : memref<!tpu.dma_semaphore, #tpu.memory_space<semaphore_mem>>) src(%dma_wait3A_55 : memref<56x128xf32, #tpu.memory_space<vmem>>) dst(%dma_wait3A_52 : memref<56x128xf32, #tpu.memory_space<vmem_shared>>)
      tpu.yield
    }) : () -> ()
    %barrier3A = arith.constant 0 : index
    tpu.barrier barrier_id(%barrier3A)
    %mul3A_19 = arith.constant 9600 : i32
    %mul3A_20 = arith.muli %add3A, %mul3A_19 : i32
    %scan3A_21 = arith.constant 0 : i32
    %scan3A_22 = arith.constant 0 : i32
    %scan3A_23 = arith.constant 75 : i32
    %scan3A_24 = arith.addi %scan3A_22, %scan3A_23 : i32
    %scan3A_25 = arith.constant 1 : i32
    %scan3A_26 = scf.for %scan3A_38 = %scan3A_22 to %scan3A_24 step %scan3A_25 iter_args(%scan3A_39 = %scan3A_21) -> (i32)  : i32 {
      %mul3A_40 = arith.constant 128 : i32
      %mul3A_41 = arith.muli %scan3A_38, %mul3A_40 : i32
      %add3A_42 = arith.addi %mul3A_20, %mul3A_41 : i32
      %multiple_of3A_43 = tpu.assume_multiple %add3A_42, 8 : i32
      "tpu.region"() ({
        %run_scoped3A = tpu.sem_alloc : memref<!tpu.dma_semaphore, #tpu.memory_space<semaphore_mem>>
        %dma_start3A_56 = tpu.memref_slice %arg3[%multiple_of3A_43] : memref<307200xi32, #tpu.memory_space<hbm>> -> memref<128xi32, #tpu.memory_space<hbm>>
        %dma_start3A_57 = tpu.memref_slice %arg3[%multiple_of3A_43] : memref<307200xi32, #tpu.memory_space<hbm>> -> memref<128xi32, #tpu.memory_space<hbm>>
        tpu.enqueue_dma source(%dma_start3A_57 : memref<128xi32, #tpu.memory_space<hbm>>) target(%arg6 : memref<128xi32, #tpu.memory_space<vmem>>) target_semaphore(%run_scoped3A : memref<!tpu.dma_semaphore, #tpu.memory_space<semaphore_mem>>)
        %dma_wait3A_58 = tpu.memref_slice %arg3[%multiple_of3A_43] : memref<307200xi32, #tpu.memory_space<hbm>> -> memref<128xi32, #tpu.memory_space<hbm>>
        %dma_wait3A_59 = tpu.memref_slice %arg3[%multiple_of3A_43] : memref<307200xi32, #tpu.memory_space<hbm>> -> memref<128xi32, #tpu.memory_space<hbm>>
        tpu.wait_dma2 semaphore(%run_scoped3A : memref<!tpu.dma_semaphore, #tpu.memory_space<semaphore_mem>>) src(%dma_wait3A_59 : memref<128xi32, #tpu.memory_space<hbm>>) dst(%arg6 : memref<128xi32, #tpu.memory_space<vmem>>)
        tpu.yield
      }) : () -> ()
      "tpu.region"() ({
        %run_scoped3A = tpu.sem_alloc : memref<!tpu.dma_semaphore, #tpu.memory_space<semaphore_mem>>
        %dma_start3A_56 = tpu.memref_slice %arg4[%multiple_of3A_43] : memref<307200xi32, #tpu.memory_space<hbm>> -> memref<128xi32, #tpu.memory_space<hbm>>
        %dma_start3A_57 = tpu.memref_slice %arg4[%multiple_of3A_43] : memref<307200xi32, #tpu.memory_space<hbm>> -> memref<128xi32, #tpu.memory_space<hbm>>
        tpu.enqueue_dma source(%dma_start3A_57 : memref<128xi32, #tpu.memory_space<hbm>>) target(%arg7 : memref<128xi32, #tpu.memory_space<vmem>>) target_semaphore(%run_scoped3A : memref<!tpu.dma_semaphore, #tpu.memory_space<semaphore_mem>>)
        %dma_wait3A_58 = tpu.memref_slice %arg4[%multiple_of3A_43] : memref<307200xi32, #tpu.memory_space<hbm>> -> memref<128xi32, #tpu.memory_space<hbm>>
        %dma_wait3A_59 = tpu.memref_slice %arg4[%multiple_of3A_43] : memref<307200xi32, #tpu.memory_space<hbm>> -> memref<128xi32, #tpu.memory_space<hbm>>
        tpu.wait_dma2 semaphore(%run_scoped3A : memref<!tpu.dma_semaphore, #tpu.memory_space<semaphore_mem>>) src(%dma_wait3A_59 : memref<128xi32, #tpu.memory_space<hbm>>) dst(%arg7 : memref<128xi32, #tpu.memory_space<vmem>>)
        tpu.yield
      }) : () -> ()
      %scan3A_44 = arith.constant 0 : i32
      %scan3A_45 = arith.constant 0 : i32
      %scan3A_46 = arith.constant 8 : i32
      %scan3A_47 = arith.addi %scan3A_45, %scan3A_46 : i32
      %scan3A_48 = arith.constant 1 : i32
      %scan3A_49 = scf.for %scan3A_56 = %scan3A_45 to %scan3A_47 step %scan3A_48 iter_args(%scan3A_57 = %scan3A_44) -> (i32)  : i32 {
        %mul3A_58 = arith.constant 16 : i32
        %mul3A_59 = arith.muli %scan3A_56, %mul3A_58 : i32
        %get3A = arith.index_cast %mul3A_59 : i32 to index
        %get3A_60 = tpu.vector_load %arg7[%get3A] {strides = array<i32>} : memref<128xi32, #tpu.memory_space<vmem>>, vector<16xi32>,
        %get3A_61 = vector.shape_cast %get3A_60 : vector<16xi32> to vector<16xi32>
        %min3A = arith.constant 10000 : i32
        %min3A_62 = vector.broadcast %min3A : i32 to vector<16xi32>
        %min3A_63 = arith.minsi %get3A_61, %min3A_62 : vector<16xi32>
        %mul3A_64 = arith.constant 16 : i32
        %mul3A_65 = arith.muli %scan3A_56, %mul3A_64 : i32
        %swap3A = arith.index_cast %mul3A_65 : i32 to index
        %swap3A_66 = tpu.vector_load %arg7[%swap3A] {strides = array<i32>} : memref<128xi32, #tpu.memory_space<vmem>>, vector<16xi32>,
        %swap3A_67 = vector.shape_cast %swap3A_66 : vector<16xi32> to vector<16xi32>
        %swap3A_68 = vector.shape_cast %min3A_63 : vector<16xi32> to vector<16xi32>
        tpu.vector_store %arg7[%swap3A], %swap3A_68 {strides = array<i32>} : memref<128xi32, #tpu.memory_space<vmem>>, vector<16xi32>,
        %scan3A_69 = arith.constant 0 : i32
        scf.yield %scan3A_69 : i32
      }
      %scan3A_50 = arith.constant 8 : i32
      %dma_start3A = arith.constant 0 : i32
      %dma_start3A_51 = arith.constant 0 : i32
      %dma_start3A_52 = tpu.memref_slice %arg2[%dma_start3A, %dma_start3A_51] : memref<50176x128xf32, #tpu.memory_space<hbm>> -> memref<50176x128xf32, #tpu.memory_space<hbm>>
      tpu.enqueue_indirect_dma source(%dma_start3A_52 : memref<50176x128xf32, #tpu.memory_space<hbm>>) target(%arg8 : memref<128x128xf32, #tpu.memory_space<vmem>>) offsets(%arg6 : memref<128xi32, #tpu.memory_space<vmem>>) semaphore(%arg11 : memref<!tpu.dma_semaphore, #tpu.memory_space<semaphore_mem>>)
      %dma_wait3A = arith.constant 0 : i32
      %dma_wait3A_53 = arith.constant 0 : i32
      %dma_wait3A_54 = tpu.memref_slice %arg2[%dma_wait3A, %dma_wait3A_53] : memref<50176x128xf32, #tpu.memory_space<hbm>> -> memref<50176x128xf32, #tpu.memory_space<hbm>>
      tpu.wait_indirect_dma semaphore(%arg11 : memref<!tpu.dma_semaphore, #tpu.memory_space<semaphore_mem>>) src(%dma_wait3A_54 : memref<50176x128xf32, #tpu.memory_space<hbm>>) dst(%arg8 : memref<128x128xf32, #tpu.memory_space<vmem>>)
      "tpu.region"() ({
        %run_scoped3A = tpu.sem_alloc : memref<!tpu.dma_semaphore, #tpu.memory_space<semaphore_mem>>
        %dma_start3A_56 = arith.constant 0 : i32
        %dma_start3A_57 = arith.constant 0 : i32
        %dma_start3A_58 = tpu.memref_slice %arg10[%dma_start3A_56, %dma_start3A_57] : memref<10112x128xf32, #tpu.memory_space<vmem_shared>> -> memref<10112x128xf32, #tpu.memory_space<vmem_shared>>
        tpu.enqueue_indirect_dma source(%arg8 : memref<128x128xf32, #tpu.memory_space<vmem>>) target(%dma_start3A_58 : memref<10112x128xf32, #tpu.memory_space<vmem_shared>>) offsets(%arg7 : memref<128xi32, #tpu.memory_space<vmem>>) semaphore(%run_scoped3A : memref<!tpu.dma_semaphore, #tpu.memory_space<semaphore_mem>>) {add = true}
        %dma_wait3A_59 = arith.constant 0 : i32
        %dma_wait3A_60 = arith.constant 0 : i32
        %dma_wait3A_61 = tpu.memref_slice %arg10[%dma_wait3A_59, %dma_wait3A_60] : memref<10112x128xf32, #tpu.memory_space<vmem_shared>> -> memref<10112x128xf32, #tpu.memory_space<vmem_shared>>
        tpu.wait_indirect_dma semaphore(%run_scoped3A : memref<!tpu.dma_semaphore, #tpu.memory_space<semaphore_mem>>) src(%arg8 : memref<128x128xf32, #tpu.memory_space<vmem>>) dst(%dma_wait3A_61 : memref<10112x128xf32, #tpu.memory_space<vmem_shared>>)
        tpu.yield
      }) : () -> ()
      %scan3A_55 = arith.constant 0 : i32
      scf.yield %scan3A_55 : i32
    }
    %scan3A_27 = arith.constant 75 : i32
    %barrier3A_28 = arith.constant 0 : index
    tpu.barrier barrier_id(%barrier3A_28)
    %mul3A_29 = arith.constant 10112 : i32
    %mul3A_30 = arith.muli %arg0, %mul3A_29 : i32
    %mul3A_31 = arith.constant 632 : i32
    %mul3A_32 = arith.muli %arg1, %mul3A_31 : i32
    %add3A_33 = arith.addi %mul3A_30, %mul3A_32 : i32
    %multiple_of3A_34 = tpu.assume_multiple %add3A_33, 8 : i32
    %mul3A_35 = arith.constant 632 : i32
    %mul3A_36 = arith.muli %arg1, %mul3A_35 : i32
    %multiple_of3A_37 = tpu.assume_multiple %mul3A_36, 8 : i32
    "tpu.region"() ({
      %run_scoped3A = tpu.sem_alloc : memref<!tpu.dma_semaphore, #tpu.memory_space<semaphore_mem>>
      %dma_start3A = arith.constant 0 : i32
      %dma_start3A_38 = tpu.memref_slice %arg5[%multiple_of3A_34, %dma_start3A] : memref<20224x128xf32, #tpu.memory_space<hbm>> -> memref<632x128xf32, #tpu.memory_space<hbm>>
      %dma_start3A_39 = arith.constant 0 : i32
      %dma_start3A_40 = tpu.memref_slice %arg10[%multiple_of3A_37, %dma_start3A_39] : memref<10112x128xf32, #tpu.memory_space<vmem_shared>> -> memref<632x128xf32, #tpu.memory_space<vmem_shared>>
      tpu.enqueue_dma source(%dma_start3A_40 : memref<632x128xf32, #tpu.memory_space<vmem_shared>>) target(%dma_start3A_38 : memref<632x128xf32, #tpu.memory_space<hbm>>) target_semaphore(%run_scoped3A : memref<!tpu.dma_semaphore, #tpu.memory_space<semaphore_mem>>)
      %dma_wait3A = arith.constant 0 : i32
      %dma_wait3A_41 = tpu.memref_slice %arg5[%multiple_of3A_34, %dma_wait3A] : memref<20224x128xf32, #tpu.memory_space<hbm>> -> memref<632x128xf32, #tpu.memory_space<hbm>>
      %dma_wait3A_42 = arith.constant 0 : i32
      %dma_wait3A_43 = tpu.memref_slice %arg10[%multiple_of3A_37, %dma_wait3A_42] : memref<10112x128xf32, #tpu.memory_space<vmem_shared>> -> memref<632x128xf32, #tpu.memory_space<vmem_shared>>
      tpu.wait_dma2 semaphore(%run_scoped3A : memref<!tpu.dma_semaphore, #tpu.memory_space<semaphore_mem>>) src(%dma_wait3A_43 : memref<632x128xf32, #tpu.memory_space<vmem_shared>>) dst(%dma_wait3A_41 : memref<632x128xf32, #tpu.memory_space<hbm>>)
      tpu.yield
    }) : () -> ()
    return
  }
}

#map = affine_map<(d0, d1) -> (0, 0)>
#map1 = affine_map<(d0, d1) -> (0)>
module attributes {stable_mosaic.version = 14 : i64} {
  func.func @seg(%arg0: i32, %arg1: i32, %arg2: memref<10112x128xf32, #tpu.memory_space<hbm>>, %arg3: memref<102400xi32, #tpu.memory_space<hbm>>, %arg4: memref<102400xi32, #tpu.memory_space<hbm>>, %arg5: memref<20224x128xf32, #tpu.memory_space<hbm>>, %arg6: memref<128xi32, #tpu.memory_space<vmem>>, %arg7: memref<128xi32, #tpu.memory_space<vmem>>, %arg8: memref<128x128xf32, #tpu.memory_space<vmem>>, %arg9: memref<64x128xf32, #tpu.memory_space<vmem>>, %arg10: memref<10112x128xf32, #tpu.memory_space<vmem_shared>>, %arg11: memref<!tpu.dma_semaphore, #tpu.memory_space<semaphore_mem>>) attributes {dimension_semantics = [#tpu.dimension_semantics<core_parallel>, #tpu.dimension_semantics<subcore_parallel>], iteration_bounds = array<i64: 2, 16>, scalar_prefetch = 0 : i64, scratch_operands = 6 : i64, tpu.core_type = #tpu.core_type<sc_vector_subcore>, window_params = [{transform_indices = #map}, {transform_indices = #map1}, {transform_indices = #map1}, {transform_indices = #map}]} {
    %mul3A = arith.constant 2 : i32
    %mul3A_0 = arith.muli %arg1, %mul3A : i32
    %add3A = arith.addi %mul3A_0, %arg0 : i32
    %broadcast_in_dim3A = arith.constant 0.000000e+00 : f32
    %broadcast_in_dim3A_1 = vector.broadcast %broadcast_in_dim3A : f32 to vector<16xf32>
    %scan3A = arith.constant 0 : i32
    %scan3A_2 = arith.constant 0 : i32
    %scan3A_3 = arith.constant 64 : i32
    %scan3A_4 = arith.addi %scan3A_2, %scan3A_3 : i32
    %scan3A_5 = arith.constant 1 : i32
    %scan3A_6 = scf.for %scan3A_38 = %scan3A_2 to %scan3A_4 step %scan3A_5 iter_args(%scan3A_39 = %scan3A) -> (i32)  : i32 {
      %swap3A = arith.index_cast %scan3A_38 : i32 to index
      %swap3A_40 = arith.constant 0 : index
      %swap3A_41 = tpu.vector_load %arg9[%swap3A, %swap3A_40] {strides = array<i32>} : memref<64x128xf32, #tpu.memory_space<vmem>>, vector<1x16xf32>,
      %swap3A_42 = vector.shape_cast %swap3A_41 : vector<1x16xf32> to vector<16xf32>
      %swap3A_43 = vector.shape_cast %broadcast_in_dim3A_1 : vector<16xf32> to vector<1x16xf32>
      tpu.vector_store %arg9[%swap3A, %swap3A_40], %swap3A_43 {strides = array<i32>} : memref<64x128xf32, #tpu.memory_space<vmem>>, vector<1x16xf32>,
      %swap3A_44 = arith.index_cast %scan3A_38 : i32 to index
      %swap3A_45 = arith.constant 16 : index
      %swap3A_46 = tpu.vector_load %arg9[%swap3A_44, %swap3A_45] {strides = array<i32>} : memref<64x128xf32, #tpu.memory_space<vmem>>, vector<1x16xf32>,
      %swap3A_47 = vector.shape_cast %swap3A_46 : vector<1x16xf32> to vector<16xf32>
      %swap3A_48 = vector.shape_cast %broadcast_in_dim3A_1 : vector<16xf32> to vector<1x16xf32>
      tpu.vector_store %arg9[%swap3A_44, %swap3A_45], %swap3A_48 {strides = array<i32>} : memref<64x128xf32, #tpu.memory_space<vmem>>, vector<1x16xf32>,
      %swap3A_49 = arith.index_cast %scan3A_38 : i32 to index
      %swap3A_50 = arith.constant 32 : index
      %swap3A_51 = tpu.vector_load %arg9[%swap3A_49, %swap3A_50] {strides = array<i32>} : memref<64x128xf32, #tpu.memory_space<vmem>>, vector<1x16xf32>,
      %swap3A_52 = vector.shape_cast %swap3A_51 : vector<1x16xf32> to vector<16xf32>
      %swap3A_53 = vector.shape_cast %broadcast_in_dim3A_1 : vector<16xf32> to vector<1x16xf32>
      tpu.vector_store %arg9[%swap3A_49, %swap3A_50], %swap3A_53 {strides = array<i32>} : memref<64x128xf32, #tpu.memory_space<vmem>>, vector<1x16xf32>,
      %swap3A_54 = arith.index_cast %scan3A_38 : i32 to index
      %swap3A_55 = arith.constant 48 : index
      %swap3A_56 = tpu.vector_load %arg9[%swap3A_54, %swap3A_55] {strides = array<i32>} : memref<64x128xf32, #tpu.memory_space<vmem>>, vector<1x16xf32>,
      %swap3A_57 = vector.shape_cast %swap3A_56 : vector<1x16xf32> to vector<16xf32>
      %swap3A_58 = vector.shape_cast %broadcast_in_dim3A_1 : vector<16xf32> to vector<1x16xf32>
      tpu.vector_store %arg9[%swap3A_54, %swap3A_55], %swap3A_58 {strides = array<i32>} : memref<64x128xf32, #tpu.memory_space<vmem>>, vector<1x16xf32>,
      %swap3A_59 = arith.index_cast %scan3A_38 : i32 to index
      %swap3A_60 = arith.constant 64 : index
      %swap3A_61 = tpu.vector_load %arg9[%swap3A_59, %swap3A_60] {strides = array<i32>} : memref<64x128xf32, #tpu.memory_space<vmem>>, vector<1x16xf32>,
      %swap3A_62 = vector.shape_cast %swap3A_61 : vector<1x16xf32> to vector<16xf32>
      %swap3A_63 = vector.shape_cast %broadcast_in_dim3A_1 : vector<16xf32> to vector<1x16xf32>
      tpu.vector_store %arg9[%swap3A_59, %swap3A_60], %swap3A_63 {strides = array<i32>} : memref<64x128xf32, #tpu.memory_space<vmem>>, vector<1x16xf32>,
      %swap3A_64 = arith.index_cast %scan3A_38 : i32 to index
      %swap3A_65 = arith.constant 80 : index
      %swap3A_66 = tpu.vector_load %arg9[%swap3A_64, %swap3A_65] {strides = array<i32>} : memref<64x128xf32, #tpu.memory_space<vmem>>, vector<1x16xf32>,
      %swap3A_67 = vector.shape_cast %swap3A_66 : vector<1x16xf32> to vector<16xf32>
      %swap3A_68 = vector.shape_cast %broadcast_in_dim3A_1 : vector<16xf32> to vector<1x16xf32>
      tpu.vector_store %arg9[%swap3A_64, %swap3A_65], %swap3A_68 {strides = array<i32>} : memref<64x128xf32, #tpu.memory_space<vmem>>, vector<1x16xf32>,
      %swap3A_69 = arith.index_cast %scan3A_38 : i32 to index
      %swap3A_70 = arith.constant 96 : index
      %swap3A_71 = tpu.vector_load %arg9[%swap3A_69, %swap3A_70] {strides = array<i32>} : memref<64x128xf32, #tpu.memory_space<vmem>>, vector<1x16xf32>,
      %swap3A_72 = vector.shape_cast %swap3A_71 : vector<1x16xf32> to vector<16xf32>
      %swap3A_73 = vector.shape_cast %broadcast_in_dim3A_1 : vector<16xf32> to vector<1x16xf32>
      tpu.vector_store %arg9[%swap3A_69, %swap3A_70], %swap3A_73 {strides = array<i32>} : memref<64x128xf32, #tpu.memory_space<vmem>>, vector<1x16xf32>,
      %swap3A_74 = arith.index_cast %scan3A_38 : i32 to index
      %swap3A_75 = arith.constant 112 : index
      %swap3A_76 = tpu.vector_load %arg9[%swap3A_74, %swap3A_75] {strides = array<i32>} : memref<64x128xf32, #tpu.memory_space<vmem>>, vector<1x16xf32>,
      %swap3A_77 = vector.shape_cast %swap3A_76 : vector<1x16xf32> to vector<16xf32>
      %swap3A_78 = vector.shape_cast %broadcast_in_dim3A_1 : vector<16xf32> to vector<1x16xf32>
      tpu.vector_store %arg9[%swap3A_74, %swap3A_75], %swap3A_78 {strides = array<i32>} : memref<64x128xf32, #tpu.memory_space<vmem>>, vector<1x16xf32>,
      %scan3A_79 = arith.constant 0 : i32
      scf.yield %scan3A_79 : i32
    }
    %scan3A_7 = arith.constant 64 : i32
    %scan3A_8 = arith.constant 0 : i32
    %scan3A_9 = arith.constant 0 : i32
    %scan3A_10 = arith.constant 9 : i32
    %scan3A_11 = arith.addi %scan3A_9, %scan3A_10 : i32
    %scan3A_12 = arith.constant 1 : i32
    %scan3A_13 = scf.for %scan3A_38 = %scan3A_9 to %scan3A_11 step %scan3A_12 iter_args(%scan3A_39 = %scan3A_8) -> (i32)  : i32 {
      %mul3A_40 = arith.constant 632 : i32
      %mul3A_41 = arith.muli %arg1, %mul3A_40 : i32
      %mul3A_42 = arith.constant 64 : i32
      %mul3A_43 = arith.muli %scan3A_38, %mul3A_42 : i32
      %add3A_44 = arith.addi %mul3A_41, %mul3A_43 : i32
      %multiple_of3A_45 = tpu.assume_multiple %add3A_44, 8 : i32
      "tpu.region"() ({
        %run_scoped3A = tpu.sem_alloc : memref<!tpu.dma_semaphore, #tpu.memory_space<semaphore_mem>>
        %dma_start3A = arith.constant 0 : i32
        %dma_start3A_47 = tpu.memref_slice %arg10[%multiple_of3A_45, %dma_start3A] : memref<10112x128xf32, #tpu.memory_space<vmem_shared>> -> memref<64x128xf32, #tpu.memory_space<vmem_shared>>
        %dma_start3A_48 = arith.constant 0 : i32
        %dma_start3A_49 = tpu.memref_slice %arg10[%multiple_of3A_45, %dma_start3A_48] : memref<10112x128xf32, #tpu.memory_space<vmem_shared>> -> memref<64x128xf32, #tpu.memory_space<vmem_shared>>
        tpu.enqueue_dma source(%arg9 : memref<64x128xf32, #tpu.memory_space<vmem>>) target(%dma_start3A_49 : memref<64x128xf32, #tpu.memory_space<vmem_shared>>) target_semaphore(%run_scoped3A : memref<!tpu.dma_semaphore, #tpu.memory_space<semaphore_mem>>)
        %dma_wait3A = arith.constant 0 : i32
        %dma_wait3A_50 = tpu.memref_slice %arg10[%multiple_of3A_45, %dma_wait3A] : memref<10112x128xf32, #tpu.memory_space<vmem_shared>> -> memref<64x128xf32, #tpu.memory_space<vmem_shared>>
        %dma_wait3A_51 = arith.constant 0 : i32
        %dma_wait3A_52 = tpu.memref_slice %arg10[%multiple_of3A_45, %dma_wait3A_51] : memref<10112x128xf32, #tpu.memory_space<vmem_shared>> -> memref<64x128xf32, #tpu.memory_space<vmem_shared>>
        tpu.wait_dma2 semaphore(%run_scoped3A : memref<!tpu.dma_semaphore, #tpu.memory_space<semaphore_mem>>) src(%arg9 : memref<64x128xf32, #tpu.memory_space<vmem>>) dst(%dma_wait3A_52 : memref<64x128xf32, #tpu.memory_space<vmem_shared>>)
        tpu.yield
      }) : () -> ()
      %scan3A_46 = arith.constant 0 : i32
      scf.yield %scan3A_46 : i32
    }
    %scan3A_14 = arith.constant 9 : i32
    %mul3A_15 = arith.constant 632 : i32
    %mul3A_16 = arith.muli %arg1, %mul3A_15 : i32
    %add3A_17 = arith.constant 576 : i32
    %add3A_18 = arith.addi %mul3A_16, %add3A_17 : i32
    %multiple_of3A = tpu.assume_multiple %add3A_18, 8 : i32
    "tpu.region"() ({
      %run_scoped3A = tpu.sem_alloc : memref<!tpu.dma_semaphore, #tpu.memory_space<semaphore_mem>>
      %dma_start3A = arith.constant 0 : i32
      %dma_start3A_38 = arith.constant 0 : i32
      %dma_start3A_39 = tpu.memref_slice %arg9[%dma_start3A, %dma_start3A_38] : memref<64x128xf32, #tpu.memory_space<vmem>> -> memref<56x128xf32, #tpu.memory_space<vmem>>
      %dma_start3A_40 = arith.constant 0 : i32
      %dma_start3A_41 = tpu.memref_slice %arg10[%multiple_of3A, %dma_start3A_40] : memref<10112x128xf32, #tpu.memory_space<vmem_shared>> -> memref<56x128xf32, #tpu.memory_space<vmem_shared>>
      %dma_start3A_42 = arith.constant 0 : i32
      %dma_start3A_43 = tpu.memref_slice %arg10[%multiple_of3A, %dma_start3A_42] : memref<10112x128xf32, #tpu.memory_space<vmem_shared>> -> memref<56x128xf32, #tpu.memory_space<vmem_shared>>
      %dma_start3A_44 = arith.constant 0 : i32
      %dma_start3A_45 = arith.constant 0 : i32
      %dma_start3A_46 = tpu.memref_slice %arg9[%dma_start3A_44, %dma_start3A_45] : memref<64x128xf32, #tpu.memory_space<vmem>> -> memref<56x128xf32, #tpu.memory_space<vmem>>
      tpu.enqueue_dma source(%dma_start3A_46 : memref<56x128xf32, #tpu.memory_space<vmem>>) target(%dma_start3A_43 : memref<56x128xf32, #tpu.memory_space<vmem_shared>>) target_semaphore(%run_scoped3A : memref<!tpu.dma_semaphore, #tpu.memory_space<semaphore_mem>>)
      %dma_wait3A = arith.constant 0 : i32
      %dma_wait3A_47 = arith.constant 0 : i32
      %dma_wait3A_48 = tpu.memref_slice %arg9[%dma_wait3A, %dma_wait3A_47] : memref<64x128xf32, #tpu.memory_space<vmem>> -> memref<56x128xf32, #tpu.memory_space<vmem>>
      %dma_wait3A_49 = arith.constant 0 : i32
      %dma_wait3A_50 = tpu.memref_slice %arg10[%multiple_of3A, %dma_wait3A_49] : memref<10112x128xf32, #tpu.memory_space<vmem_shared>> -> memref<56x128xf32, #tpu.memory_space<vmem_shared>>
      %dma_wait3A_51 = arith.constant 0 : i32
      %dma_wait3A_52 = tpu.memref_slice %arg10[%multiple_of3A, %dma_wait3A_51] : memref<10112x128xf32, #tpu.memory_space<vmem_shared>> -> memref<56x128xf32, #tpu.memory_space<vmem_shared>>
      %dma_wait3A_53 = arith.constant 0 : i32
      %dma_wait3A_54 = arith.constant 0 : i32
      %dma_wait3A_55 = tpu.memref_slice %arg9[%dma_wait3A_53, %dma_wait3A_54] : memref<64x128xf32, #tpu.memory_space<vmem>> -> memref<56x128xf32, #tpu.memory_space<vmem>>
      tpu.wait_dma2 semaphore(%run_scoped3A : memref<!tpu.dma_semaphore, #tpu.memory_space<semaphore_mem>>) src(%dma_wait3A_55 : memref<56x128xf32, #tpu.memory_space<vmem>>) dst(%dma_wait3A_52 : memref<56x128xf32, #tpu.memory_space<vmem_shared>>)
      tpu.yield
    }) : () -> ()
    %barrier3A = arith.constant 0 : index
    tpu.barrier barrier_id(%barrier3A)
    %mul3A_19 = arith.constant 3200 : i32
    %mul3A_20 = arith.muli %add3A, %mul3A_19 : i32
    %scan3A_21 = arith.constant 0 : i32
    %scan3A_22 = arith.constant 0 : i32
    %scan3A_23 = arith.constant 25 : i32
    %scan3A_24 = arith.addi %scan3A_22, %scan3A_23 : i32
    %scan3A_25 = arith.constant 1 : i32
    %scan3A_26 = scf.for %scan3A_38 = %scan3A_22 to %scan3A_24 step %scan3A_25 iter_args(%scan3A_39 = %scan3A_21) -> (i32)  : i32 {
      %mul3A_40 = arith.constant 128 : i32
      %mul3A_41 = arith.muli %scan3A_38, %mul3A_40 : i32
      %add3A_42 = arith.addi %mul3A_20, %mul3A_41 : i32
      %multiple_of3A_43 = tpu.assume_multiple %add3A_42, 8 : i32
      "tpu.region"() ({
        %run_scoped3A = tpu.sem_alloc : memref<!tpu.dma_semaphore, #tpu.memory_space<semaphore_mem>>
        %dma_start3A_56 = tpu.memref_slice %arg3[%multiple_of3A_43] : memref<102400xi32, #tpu.memory_space<hbm>> -> memref<128xi32, #tpu.memory_space<hbm>>
        %dma_start3A_57 = tpu.memref_slice %arg3[%multiple_of3A_43] : memref<102400xi32, #tpu.memory_space<hbm>> -> memref<128xi32, #tpu.memory_space<hbm>>
        tpu.enqueue_dma source(%dma_start3A_57 : memref<128xi32, #tpu.memory_space<hbm>>) target(%arg6 : memref<128xi32, #tpu.memory_space<vmem>>) target_semaphore(%run_scoped3A : memref<!tpu.dma_semaphore, #tpu.memory_space<semaphore_mem>>)
        %dma_wait3A_58 = tpu.memref_slice %arg3[%multiple_of3A_43] : memref<102400xi32, #tpu.memory_space<hbm>> -> memref<128xi32, #tpu.memory_space<hbm>>
        %dma_wait3A_59 = tpu.memref_slice %arg3[%multiple_of3A_43] : memref<102400xi32, #tpu.memory_space<hbm>> -> memref<128xi32, #tpu.memory_space<hbm>>
        tpu.wait_dma2 semaphore(%run_scoped3A : memref<!tpu.dma_semaphore, #tpu.memory_space<semaphore_mem>>) src(%dma_wait3A_59 : memref<128xi32, #tpu.memory_space<hbm>>) dst(%arg6 : memref<128xi32, #tpu.memory_space<vmem>>)
        tpu.yield
      }) : () -> ()
      "tpu.region"() ({
        %run_scoped3A = tpu.sem_alloc : memref<!tpu.dma_semaphore, #tpu.memory_space<semaphore_mem>>
        %dma_start3A_56 = tpu.memref_slice %arg4[%multiple_of3A_43] : memref<102400xi32, #tpu.memory_space<hbm>> -> memref<128xi32, #tpu.memory_space<hbm>>
        %dma_start3A_57 = tpu.memref_slice %arg4[%multiple_of3A_43] : memref<102400xi32, #tpu.memory_space<hbm>> -> memref<128xi32, #tpu.memory_space<hbm>>
        tpu.enqueue_dma source(%dma_start3A_57 : memref<128xi32, #tpu.memory_space<hbm>>) target(%arg7 : memref<128xi32, #tpu.memory_space<vmem>>) target_semaphore(%run_scoped3A : memref<!tpu.dma_semaphore, #tpu.memory_space<semaphore_mem>>)
        %dma_wait3A_58 = tpu.memref_slice %arg4[%multiple_of3A_43] : memref<102400xi32, #tpu.memory_space<hbm>> -> memref<128xi32, #tpu.memory_space<hbm>>
        %dma_wait3A_59 = tpu.memref_slice %arg4[%multiple_of3A_43] : memref<102400xi32, #tpu.memory_space<hbm>> -> memref<128xi32, #tpu.memory_space<hbm>>
        tpu.wait_dma2 semaphore(%run_scoped3A : memref<!tpu.dma_semaphore, #tpu.memory_space<semaphore_mem>>) src(%dma_wait3A_59 : memref<128xi32, #tpu.memory_space<hbm>>) dst(%arg7 : memref<128xi32, #tpu.memory_space<vmem>>)
        tpu.yield
      }) : () -> ()
      %scan3A_44 = arith.constant 0 : i32
      %scan3A_45 = arith.constant 0 : i32
      %scan3A_46 = arith.constant 8 : i32
      %scan3A_47 = arith.addi %scan3A_45, %scan3A_46 : i32
      %scan3A_48 = arith.constant 1 : i32
      %scan3A_49 = scf.for %scan3A_56 = %scan3A_45 to %scan3A_47 step %scan3A_48 iter_args(%scan3A_57 = %scan3A_44) -> (i32)  : i32 {
        %mul3A_58 = arith.constant 16 : i32
        %mul3A_59 = arith.muli %scan3A_56, %mul3A_58 : i32
        %get3A = arith.index_cast %mul3A_59 : i32 to index
        %get3A_60 = tpu.vector_load %arg7[%get3A] {strides = array<i32>} : memref<128xi32, #tpu.memory_space<vmem>>, vector<16xi32>,
        %get3A_61 = vector.shape_cast %get3A_60 : vector<16xi32> to vector<16xi32>
        %min3A = arith.constant 10000 : i32
        %min3A_62 = vector.broadcast %min3A : i32 to vector<16xi32>
        %min3A_63 = arith.minsi %get3A_61, %min3A_62 : vector<16xi32>
        %mul3A_64 = arith.constant 16 : i32
        %mul3A_65 = arith.muli %scan3A_56, %mul3A_64 : i32
        %swap3A = arith.index_cast %mul3A_65 : i32 to index
        %swap3A_66 = tpu.vector_load %arg7[%swap3A] {strides = array<i32>} : memref<128xi32, #tpu.memory_space<vmem>>, vector<16xi32>,
        %swap3A_67 = vector.shape_cast %swap3A_66 : vector<16xi32> to vector<16xi32>
        %swap3A_68 = vector.shape_cast %min3A_63 : vector<16xi32> to vector<16xi32>
        tpu.vector_store %arg7[%swap3A], %swap3A_68 {strides = array<i32>} : memref<128xi32, #tpu.memory_space<vmem>>, vector<16xi32>,
        %scan3A_69 = arith.constant 0 : i32
        scf.yield %scan3A_69 : i32
      }
      %scan3A_50 = arith.constant 8 : i32
      %dma_start3A = arith.constant 0 : i32
      %dma_start3A_51 = arith.constant 0 : i32
      %dma_start3A_52 = tpu.memref_slice %arg2[%dma_start3A, %dma_start3A_51] : memref<10112x128xf32, #tpu.memory_space<hbm>> -> memref<10112x128xf32, #tpu.memory_space<hbm>>
      tpu.enqueue_indirect_dma source(%dma_start3A_52 : memref<10112x128xf32, #tpu.memory_space<hbm>>) target(%arg8 : memref<128x128xf32, #tpu.memory_space<vmem>>) offsets(%arg6 : memref<128xi32, #tpu.memory_space<vmem>>) semaphore(%arg11 : memref<!tpu.dma_semaphore, #tpu.memory_space<semaphore_mem>>)
      %dma_wait3A = arith.constant 0 : i32
      %dma_wait3A_53 = arith.constant 0 : i32
      %dma_wait3A_54 = tpu.memref_slice %arg2[%dma_wait3A, %dma_wait3A_53] : memref<10112x128xf32, #tpu.memory_space<hbm>> -> memref<10112x128xf32, #tpu.memory_space<hbm>>
      tpu.wait_indirect_dma semaphore(%arg11 : memref<!tpu.dma_semaphore, #tpu.memory_space<semaphore_mem>>) src(%dma_wait3A_54 : memref<10112x128xf32, #tpu.memory_space<hbm>>) dst(%arg8 : memref<128x128xf32, #tpu.memory_space<vmem>>)
      "tpu.region"() ({
        %run_scoped3A = tpu.sem_alloc : memref<!tpu.dma_semaphore, #tpu.memory_space<semaphore_mem>>
        %dma_start3A_56 = arith.constant 0 : i32
        %dma_start3A_57 = arith.constant 0 : i32
        %dma_start3A_58 = tpu.memref_slice %arg10[%dma_start3A_56, %dma_start3A_57] : memref<10112x128xf32, #tpu.memory_space<vmem_shared>> -> memref<10112x128xf32, #tpu.memory_space<vmem_shared>>
        tpu.enqueue_indirect_dma source(%arg8 : memref<128x128xf32, #tpu.memory_space<vmem>>) target(%dma_start3A_58 : memref<10112x128xf32, #tpu.memory_space<vmem_shared>>) offsets(%arg7 : memref<128xi32, #tpu.memory_space<vmem>>) semaphore(%run_scoped3A : memref<!tpu.dma_semaphore, #tpu.memory_space<semaphore_mem>>) {add = true}
        %dma_wait3A_59 = arith.constant 0 : i32
        %dma_wait3A_60 = arith.constant 0 : i32
        %dma_wait3A_61 = tpu.memref_slice %arg10[%dma_wait3A_59, %dma_wait3A_60] : memref<10112x128xf32, #tpu.memory_space<vmem_shared>> -> memref<10112x128xf32, #tpu.memory_space<vmem_shared>>
        tpu.wait_indirect_dma semaphore(%run_scoped3A : memref<!tpu.dma_semaphore, #tpu.memory_space<semaphore_mem>>) src(%arg8 : memref<128x128xf32, #tpu.memory_space<vmem>>) dst(%dma_wait3A_61 : memref<10112x128xf32, #tpu.memory_space<vmem_shared>>)
        tpu.yield
      }) : () -> ()
      %scan3A_55 = arith.constant 0 : i32
      scf.yield %scan3A_55 : i32
    }
    %scan3A_27 = arith.constant 25 : i32
    %barrier3A_28 = arith.constant 0 : index
    tpu.barrier barrier_id(%barrier3A_28)
    %mul3A_29 = arith.constant 10112 : i32
    %mul3A_30 = arith.muli %arg0, %mul3A_29 : i32
    %mul3A_31 = arith.constant 632 : i32
    %mul3A_32 = arith.muli %arg1, %mul3A_31 : i32
    %add3A_33 = arith.addi %mul3A_30, %mul3A_32 : i32
    %multiple_of3A_34 = tpu.assume_multiple %add3A_33, 8 : i32
    %mul3A_35 = arith.constant 632 : i32
    %mul3A_36 = arith.muli %arg1, %mul3A_35 : i32
    %multiple_of3A_37 = tpu.assume_multiple %mul3A_36, 8 : i32
    "tpu.region"() ({
      %run_scoped3A = tpu.sem_alloc : memref<!tpu.dma_semaphore, #tpu.memory_space<semaphore_mem>>
      %dma_start3A = arith.constant 0 : i32
      %dma_start3A_38 = tpu.memref_slice %arg5[%multiple_of3A_34, %dma_start3A] : memref<20224x128xf32, #tpu.memory_space<hbm>> -> memref<632x128xf32, #tpu.memory_space<hbm>>
      %dma_start3A_39 = arith.constant 0 : i32
      %dma_start3A_40 = tpu.memref_slice %arg10[%multiple_of3A_37, %dma_start3A_39] : memref<10112x128xf32, #tpu.memory_space<vmem_shared>> -> memref<632x128xf32, #tpu.memory_space<vmem_shared>>
      tpu.enqueue_dma source(%dma_start3A_40 : memref<632x128xf32, #tpu.memory_space<vmem_shared>>) target(%dma_start3A_38 : memref<632x128xf32, #tpu.memory_space<hbm>>) target_semaphore(%run_scoped3A : memref<!tpu.dma_semaphore, #tpu.memory_space<semaphore_mem>>)
      %dma_wait3A = arith.constant 0 : i32
      %dma_wait3A_41 = tpu.memref_slice %arg5[%multiple_of3A_34, %dma_wait3A] : memref<20224x128xf32, #tpu.memory_space<hbm>> -> memref<632x128xf32, #tpu.memory_space<hbm>>
      %dma_wait3A_42 = arith.constant 0 : i32
      %dma_wait3A_43 = tpu.memref_slice %arg10[%multiple_of3A_37, %dma_wait3A_42] : memref<10112x128xf32, #tpu.memory_space<vmem_shared>> -> memref<632x128xf32, #tpu.memory_space<vmem_shared>>
      tpu.wait_dma2 semaphore(%run_scoped3A : memref<!tpu.dma_semaphore, #tpu.memory_space<semaphore_mem>>) src(%dma_wait3A_43 : memref<632x128xf32, #tpu.memory_space<vmem_shared>>) dst(%dma_wait3A_41 : memref<632x128xf32, #tpu.memory_space<hbm>>)
      tpu.yield
    }) : () -> ()
    return
  }
}

#map = affine_map<(d0, d1) -> (0)>
#map1 = affine_map<(d0, d1) -> (0, 0)>
module attributes {stable_mosaic.version = 14 : i64} {
  func.func @degk(%arg0: i32, %arg1: i32, %arg2: memref<307200xi32, #tpu.memory_space<hbm>>, %arg3: memref<102400xi32, #tpu.memory_space<hbm>>, %arg4: memref<192x8xf32, #tpu.memory_space<hbm>>, %arg5: memref<20224x8xf32, #tpu.memory_space<hbm>>, %arg6: memref<20224x8xf32, #tpu.memory_space<hbm>>, %arg7: memref<128xi32, #tpu.memory_space<vmem>>, %arg8: memref<128x8xf32, #tpu.memory_space<vmem>>, %arg9: memref<64x8xf32, #tpu.memory_space<vmem>>, %arg10: memref<10112x8xf32, #tpu.memory_space<vmem_shared>>, %arg11: memref<10112x8xf32, #tpu.memory_space<vmem_shared>>) attributes {dimension_semantics = [#tpu.dimension_semantics<core_parallel>, #tpu.dimension_semantics<subcore_parallel>], iteration_bounds = array<i64: 2, 16>, scalar_prefetch = 0 : i64, scratch_operands = 5 : i64, tpu.core_type = #tpu.core_type<sc_vector_subcore>, window_params = [{transform_indices = #map}, {transform_indices = #map}, {transform_indices = #map1}, {transform_indices = #map1}, {transform_indices = #map1}]} {
    %mul3A = arith.constant 2 : i32
    %mul3A_0 = arith.muli %arg1, %mul3A : i32
    %add3A = arith.addi %mul3A_0, %arg0 : i32
    "tpu.region"() ({
      %run_scoped3A = tpu.sem_alloc : memref<!tpu.dma_semaphore, #tpu.memory_space<semaphore_mem>>
      %dma_start3A = arith.constant 0 : i32
      %dma_start3A_60 = arith.constant 0 : i32
      %dma_start3A_61 = tpu.memref_slice %arg4[%dma_start3A, %dma_start3A_60] : memref<192x8xf32, #tpu.memory_space<hbm>> -> memref<128x8xf32, #tpu.memory_space<hbm>>
      %dma_start3A_62 = arith.constant 0 : i32
      %dma_start3A_63 = arith.constant 0 : i32
      %dma_start3A_64 = tpu.memref_slice %arg4[%dma_start3A_62, %dma_start3A_63] : memref<192x8xf32, #tpu.memory_space<hbm>> -> memref<128x8xf32, #tpu.memory_space<hbm>>
      tpu.enqueue_dma source(%dma_start3A_64 : memref<128x8xf32, #tpu.memory_space<hbm>>) target(%arg8 : memref<128x8xf32, #tpu.memory_space<vmem>>) target_semaphore(%run_scoped3A : memref<!tpu.dma_semaphore, #tpu.memory_space<semaphore_mem>>)
      %dma_wait3A = arith.constant 0 : i32
      %dma_wait3A_65 = arith.constant 0 : i32
      %dma_wait3A_66 = tpu.memref_slice %arg4[%dma_wait3A, %dma_wait3A_65] : memref<192x8xf32, #tpu.memory_space<hbm>> -> memref<128x8xf32, #tpu.memory_space<hbm>>
      %dma_wait3A_67 = arith.constant 0 : i32
      %dma_wait3A_68 = arith.constant 0 : i32
      %dma_wait3A_69 = tpu.memref_slice %arg4[%dma_wait3A_67, %dma_wait3A_68] : memref<192x8xf32, #tpu.memory_space<hbm>> -> memref<128x8xf32, #tpu.memory_space<hbm>>
      tpu.wait_dma2 semaphore(%run_scoped3A : memref<!tpu.dma_semaphore, #tpu.memory_space<semaphore_mem>>) src(%dma_wait3A_69 : memref<128x8xf32, #tpu.memory_space<hbm>>) dst(%arg8 : memref<128x8xf32, #tpu.memory_space<vmem>>)
      tpu.yield
    }) : () -> ()
    "tpu.region"() ({
      %run_scoped3A = tpu.sem_alloc : memref<!tpu.dma_semaphore, #tpu.memory_space<semaphore_mem>>
      %dma_start3A = arith.constant 128 : i32
      %dma_start3A_60 = arith.constant 0 : i32
      %dma_start3A_61 = tpu.memref_slice %arg4[%dma_start3A, %dma_start3A_60] : memref<192x8xf32, #tpu.memory_space<hbm>> -> memref<64x8xf32, #tpu.memory_space<hbm>>
      %dma_start3A_62 = arith.constant 128 : i32
      %dma_start3A_63 = arith.constant 0 : i32
      %dma_start3A_64 = tpu.memref_slice %arg4[%dma_start3A_62, %dma_start3A_63] : memref<192x8xf32, #tpu.memory_space<hbm>> -> memref<64x8xf32, #tpu.memory_space<hbm>>
      tpu.enqueue_dma source(%dma_start3A_64 : memref<64x8xf32, #tpu.memory_space<hbm>>) target(%arg9 : memref<64x8xf32, #tpu.memory_space<vmem>>) target_semaphore(%run_scoped3A : memref<!tpu.dma_semaphore, #tpu.memory_space<semaphore_mem>>)
      %dma_wait3A = arith.constant 128 : i32
      %dma_wait3A_65 = arith.constant 0 : i32
      %dma_wait3A_66 = tpu.memref_slice %arg4[%dma_wait3A, %dma_wait3A_65] : memref<192x8xf32, #tpu.memory_space<hbm>> -> memref<64x8xf32, #tpu.memory_space<hbm>>
      %dma_wait3A_67 = arith.constant 128 : i32
      %dma_wait3A_68 = arith.constant 0 : i32
      %dma_wait3A_69 = tpu.memref_slice %arg4[%dma_wait3A_67, %dma_wait3A_68] : memref<192x8xf32, #tpu.memory_space<hbm>> -> memref<64x8xf32, #tpu.memory_space<hbm>>
      tpu.wait_dma2 semaphore(%run_scoped3A : memref<!tpu.dma_semaphore, #tpu.memory_space<semaphore_mem>>) src(%dma_wait3A_69 : memref<64x8xf32, #tpu.memory_space<hbm>>) dst(%arg9 : memref<64x8xf32, #tpu.memory_space<vmem>>)
      tpu.yield
    }) : () -> ()
    %scan3A = arith.constant 0 : i32
    %scan3A_1 = arith.constant 0 : i32
    %scan3A_2 = arith.constant 9 : i32
    %scan3A_3 = arith.addi %scan3A_1, %scan3A_2 : i32
    %scan3A_4 = arith.constant 1 : i32
    %scan3A_5 = scf.for %scan3A_60 = %scan3A_1 to %scan3A_3 step %scan3A_4 iter_args(%scan3A_61 = %scan3A) -> (i32)  : i32 {
      %mul3A_62 = arith.constant 632 : i32
      %mul3A_63 = arith.muli %arg1, %mul3A_62 : i32
      %mul3A_64 = arith.constant 64 : i32
      %mul3A_65 = arith.muli %scan3A_60, %mul3A_64 : i32
      %add3A_66 = arith.addi %mul3A_63, %mul3A_65 : i32
      %multiple_of3A_67 = tpu.assume_multiple %add3A_66, 8 : i32
      "tpu.region"() ({
        %run_scoped3A = tpu.sem_alloc : memref<!tpu.dma_semaphore, #tpu.memory_space<semaphore_mem>>
        %dma_start3A = arith.constant 0 : i32
        %dma_start3A_69 = tpu.memref_slice %arg10[%multiple_of3A_67, %dma_start3A] : memref<10112x8xf32, #tpu.memory_space<vmem_shared>> -> memref<64x8xf32, #tpu.memory_space<vmem_shared>>
        %dma_start3A_70 = arith.constant 0 : i32
        %dma_start3A_71 = tpu.memref_slice %arg10[%multiple_of3A_67, %dma_start3A_70] : memref<10112x8xf32, #tpu.memory_space<vmem_shared>> -> memref<64x8xf32, #tpu.memory_space<vmem_shared>>
        tpu.enqueue_dma source(%arg9 : memref<64x8xf32, #tpu.memory_space<vmem>>) target(%dma_start3A_71 : memref<64x8xf32, #tpu.memory_space<vmem_shared>>) target_semaphore(%run_scoped3A : memref<!tpu.dma_semaphore, #tpu.memory_space<semaphore_mem>>)
        %dma_wait3A = arith.constant 0 : i32
        %dma_wait3A_72 = tpu.memref_slice %arg10[%multiple_of3A_67, %dma_wait3A] : memref<10112x8xf32, #tpu.memory_space<vmem_shared>> -> memref<64x8xf32, #tpu.memory_space<vmem_shared>>
        %dma_wait3A_73 = arith.constant 0 : i32
        %dma_wait3A_74 = tpu.memref_slice %arg10[%multiple_of3A_67, %dma_wait3A_73] : memref<10112x8xf32, #tpu.memory_space<vmem_shared>> -> memref<64x8xf32, #tpu.memory_space<vmem_shared>>
        tpu.wait_dma2 semaphore(%run_scoped3A : memref<!tpu.dma_semaphore, #tpu.memory_space<semaphore_mem>>) src(%arg9 : memref<64x8xf32, #tpu.memory_space<vmem>>) dst(%dma_wait3A_74 : memref<64x8xf32, #tpu.memory_space<vmem_shared>>)
        tpu.yield
      }) : () -> ()
      %scan3A_68 = arith.constant 0 : i32
      scf.yield %scan3A_68 : i32
    }
    %scan3A_6 = arith.constant 9 : i32
    %mul3A_7 = arith.constant 632 : i32
    %mul3A_8 = arith.muli %arg1, %mul3A_7 : i32
    %add3A_9 = arith.constant 576 : i32
    %add3A_10 = arith.addi %mul3A_8, %add3A_9 : i32
    %multiple_of3A = tpu.assume_multiple %add3A_10, 8 : i32
    "tpu.region"() ({
      %run_scoped3A = tpu.sem_alloc : memref<!tpu.dma_semaphore, #tpu.memory_space<semaphore_mem>>
      %dma_start3A = arith.constant 0 : i32
      %dma_start3A_60 = arith.constant 0 : i32
      %dma_start3A_61 = tpu.memref_slice %arg9[%dma_start3A, %dma_start3A_60] : memref<64x8xf32, #tpu.memory_space<vmem>> -> memref<56x8xf32, #tpu.memory_space<vmem>>
      %dma_start3A_62 = arith.constant 0 : i32
      %dma_start3A_63 = tpu.memref_slice %arg10[%multiple_of3A, %dma_start3A_62] : memref<10112x8xf32, #tpu.memory_space<vmem_shared>> -> memref<56x8xf32, #tpu.memory_space<vmem_shared>>
      %dma_start3A_64 = arith.constant 0 : i32
      %dma_start3A_65 = tpu.memref_slice %arg10[%multiple_of3A, %dma_start3A_64] : memref<10112x8xf32, #tpu.memory_space<vmem_shared>> -> memref<56x8xf32, #tpu.memory_space<vmem_shared>>
      %dma_start3A_66 = arith.constant 0 : i32
      %dma_start3A_67 = arith.constant 0 : i32
      %dma_start3A_68 = tpu.memref_slice %arg9[%dma_start3A_66, %dma_start3A_67] : memref<64x8xf32, #tpu.memory_space<vmem>> -> memref<56x8xf32, #tpu.memory_space<vmem>>
      tpu.enqueue_dma source(%dma_start3A_68 : memref<56x8xf32, #tpu.memory_space<vmem>>) target(%dma_start3A_65 : memref<56x8xf32, #tpu.memory_space<vmem_shared>>) target_semaphore(%run_scoped3A : memref<!tpu.dma_semaphore, #tpu.memory_space<semaphore_mem>>)
      %dma_wait3A = arith.constant 0 : i32
      %dma_wait3A_69 = arith.constant 0 : i32
      %dma_wait3A_70 = tpu.memref_slice %arg9[%dma_wait3A, %dma_wait3A_69] : memref<64x8xf32, #tpu.memory_space<vmem>> -> memref<56x8xf32, #tpu.memory_space<vmem>>
      %dma_wait3A_71 = arith.constant 0 : i32
      %dma_wait3A_72 = tpu.memref_slice %arg10[%multiple_of3A, %dma_wait3A_71] : memref<10112x8xf32, #tpu.memory_space<vmem_shared>> -> memref<56x8xf32, #tpu.memory_space<vmem_shared>>
      %dma_wait3A_73 = arith.constant 0 : i32
      %dma_wait3A_74 = tpu.memref_slice %arg10[%multiple_of3A, %dma_wait3A_73] : memref<10112x8xf32, #tpu.memory_space<vmem_shared>> -> memref<56x8xf32, #tpu.memory_space<vmem_shared>>
      %dma_wait3A_75 = arith.constant 0 : i32
      %dma_wait3A_76 = arith.constant 0 : i32
      %dma_wait3A_77 = tpu.memref_slice %arg9[%dma_wait3A_75, %dma_wait3A_76] : memref<64x8xf32, #tpu.memory_space<vmem>> -> memref<56x8xf32, #tpu.memory_space<vmem>>
      tpu.wait_dma2 semaphore(%run_scoped3A : memref<!tpu.dma_semaphore, #tpu.memory_space<semaphore_mem>>) src(%dma_wait3A_77 : memref<56x8xf32, #tpu.memory_space<vmem>>) dst(%dma_wait3A_74 : memref<56x8xf32, #tpu.memory_space<vmem_shared>>)
      tpu.yield
    }) : () -> ()
    %scan3A_11 = arith.constant 0 : i32
    %scan3A_12 = arith.constant 0 : i32
    %scan3A_13 = arith.constant 9 : i32
    %scan3A_14 = arith.addi %scan3A_12, %scan3A_13 : i32
    %scan3A_15 = arith.constant 1 : i32
    %scan3A_16 = scf.for %scan3A_60 = %scan3A_12 to %scan3A_14 step %scan3A_15 iter_args(%scan3A_61 = %scan3A_11) -> (i32)  : i32 {
      %mul3A_62 = arith.constant 632 : i32
      %mul3A_63 = arith.muli %arg1, %mul3A_62 : i32
      %mul3A_64 = arith.constant 64 : i32
      %mul3A_65 = arith.muli %scan3A_60, %mul3A_64 : i32
      %add3A_66 = arith.addi %mul3A_63, %mul3A_65 : i32
      %multiple_of3A_67 = tpu.assume_multiple %add3A_66, 8 : i32
      "tpu.region"() ({
        %run_scoped3A = tpu.sem_alloc : memref<!tpu.dma_semaphore, #tpu.memory_space<semaphore_mem>>
        %dma_start3A = arith.constant 0 : i32
        %dma_start3A_69 = tpu.memref_slice %arg11[%multiple_of3A_67, %dma_start3A] : memref<10112x8xf32, #tpu.memory_space<vmem_shared>> -> memref<64x8xf32, #tpu.memory_space<vmem_shared>>
        %dma_start3A_70 = arith.constant 0 : i32
        %dma_start3A_71 = tpu.memref_slice %arg11[%multiple_of3A_67, %dma_start3A_70] : memref<10112x8xf32, #tpu.memory_space<vmem_shared>> -> memref<64x8xf32, #tpu.memory_space<vmem_shared>>
        tpu.enqueue_dma source(%arg9 : memref<64x8xf32, #tpu.memory_space<vmem>>) target(%dma_start3A_71 : memref<64x8xf32, #tpu.memory_space<vmem_shared>>) target_semaphore(%run_scoped3A : memref<!tpu.dma_semaphore, #tpu.memory_space<semaphore_mem>>)
        %dma_wait3A = arith.constant 0 : i32
        %dma_wait3A_72 = tpu.memref_slice %arg11[%multiple_of3A_67, %dma_wait3A] : memref<10112x8xf32, #tpu.memory_space<vmem_shared>> -> memref<64x8xf32, #tpu.memory_space<vmem_shared>>
        %dma_wait3A_73 = arith.constant 0 : i32
        %dma_wait3A_74 = tpu.memref_slice %arg11[%multiple_of3A_67, %dma_wait3A_73] : memref<10112x8xf32, #tpu.memory_space<vmem_shared>> -> memref<64x8xf32, #tpu.memory_space<vmem_shared>>
        tpu.wait_dma2 semaphore(%run_scoped3A : memref<!tpu.dma_semaphore, #tpu.memory_space<semaphore_mem>>) src(%arg9 : memref<64x8xf32, #tpu.memory_space<vmem>>) dst(%dma_wait3A_74 : memref<64x8xf32, #tpu.memory_space<vmem_shared>>)
        tpu.yield
      }) : () -> ()
      %scan3A_68 = arith.constant 0 : i32
      scf.yield %scan3A_68 : i32
    }
    %scan3A_17 = arith.constant 9 : i32
    %mul3A_18 = arith.constant 632 : i32
    %mul3A_19 = arith.muli %arg1, %mul3A_18 : i32
    %add3A_20 = arith.constant 576 : i32
    %add3A_21 = arith.addi %mul3A_19, %add3A_20 : i32
    %multiple_of3A_22 = tpu.assume_multiple %add3A_21, 8 : i32
    "tpu.region"() ({
      %run_scoped3A = tpu.sem_alloc : memref<!tpu.dma_semaphore, #tpu.memory_space<semaphore_mem>>
      %dma_start3A = arith.constant 0 : i32
      %dma_start3A_60 = arith.constant 0 : i32
      %dma_start3A_61 = tpu.memref_slice %arg9[%dma_start3A, %dma_start3A_60] : memref<64x8xf32, #tpu.memory_space<vmem>> -> memref<56x8xf32, #tpu.memory_space<vmem>>
      %dma_start3A_62 = arith.constant 0 : i32
      %dma_start3A_63 = tpu.memref_slice %arg11[%multiple_of3A_22, %dma_start3A_62] : memref<10112x8xf32, #tpu.memory_space<vmem_shared>> -> memref<56x8xf32, #tpu.memory_space<vmem_shared>>
      %dma_start3A_64 = arith.constant 0 : i32
      %dma_start3A_65 = tpu.memref_slice %arg11[%multiple_of3A_22, %dma_start3A_64] : memref<10112x8xf32, #tpu.memory_space<vmem_shared>> -> memref<56x8xf32, #tpu.memory_space<vmem_shared>>
      %dma_start3A_66 = arith.constant 0 : i32
      %dma_start3A_67 = arith.constant 0 : i32
      %dma_start3A_68 = tpu.memref_slice %arg9[%dma_start3A_66, %dma_start3A_67] : memref<64x8xf32, #tpu.memory_space<vmem>> -> memref<56x8xf32, #tpu.memory_space<vmem>>
      tpu.enqueue_dma source(%dma_start3A_68 : memref<56x8xf32, #tpu.memory_space<vmem>>) target(%dma_start3A_65 : memref<56x8xf32, #tpu.memory_space<vmem_shared>>) target_semaphore(%run_scoped3A : memref<!tpu.dma_semaphore, #tpu.memory_space<semaphore_mem>>)
      %dma_wait3A = arith.constant 0 : i32
      %dma_wait3A_69 = arith.constant 0 : i32
      %dma_wait3A_70 = tpu.memref_slice %arg9[%dma_wait3A, %dma_wait3A_69] : memref<64x8xf32, #tpu.memory_space<vmem>> -> memref<56x8xf32, #tpu.memory_space<vmem>>
      %dma_wait3A_71 = arith.constant 0 : i32
      %dma_wait3A_72 = tpu.memref_slice %arg11[%multiple_of3A_22, %dma_wait3A_71] : memref<10112x8xf32, #tpu.memory_space<vmem_shared>> -> memref<56x8xf32, #tpu.memory_space<vmem_shared>>
      %dma_wait3A_73 = arith.constant 0 : i32
      %dma_wait3A_74 = tpu.memref_slice %arg11[%multiple_of3A_22, %dma_wait3A_73] : memref<10112x8xf32, #tpu.memory_space<vmem_shared>> -> memref<56x8xf32, #tpu.memory_space<vmem_shared>>
      %dma_wait3A_75 = arith.constant 0 : i32
      %dma_wait3A_76 = arith.constant 0 : i32
      %dma_wait3A_77 = tpu.memref_slice %arg9[%dma_wait3A_75, %dma_wait3A_76] : memref<64x8xf32, #tpu.memory_space<vmem>> -> memref<56x8xf32, #tpu.memory_space<vmem>>
      tpu.wait_dma2 semaphore(%run_scoped3A : memref<!tpu.dma_semaphore, #tpu.memory_space<semaphore_mem>>) src(%dma_wait3A_77 : memref<56x8xf32, #tpu.memory_space<vmem>>) dst(%dma_wait3A_74 : memref<56x8xf32, #tpu.memory_space<vmem_shared>>)
      tpu.yield
    }) : () -> ()
    %barrier3A = arith.constant 0 : index
    tpu.barrier barrier_id(%barrier3A)
    %mul3A_23 = arith.constant 9600 : i32
    %mul3A_24 = arith.muli %add3A, %mul3A_23 : i32
    %scan3A_25 = arith.constant 0 : i32
    %scan3A_26 = arith.constant 0 : i32
    %scan3A_27 = arith.constant 75 : i32
    %scan3A_28 = arith.addi %scan3A_26, %scan3A_27 : i32
    %scan3A_29 = arith.constant 1 : i32
    %scan3A_30 = scf.for %scan3A_60 = %scan3A_26 to %scan3A_28 step %scan3A_29 iter_args(%scan3A_61 = %scan3A_25) -> (i32)  : i32 {
      %mul3A_62 = arith.constant 128 : i32
      %mul3A_63 = arith.muli %scan3A_60, %mul3A_62 : i32
      %add3A_64 = arith.addi %mul3A_24, %mul3A_63 : i32
      %multiple_of3A_65 = tpu.assume_multiple %add3A_64, 8 : i32
      "tpu.region"() ({
        %run_scoped3A = tpu.sem_alloc : memref<!tpu.dma_semaphore, #tpu.memory_space<semaphore_mem>>
        %dma_start3A = tpu.memref_slice %arg2[%multiple_of3A_65] : memref<307200xi32, #tpu.memory_space<hbm>> -> memref<128xi32, #tpu.memory_space<hbm>>
        %dma_start3A_74 = tpu.memref_slice %arg2[%multiple_of3A_65] : memref<307200xi32, #tpu.memory_space<hbm>> -> memref<128xi32, #tpu.memory_space<hbm>>
        tpu.enqueue_dma source(%dma_start3A_74 : memref<128xi32, #tpu.memory_space<hbm>>) target(%arg7 : memref<128xi32, #tpu.memory_space<vmem>>) target_semaphore(%run_scoped3A : memref<!tpu.dma_semaphore, #tpu.memory_space<semaphore_mem>>)
        %dma_wait3A = tpu.memref_slice %arg2[%multiple_of3A_65] : memref<307200xi32, #tpu.memory_space<hbm>> -> memref<128xi32, #tpu.memory_space<hbm>>
        %dma_wait3A_75 = tpu.memref_slice %arg2[%multiple_of3A_65] : memref<307200xi32, #tpu.memory_space<hbm>> -> memref<128xi32, #tpu.memory_space<hbm>>
        tpu.wait_dma2 semaphore(%run_scoped3A : memref<!tpu.dma_semaphore, #tpu.memory_space<semaphore_mem>>) src(%dma_wait3A_75 : memref<128xi32, #tpu.memory_space<hbm>>) dst(%arg7 : memref<128xi32, #tpu.memory_space<vmem>>)
        tpu.yield
      }) : () -> ()
      %scan3A_66 = arith.constant 0 : i32
      %scan3A_67 = arith.constant 0 : i32
      %scan3A_68 = arith.constant 8 : i32
      %scan3A_69 = arith.addi %scan3A_67, %scan3A_68 : i32
      %scan3A_70 = arith.constant 1 : i32
      %scan3A_71 = scf.for %scan3A_74 = %scan3A_67 to %scan3A_69 step %scan3A_70 iter_args(%scan3A_75 = %scan3A_66) -> (i32)  : i32 {
        %mul3A_76 = arith.constant 16 : i32
        %mul3A_77 = arith.muli %scan3A_74, %mul3A_76 : i32
        %get3A = arith.index_cast %mul3A_77 : i32 to index
        %get3A_78 = tpu.vector_load %arg7[%get3A] {strides = array<i32>} : memref<128xi32, #tpu.memory_space<vmem>>, vector<16xi32>,
        %get3A_79 = vector.shape_cast %get3A_78 : vector<16xi32> to vector<16xi32>
        %min3A = arith.constant 10000 : i32
        %min3A_80 = vector.broadcast %min3A : i32 to vector<16xi32>
        %min3A_81 = arith.minsi %get3A_79, %min3A_80 : vector<16xi32>
        %mul3A_82 = arith.constant 16 : i32
        %mul3A_83 = arith.muli %scan3A_74, %mul3A_82 : i32
        %swap3A = arith.index_cast %mul3A_83 : i32 to index
        %swap3A_84 = tpu.vector_load %arg7[%swap3A] {strides = array<i32>} : memref<128xi32, #tpu.memory_space<vmem>>, vector<16xi32>,
        %swap3A_85 = vector.shape_cast %swap3A_84 : vector<16xi32> to vector<16xi32>
        %swap3A_86 = vector.shape_cast %min3A_81 : vector<16xi32> to vector<16xi32>
        tpu.vector_store %arg7[%swap3A], %swap3A_86 {strides = array<i32>} : memref<128xi32, #tpu.memory_space<vmem>>, vector<16xi32>,
        %scan3A_87 = arith.constant 0 : i32
        scf.yield %scan3A_87 : i32
      }
      %scan3A_72 = arith.constant 8 : i32
      "tpu.region"() ({
        %run_scoped3A = tpu.sem_alloc : memref<!tpu.dma_semaphore, #tpu.memory_space<semaphore_mem>>
        %dma_start3A = arith.constant 0 : i32
        %dma_start3A_74 = arith.constant 0 : i32
        %dma_start3A_75 = tpu.memref_slice %arg10[%dma_start3A, %dma_start3A_74] : memref<10112x8xf32, #tpu.memory_space<vmem_shared>> -> memref<10112x8xf32, #tpu.memory_space<vmem_shared>>
        tpu.enqueue_indirect_dma source(%arg8 : memref<128x8xf32, #tpu.memory_space<vmem>>) target(%dma_start3A_75 : memref<10112x8xf32, #tpu.memory_space<vmem_shared>>) offsets(%arg7 : memref<128xi32, #tpu.memory_space<vmem>>) semaphore(%run_scoped3A : memref<!tpu.dma_semaphore, #tpu.memory_space<semaphore_mem>>) {add = true}
        %dma_wait3A = arith.constant 0 : i32
        %dma_wait3A_76 = arith.constant 0 : i32
        %dma_wait3A_77 = tpu.memref_slice %arg10[%dma_wait3A, %dma_wait3A_76] : memref<10112x8xf32, #tpu.memory_space<vmem_shared>> -> memref<10112x8xf32, #tpu.memory_space<vmem_shared>>
        tpu.wait_indirect_dma semaphore(%run_scoped3A : memref<!tpu.dma_semaphore, #tpu.memory_space<semaphore_mem>>) src(%arg8 : memref<128x8xf32, #tpu.memory_space<vmem>>) dst(%dma_wait3A_77 : memref<10112x8xf32, #tpu.memory_space<vmem_shared>>)
        tpu.yield
      }) : () -> ()
      %scan3A_73 = arith.constant 0 : i32
      scf.yield %scan3A_73 : i32
    }
    %scan3A_31 = arith.constant 75 : i32
    %mul3A_32 = arith.constant 3200 : i32
    %mul3A_33 = arith.muli %add3A, %mul3A_32 : i32
    %scan3A_34 = arith.constant 0 : i32
    %scan3A_35 = arith.constant 0 : i32
    %scan3A_36 = arith.constant 25 : i32
    %scan3A_37 = arith.addi %scan3A_35, %scan3A_36 : i32
    %scan3A_38 = arith.constant 1 : i32
    %scan3A_39 = scf.for %scan3A_60 = %scan3A_35 to %scan3A_37 step %scan3A_38 iter_args(%scan3A_61 = %scan3A_34) -> (i32)  : i32 {
      %mul3A_62 = arith.constant 128 : i32
      %mul3A_63 = arith.muli %scan3A_60, %mul3A_62 : i32
      %add3A_64 = arith.addi %mul3A_33, %mul3A_63 : i32
      %multiple_of3A_65 = tpu.assume_multiple %add3A_64, 8 : i32
      "tpu.region"() ({
        %run_scoped3A = tpu.sem_alloc : memref<!tpu.dma_semaphore, #tpu.memory_space<semaphore_mem>>
        %dma_start3A = tpu.memref_slice %arg3[%multiple_of3A_65] : memref<102400xi32, #tpu.memory_space<hbm>> -> memref<128xi32, #tpu.memory_space<hbm>>
        %dma_start3A_74 = tpu.memref_slice %arg3[%multiple_of3A_65] : memref<102400xi32, #tpu.memory_space<hbm>> -> memref<128xi32, #tpu.memory_space<hbm>>
        tpu.enqueue_dma source(%dma_start3A_74 : memref<128xi32, #tpu.memory_space<hbm>>) target(%arg7 : memref<128xi32, #tpu.memory_space<vmem>>) target_semaphore(%run_scoped3A : memref<!tpu.dma_semaphore, #tpu.memory_space<semaphore_mem>>)
        %dma_wait3A = tpu.memref_slice %arg3[%multiple_of3A_65] : memref<102400xi32, #tpu.memory_space<hbm>> -> memref<128xi32, #tpu.memory_space<hbm>>
        %dma_wait3A_75 = tpu.memref_slice %arg3[%multiple_of3A_65] : memref<102400xi32, #tpu.memory_space<hbm>> -> memref<128xi32, #tpu.memory_space<hbm>>
        tpu.wait_dma2 semaphore(%run_scoped3A : memref<!tpu.dma_semaphore, #tpu.memory_space<semaphore_mem>>) src(%dma_wait3A_75 : memref<128xi32, #tpu.memory_space<hbm>>) dst(%arg7 : memref<128xi32, #tpu.memory_space<vmem>>)
        tpu.yield
      }) : () -> ()
      %scan3A_66 = arith.constant 0 : i32
      %scan3A_67 = arith.constant 0 : i32
      %scan3A_68 = arith.constant 8 : i32
      %scan3A_69 = arith.addi %scan3A_67, %scan3A_68 : i32
      %scan3A_70 = arith.constant 1 : i32
      %scan3A_71 = scf.for %scan3A_74 = %scan3A_67 to %scan3A_69 step %scan3A_70 iter_args(%scan3A_75 = %scan3A_66) -> (i32)  : i32 {
        %mul3A_76 = arith.constant 16 : i32
        %mul3A_77 = arith.muli %scan3A_74, %mul3A_76 : i32
        %get3A = arith.index_cast %mul3A_77 : i32 to index
        %get3A_78 = tpu.vector_load %arg7[%get3A] {strides = array<i32>} : memref<128xi32, #tpu.memory_space<vmem>>, vector<16xi32>,
        %get3A_79 = vector.shape_cast %get3A_78 : vector<16xi32> to vector<16xi32>
        %min3A = arith.constant 10000 : i32
        %min3A_80 = vector.broadcast %min3A : i32 to vector<16xi32>
        %min3A_81 = arith.minsi %get3A_79, %min3A_80 : vector<16xi32>
        %mul3A_82 = arith.constant 16 : i32
        %mul3A_83 = arith.muli %scan3A_74, %mul3A_82 : i32
        %swap3A = arith.index_cast %mul3A_83 : i32 to index
        %swap3A_84 = tpu.vector_load %arg7[%swap3A] {strides = array<i32>} : memref<128xi32, #tpu.memory_space<vmem>>, vector<16xi32>,
        %swap3A_85 = vector.shape_cast %swap3A_84 : vector<16xi32> to vector<16xi32>
        %swap3A_86 = vector.shape_cast %min3A_81 : vector<16xi32> to vector<16xi32>
        tpu.vector_store %arg7[%swap3A], %swap3A_86 {strides = array<i32>} : memref<128xi32, #tpu.memory_space<vmem>>, vector<16xi32>,
        %scan3A_87 = arith.constant 0 : i32
        scf.yield %scan3A_87 : i32
      }
      %scan3A_72 = arith.constant 8 : i32
      "tpu.region"() ({
        %run_scoped3A = tpu.sem_alloc : memref<!tpu.dma_semaphore, #tpu.memory_space<semaphore_mem>>
        %dma_start3A = arith.constant 0 : i32
        %dma_start3A_74 = arith.constant 0 : i32
        %dma_start3A_75 = tpu.memref_slice %arg11[%dma_start3A, %dma_start3A_74] : memref<10112x8xf32, #tpu.memory_space<vmem_shared>> -> memref<10112x8xf32, #tpu.memory_space<vmem_shared>>
        tpu.enqueue_indirect_dma source(%arg8 : memref<128x8xf32, #tpu.memory_space<vmem>>) target(%dma_start3A_75 : memref<10112x8xf32, #tpu.memory_space<vmem_shared>>) offsets(%arg7 : memref<128xi32, #tpu.memory_space<vmem>>) semaphore(%run_scoped3A : memref<!tpu.dma_semaphore, #tpu.memory_space<semaphore_mem>>) {add = true}
        %dma_wait3A = arith.constant 0 : i32
        %dma_wait3A_76 = arith.constant 0 : i32
        %dma_wait3A_77 = tpu.memref_slice %arg11[%dma_wait3A, %dma_wait3A_76] : memref<10112x8xf32, #tpu.memory_space<vmem_shared>> -> memref<10112x8xf32, #tpu.memory_space<vmem_shared>>
        tpu.wait_indirect_dma semaphore(%run_scoped3A : memref<!tpu.dma_semaphore, #tpu.memory_space<semaphore_mem>>) src(%arg8 : memref<128x8xf32, #tpu.memory_space<vmem>>) dst(%dma_wait3A_77 : memref<10112x8xf32, #tpu.memory_space<vmem_shared>>)
        tpu.yield
      }) : () -> ()
      %scan3A_73 = arith.constant 0 : i32
      scf.yield %scan3A_73 : i32
    }
    %scan3A_40 = arith.constant 25 : i32
    %barrier3A_41 = arith.constant 0 : index
    tpu.barrier barrier_id(%barrier3A_41)
    %mul3A_42 = arith.constant 10112 : i32
    %mul3A_43 = arith.muli %arg0, %mul3A_42 : i32
    %mul3A_44 = arith.constant 632 : i32
    %mul3A_45 = arith.muli %arg1, %mul3A_44 : i32
    %add3A_46 = arith.addi %mul3A_43, %mul3A_45 : i32
    %multiple_of3A_47 = tpu.assume_multiple %add3A_46, 8 : i32
    %mul3A_48 = arith.constant 632 : i32
    %mul3A_49 = arith.muli %arg1, %mul3A_48 : i32
    %multiple_of3A_50 = tpu.assume_multiple %mul3A_49, 8 : i32
    "tpu.region"() ({
      %run_scoped3A = tpu.sem_alloc : memref<!tpu.dma_semaphore, #tpu.memory_space<semaphore_mem>>
      %dma_start3A = arith.constant 0 : i32
      %dma_start3A_60 = tpu.memref_slice %arg5[%multiple_of3A_47, %dma_start3A] : memref<20224x8xf32, #tpu.memory_space<hbm>> -> memref<632x8xf32, #tpu.memory_space<hbm>>
      %dma_start3A_61 = arith.constant 0 : i32
      %dma_start3A_62 = tpu.memref_slice %arg10[%multiple_of3A_50, %dma_start3A_61] : memref<10112x8xf32, #tpu.memory_space<vmem_shared>> -> memref<632x8xf32, #tpu.memory_space<vmem_shared>>
      tpu.enqueue_dma source(%dma_start3A_62 : memref<632x8xf32, #tpu.memory_space<vmem_shared>>) target(%dma_start3A_60 : memref<632x8xf32, #tpu.memory_space<hbm>>) target_semaphore(%run_scoped3A : memref<!tpu.dma_semaphore, #tpu.memory_space<semaphore_mem>>)
      %dma_wait3A = arith.constant 0 : i32
      %dma_wait3A_63 = tpu.memref_slice %arg5[%multiple_of3A_47, %dma_wait3A] : memref<20224x8xf32, #tpu.memory_space<hbm>> -> memref<632x8xf32, #tpu.memory_space<hbm>>
      %dma_wait3A_64 = arith.constant 0 : i32
      %dma_wait3A_65 = tpu.memref_slice %arg10[%multiple_of3A_50, %dma_wait3A_64] : memref<10112x8xf32, #tpu.memory_space<vmem_shared>> -> memref<632x8xf32, #tpu.memory_space<vmem_shared>>
      tpu.wait_dma2 semaphore(%run_scoped3A : memref<!tpu.dma_semaphore, #tpu.memory_space<semaphore_mem>>) src(%dma_wait3A_65 : memref<632x8xf32, #tpu.memory_space<vmem_shared>>) dst(%dma_wait3A_63 : memref<632x8xf32, #tpu.memory_space<hbm>>)
      tpu.yield
    }) : () -> ()
    %mul3A_51 = arith.constant 10112 : i32
    %mul3A_52 = arith.muli %arg0, %mul3A_51 : i32
    %mul3A_53 = arith.constant 632 : i32
    %mul3A_54 = arith.muli %arg1, %mul3A_53 : i32
    %add3A_55 = arith.addi %mul3A_52, %mul3A_54 : i32
    %multiple_of3A_56 = tpu.assume_multiple %add3A_55, 8 : i32
    %mul3A_57 = arith.constant 632 : i32
    %mul3A_58 = arith.muli %arg1, %mul3A_57 : i32
    %multiple_of3A_59 = tpu.assume_multiple %mul3A_58, 8 : i32
    "tpu.region"() ({
      %run_scoped3A = tpu.sem_alloc : memref<!tpu.dma_semaphore, #tpu.memory_space<semaphore_mem>>
      %dma_start3A = arith.constant 0 : i32
      %dma_start3A_60 = tpu.memref_slice %arg6[%multiple_of3A_56, %dma_start3A] : memref<20224x8xf32, #tpu.memory_space<hbm>> -> memref<632x8xf32, #tpu.memory_space<hbm>>
      %dma_start3A_61 = arith.constant 0 : i32
      %dma_start3A_62 = tpu.memref_slice %arg11[%multiple_of3A_59, %dma_start3A_61] : memref<10112x8xf32, #tpu.memory_space<vmem_shared>> -> memref<632x8xf32, #tpu.memory_space<vmem_shared>>
      tpu.enqueue_dma source(%dma_start3A_62 : memref<632x8xf32, #tpu.memory_space<vmem_shared>>) target(%dma_start3A_60 : memref<632x8xf32, #tpu.memory_space<hbm>>) target_semaphore(%run_scoped3A : memref<!tpu.dma_semaphore, #tpu.memory_space<semaphore_mem>>)
      %dma_wait3A = arith.constant 0 : i32
      %dma_wait3A_63 = tpu.memref_slice %arg6[%multiple_of3A_56, %dma_wait3A] : memref<20224x8xf32, #tpu.memory_space<hbm>> -> memref<632x8xf32, #tpu.memory_space<hbm>>
      %dma_wait3A_64 = arith.constant 0 : i32
      %dma_wait3A_65 = tpu.memref_slice %arg11[%multiple_of3A_59, %dma_wait3A_64] : memref<10112x8xf32, #tpu.memory_space<vmem_shared>> -> memref<632x8xf32, #tpu.memory_space<vmem_shared>>
      tpu.wait_dma2 semaphore(%run_scoped3A : memref<!tpu.dma_semaphore, #tpu.memory_space<semaphore_mem>>) src(%dma_wait3A_65 : memref<632x8xf32, #tpu.memory_space<vmem_shared>>) dst(%dma_wait3A_63 : memref<632x8xf32, #tpu.memory_space<hbm>>)
      tpu.yield
    }) : () -> ()
    return
  }
}

#map = affine_map<(d0, d1) -> (0, 0)>
#map1 = affine_map<(d0, d1) -> (0)>
module attributes {stable_mosaic.version = 14 : i64} {
  func.func @gk(%arg0: i32, %arg1: i32, %arg2: memref<10112x128xf32, #tpu.memory_space<hbm>>, %arg3: memref<10112x128xf32, #tpu.memory_space<hbm>>, %arg4: memref<61440xi32, #tpu.memory_space<hbm>>, %arg5: memref<61440xi32, #tpu.memory_space<hbm>>, %arg6: memref<61440x128xf32, #tpu.memory_space<hbm>>, %arg7: memref<61440x128xf32, #tpu.memory_space<hbm>>, %arg8: memref<128xi32, #tpu.memory_space<vmem>>, %arg9: memref<128x128xf32, #tpu.memory_space<vmem>>, %arg10: memref<!tpu.dma_semaphore, #tpu.memory_space<semaphore_mem>>) attributes {dimension_semantics = [#tpu.dimension_semantics<core_parallel>, #tpu.dimension_semantics<subcore_parallel>], iteration_bounds = array<i64: 2, 16>, scalar_prefetch = 0 : i64, scratch_operands = 3 : i64, tpu.core_type = #tpu.core_type<sc_vector_subcore>, window_params = [{transform_indices = #map}, {transform_indices = #map}, {transform_indices = #map1}, {transform_indices = #map1}, {transform_indices = #map}, {transform_indices = #map}]} {
    %mul3A = arith.constant 2 : i32
    %mul3A_0 = arith.muli %arg1, %mul3A : i32
    %add3A = arith.addi %mul3A_0, %arg0 : i32
    %mul3A_1 = arith.constant 1920 : i32
    %mul3A_2 = arith.muli %add3A, %mul3A_1 : i32
    %scan3A = arith.constant 0 : i32
    %scan3A_3 = arith.constant 0 : i32
    %scan3A_4 = arith.constant 15 : i32
    %scan3A_5 = arith.addi %scan3A_3, %scan3A_4 : i32
    %scan3A_6 = arith.constant 1 : i32
    %scan3A_7 = scf.for %scan3A_9 = %scan3A_3 to %scan3A_5 step %scan3A_6 iter_args(%scan3A_10 = %scan3A) -> (i32)  : i32 {
      %mul3A_11 = arith.constant 128 : i32
      %mul3A_12 = arith.muli %scan3A_9, %mul3A_11 : i32
      %add3A_13 = arith.addi %mul3A_2, %mul3A_12 : i32
      %multiple_of3A = tpu.assume_multiple %add3A_13, 8 : i32
      "tpu.region"() ({
        %run_scoped3A = tpu.sem_alloc : memref<!tpu.dma_semaphore, #tpu.memory_space<semaphore_mem>>
        %dma_start3A_25 = tpu.memref_slice %arg4[%multiple_of3A] : memref<61440xi32, #tpu.memory_space<hbm>> -> memref<128xi32, #tpu.memory_space<hbm>>
        %dma_start3A_26 = tpu.memref_slice %arg4[%multiple_of3A] : memref<61440xi32, #tpu.memory_space<hbm>> -> memref<128xi32, #tpu.memory_space<hbm>>
        tpu.enqueue_dma source(%dma_start3A_26 : memref<128xi32, #tpu.memory_space<hbm>>) target(%arg8 : memref<128xi32, #tpu.memory_space<vmem>>) target_semaphore(%run_scoped3A : memref<!tpu.dma_semaphore, #tpu.memory_space<semaphore_mem>>)
        %dma_wait3A_27 = tpu.memref_slice %arg4[%multiple_of3A] : memref<61440xi32, #tpu.memory_space<hbm>> -> memref<128xi32, #tpu.memory_space<hbm>>
        %dma_wait3A_28 = tpu.memref_slice %arg4[%multiple_of3A] : memref<61440xi32, #tpu.memory_space<hbm>> -> memref<128xi32, #tpu.memory_space<hbm>>
        tpu.wait_dma2 semaphore(%run_scoped3A : memref<!tpu.dma_semaphore, #tpu.memory_space<semaphore_mem>>) src(%dma_wait3A_28 : memref<128xi32, #tpu.memory_space<hbm>>) dst(%arg8 : memref<128xi32, #tpu.memory_space<vmem>>)
        tpu.yield
      }) : () -> ()
      %dma_start3A = arith.constant 0 : i32
      %dma_start3A_14 = arith.constant 0 : i32
      %dma_start3A_15 = tpu.memref_slice %arg2[%dma_start3A, %dma_start3A_14] : memref<10112x128xf32, #tpu.memory_space<hbm>> -> memref<10112x128xf32, #tpu.memory_space<hbm>>
      tpu.enqueue_indirect_dma source(%dma_start3A_15 : memref<10112x128xf32, #tpu.memory_space<hbm>>) target(%arg9 : memref<128x128xf32, #tpu.memory_space<vmem>>) offsets(%arg8 : memref<128xi32, #tpu.memory_space<vmem>>) semaphore(%arg10 : memref<!tpu.dma_semaphore, #tpu.memory_space<semaphore_mem>>)
      %dma_wait3A = arith.constant 0 : i32
      %dma_wait3A_16 = arith.constant 0 : i32
      %dma_wait3A_17 = tpu.memref_slice %arg2[%dma_wait3A, %dma_wait3A_16] : memref<10112x128xf32, #tpu.memory_space<hbm>> -> memref<10112x128xf32, #tpu.memory_space<hbm>>
      tpu.wait_indirect_dma semaphore(%arg10 : memref<!tpu.dma_semaphore, #tpu.memory_space<semaphore_mem>>) src(%dma_wait3A_17 : memref<10112x128xf32, #tpu.memory_space<hbm>>) dst(%arg9 : memref<128x128xf32, #tpu.memory_space<vmem>>)
      "tpu.region"() ({
        %run_scoped3A = tpu.sem_alloc : memref<!tpu.dma_semaphore, #tpu.memory_space<semaphore_mem>>
        %dma_start3A_25 = arith.constant 0 : i32
        %dma_start3A_26 = tpu.memref_slice %arg6[%multiple_of3A, %dma_start3A_25] : memref<61440x128xf32, #tpu.memory_space<hbm>> -> memref<128x128xf32, #tpu.memory_space<hbm>>
        %dma_start3A_27 = arith.constant 0 : i32
        %dma_start3A_28 = tpu.memref_slice %arg6[%multiple_of3A, %dma_start3A_27] : memref<61440x128xf32, #tpu.memory_space<hbm>> -> memref<128x128xf32, #tpu.memory_space<hbm>>
        tpu.enqueue_dma source(%arg9 : memref<128x128xf32, #tpu.memory_space<vmem>>) target(%dma_start3A_28 : memref<128x128xf32, #tpu.memory_space<hbm>>) target_semaphore(%run_scoped3A : memref<!tpu.dma_semaphore, #tpu.memory_space<semaphore_mem>>)
        %dma_wait3A_29 = arith.constant 0 : i32
        %dma_wait3A_30 = tpu.memref_slice %arg6[%multiple_of3A, %dma_wait3A_29] : memref<61440x128xf32, #tpu.memory_space<hbm>> -> memref<128x128xf32, #tpu.memory_space<hbm>>
        %dma_wait3A_31 = arith.constant 0 : i32
        %dma_wait3A_32 = tpu.memref_slice %arg6[%multiple_of3A, %dma_wait3A_31] : memref<61440x128xf32, #tpu.memory_space<hbm>> -> memref<128x128xf32, #tpu.memory_space<hbm>>
        tpu.wait_dma2 semaphore(%run_scoped3A : memref<!tpu.dma_semaphore, #tpu.memory_space<semaphore_mem>>) src(%arg9 : memref<128x128xf32, #tpu.memory_space<vmem>>) dst(%dma_wait3A_32 : memref<128x128xf32, #tpu.memory_space<hbm>>)
        tpu.yield
      }) : () -> ()
      "tpu.region"() ({
        %run_scoped3A = tpu.sem_alloc : memref<!tpu.dma_semaphore, #tpu.memory_space<semaphore_mem>>
        %dma_start3A_25 = tpu.memref_slice %arg5[%multiple_of3A] : memref<61440xi32, #tpu.memory_space<hbm>> -> memref<128xi32, #tpu.memory_space<hbm>>
        %dma_start3A_26 = tpu.memref_slice %arg5[%multiple_of3A] : memref<61440xi32, #tpu.memory_space<hbm>> -> memref<128xi32, #tpu.memory_space<hbm>>
        tpu.enqueue_dma source(%dma_start3A_26 : memref<128xi32, #tpu.memory_space<hbm>>) target(%arg8 : memref<128xi32, #tpu.memory_space<vmem>>) target_semaphore(%run_scoped3A : memref<!tpu.dma_semaphore, #tpu.memory_space<semaphore_mem>>)
        %dma_wait3A_27 = tpu.memref_slice %arg5[%multiple_of3A] : memref<61440xi32, #tpu.memory_space<hbm>> -> memref<128xi32, #tpu.memory_space<hbm>>
        %dma_wait3A_28 = tpu.memref_slice %arg5[%multiple_of3A] : memref<61440xi32, #tpu.memory_space<hbm>> -> memref<128xi32, #tpu.memory_space<hbm>>
        tpu.wait_dma2 semaphore(%run_scoped3A : memref<!tpu.dma_semaphore, #tpu.memory_space<semaphore_mem>>) src(%dma_wait3A_28 : memref<128xi32, #tpu.memory_space<hbm>>) dst(%arg8 : memref<128xi32, #tpu.memory_space<vmem>>)
        tpu.yield
      }) : () -> ()
      %dma_start3A_18 = arith.constant 0 : i32
      %dma_start3A_19 = arith.constant 0 : i32
      %dma_start3A_20 = tpu.memref_slice %arg3[%dma_start3A_18, %dma_start3A_19] : memref<10112x128xf32, #tpu.memory_space<hbm>> -> memref<10112x128xf32, #tpu.memory_space<hbm>>
      tpu.enqueue_indirect_dma source(%dma_start3A_20 : memref<10112x128xf32, #tpu.memory_space<hbm>>) target(%arg9 : memref<128x128xf32, #tpu.memory_space<vmem>>) offsets(%arg8 : memref<128xi32, #tpu.memory_space<vmem>>) semaphore(%arg10 : memref<!tpu.dma_semaphore, #tpu.memory_space<semaphore_mem>>)
      %dma_wait3A_21 = arith.constant 0 : i32
      %dma_wait3A_22 = arith.constant 0 : i32
      %dma_wait3A_23 = tpu.memref_slice %arg3[%dma_wait3A_21, %dma_wait3A_22] : memref<10112x128xf32, #tpu.memory_space<hbm>> -> memref<10112x128xf32, #tpu.memory_space<hbm>>
      tpu.wait_indirect_dma semaphore(%arg10 : memref<!tpu.dma_semaphore, #tpu.memory_space<semaphore_mem>>) src(%dma_wait3A_23 : memref<10112x128xf32, #tpu.memory_space<hbm>>) dst(%arg9 : memref<128x128xf32, #tpu.memory_space<vmem>>)
      "tpu.region"() ({
        %run_scoped3A = tpu.sem_alloc : memref<!tpu.dma_semaphore, #tpu.memory_space<semaphore_mem>>
        %dma_start3A_25 = arith.constant 0 : i32
        %dma_start3A_26 = tpu.memref_slice %arg7[%multiple_of3A, %dma_start3A_25] : memref<61440x128xf32, #tpu.memory_space<hbm>> -> memref<128x128xf32, #tpu.memory_space<hbm>>
        %dma_start3A_27 = arith.constant 0 : i32
        %dma_start3A_28 = tpu.memref_slice %arg7[%multiple_of3A, %dma_start3A_27] : memref<61440x128xf32, #tpu.memory_space<hbm>> -> memref<128x128xf32, #tpu.memory_space<hbm>>
        tpu.enqueue_dma source(%arg9 : memref<128x128xf32, #tpu.memory_space<vmem>>) target(%dma_start3A_28 : memref<128x128xf32, #tpu.memory_space<hbm>>) target_semaphore(%run_scoped3A : memref<!tpu.dma_semaphore, #tpu.memory_space<semaphore_mem>>)
        %dma_wait3A_29 = arith.constant 0 : i32
        %dma_wait3A_30 = tpu.memref_slice %arg7[%multiple_of3A, %dma_wait3A_29] : memref<61440x128xf32, #tpu.memory_space<hbm>> -> memref<128x128xf32, #tpu.memory_space<hbm>>
        %dma_wait3A_31 = arith.constant 0 : i32
        %dma_wait3A_32 = tpu.memref_slice %arg7[%multiple_of3A, %dma_wait3A_31] : memref<61440x128xf32, #tpu.memory_space<hbm>> -> memref<128x128xf32, #tpu.memory_space<hbm>>
        tpu.wait_dma2 semaphore(%run_scoped3A : memref<!tpu.dma_semaphore, #tpu.memory_space<semaphore_mem>>) src(%arg9 : memref<128x128xf32, #tpu.memory_space<vmem>>) dst(%dma_wait3A_32 : memref<128x128xf32, #tpu.memory_space<hbm>>)
        tpu.yield
      }) : () -> ()
      %scan3A_24 = arith.constant 0 : i32
      scf.yield %scan3A_24 : i32
    }
    %scan3A_8 = arith.constant 15 : i32
    return
  }
}

module attributes {stable_mosaic.version = 14 : i64} {
  func.func @_prep0_body(%arg0: i32, %arg1: memref<512x128xf32, #tpu.memory_space<vmem>>, %arg2: memref<512x1xf32, #tpu.memory_space<vmem>>, %arg3: memref<1x128xf32, #tpu.memory_space<vmem>>, %arg4: memref<1x128xf32, #tpu.memory_space<vmem>>, %arg5: memref<128x128xf32, #tpu.memory_space<vmem>>, %arg6: memref<128x128xf32, #tpu.memory_space<vmem>>, %arg7: memref<128x128xf32, #tpu.memory_space<vmem>>, %arg8: memref<128x128xf32, #tpu.memory_space<vmem>>, %arg9: memref<1x128xf32, #tpu.memory_space<vmem>>, %arg10: memref<512x128xf32, #tpu.memory_space<vmem>>, %arg11: memref<512x128xf32, #tpu.memory_space<vmem>>) attributes {dimension_semantics = [#tpu.dimension_semantics<arbitrary>], iteration_bounds = array<i64: 98>, scalar_prefetch = 0 : i64, scratch_operands = 0 : i64, tpu.core_type = #tpu.core_type<tc>, window_params = [{transform_indices = @transform_0, window_bounds = array<i64: 512, 128>}, {transform_indices = @transform_1, window_bounds = array<i64: 512, 1>}, {pipeline_mode = #tpu.pipeline_mode<synchronous>, transform_indices = @transform_2, window_bounds = array<i64: 1, 128>}, {pipeline_mode = #tpu.pipeline_mode<synchronous>, transform_indices = @transform_3, window_bounds = array<i64: 1, 128>}, {pipeline_mode = #tpu.pipeline_mode<synchronous>, transform_indices = @transform_4, window_bounds = array<i64: 128, 128>}, {pipeline_mode = #tpu.pipeline_mode<synchronous>, transform_indices = @transform_5, window_bounds = array<i64: 128, 128>}, {pipeline_mode = #tpu.pipeline_mode<synchronous>, transform_indices = @transform_6, window_bounds = array<i64: 128, 128>}, {pipeline_mode = #tpu.pipeline_mode<synchronous>, transform_indices = @transform_7, window_bounds = array<i64: 128, 128>}, {pipeline_mode = #tpu.pipeline_mode<synchronous>, transform_indices = @transform_8, window_bounds = array<i64: 1, 128>}, {transform_indices = @transform_9, window_bounds = array<i64: 512, 128>}, {transform_indices = @transform_10, window_bounds = array<i64: 512, 128>}]} {
    %get3A = arith.constant 0 : index
    %get3A_0 = arith.constant 0 : index
    %get3A_1 = vector.load %arg2[%get3A, %get3A_0] : memref<512x1xf32, #tpu.memory_space<vmem>>, vector<512x1xf32>
    %get3A_2 = arith.constant 0 : index
    %get3A_3 = arith.constant 0 : index
    %get3A_4 = vector.load %arg3[%get3A_2, %get3A_3] : memref<1x128xf32, #tpu.memory_space<vmem>>, vector<1x128xf32>
    %mul3A = vector.broadcast %get3A_1 : vector<512x1xf32> to vector<512x128xf32>
    %mul3A_5 = vector.broadcast %get3A_4 : vector<1x128xf32> to vector<512x128xf32>
    %mul3A_6 = arith.mulf %mul3A, %mul3A_5 : vector<512x128xf32>
    %get3A_7 = arith.constant 0 : index
    %get3A_8 = arith.constant 0 : index
    %get3A_9 = vector.load %arg4[%get3A_7, %get3A_8] : memref<1x128xf32, #tpu.memory_space<vmem>>, vector<1x128xf32>
    %add3A = vector.broadcast %get3A_9 : vector<1x128xf32> to vector<512x128xf32>
    %add3A_10 = arith.addf %mul3A_6, %add3A : vector<512x128xf32>
    %cos3A = math.cos %add3A_10 : vector<512x128xf32>
    %get3A_11 = arith.constant 0 : index
    %get3A_12 = arith.constant 0 : index
    %get3A_13 = vector.load %arg1[%get3A_11, %get3A_12] : memref<512x128xf32, #tpu.memory_space<vmem>>, vector<512x128xf32>
    %get3A_14 = arith.constant 0 : index
    %get3A_15 = arith.constant 0 : index
    %get3A_16 = vector.load %arg5[%get3A_14, %get3A_15] : memref<128x128xf32, #tpu.memory_space<vmem>>, vector<128x128xf32>
    %dot_general3A = arith.constant dense<0.000000e+00> : vector<512x128xf32>
    %dot_general3A_17 = tpu.matmul %get3A_13, %get3A_16, %dot_general3A {dimension_numbers = #tpu.dot_dimension_numbers<[1], [0], [0], [1], [0, 0, 1, 1], [], []>, transpose_lhs_hint = false} : vector<512x128xf32>, vector<128x128xf32>, vector<512x128xf32> -> vector<512x128xf32>
    %get3A_18 = arith.constant 0 : index
    %get3A_19 = arith.constant 0 : index
    %get3A_20 = vector.load %arg6[%get3A_18, %get3A_19] : memref<128x128xf32, #tpu.memory_space<vmem>>, vector<128x128xf32>
    %dot_general3A_21 = arith.constant dense<0.000000e+00> : vector<512x128xf32>
    %dot_general3A_22 = tpu.matmul %cos3A, %get3A_20, %dot_general3A_21 {dimension_numbers = #tpu.dot_dimension_numbers<[1], [0], [0], [1], [0, 0, 1, 1], [], []>, transpose_lhs_hint = false} : vector<512x128xf32>, vector<128x128xf32>, vector<512x128xf32> -> vector<512x128xf32>
    %add3A_23 = arith.addf %dot_general3A_17, %dot_general3A_22 : vector<512x128xf32>
    %swap3A = arith.constant 0 : index
    %swap3A_24 = arith.constant 0 : index
    %swap3A_25 = vector.load %arg10[%swap3A, %swap3A_24] : memref<512x128xf32, #tpu.memory_space<vmem>>, vector<512x128xf32>
    tpu.vector_store %arg10[%swap3A, %swap3A_24], %add3A_23 {strides = array<i32>} : memref<512x128xf32, #tpu.memory_space<vmem>>, vector<512x128xf32>,
    %get3A_26 = arith.constant 0 : index
    %get3A_27 = arith.constant 0 : index
    %get3A_28 = vector.load %arg7[%get3A_26, %get3A_27] : memref<128x128xf32, #tpu.memory_space<vmem>>, vector<128x128xf32>
    %dot_general3A_29 = arith.constant dense<0.000000e+00> : vector<512x128xf32>
    %dot_general3A_30 = tpu.matmul %get3A_13, %get3A_28, %dot_general3A_29 {dimension_numbers = #tpu.dot_dimension_numbers<[1], [0], [0], [1], [0, 0, 1, 1], [], []>, transpose_lhs_hint = false} : vector<512x128xf32>, vector<128x128xf32>, vector<512x128xf32> -> vector<512x128xf32>
    %get3A_31 = arith.constant 0 : index
    %get3A_32 = arith.constant 0 : index
    %get3A_33 = vector.load %arg8[%get3A_31, %get3A_32] : memref<128x128xf32, #tpu.memory_space<vmem>>, vector<128x128xf32>
    %dot_general3A_34 = arith.constant dense<0.000000e+00> : vector<512x128xf32>
    %dot_general3A_35 = tpu.matmul %cos3A, %get3A_33, %dot_general3A_34 {dimension_numbers = #tpu.dot_dimension_numbers<[1], [0], [0], [1], [0, 0, 1, 1], [], []>, transpose_lhs_hint = false} : vector<512x128xf32>, vector<128x128xf32>, vector<512x128xf32> -> vector<512x128xf32>
    %add3A_36 = arith.addf %dot_general3A_30, %dot_general3A_35 : vector<512x128xf32>
    %get3A_37 = arith.constant 0 : index
    %get3A_38 = arith.constant 0 : index
    %get3A_39 = vector.load %arg9[%get3A_37, %get3A_38] : memref<1x128xf32, #tpu.memory_space<vmem>>, vector<1x128xf32>
    %add3A_40 = vector.broadcast %get3A_39 : vector<1x128xf32> to vector<512x128xf32>
    %add3A_41 = arith.addf %add3A_36, %add3A_40 : vector<512x128xf32>
    %swap3A_42 = arith.constant 0 : index
    %swap3A_43 = arith.constant 0 : index
    %swap3A_44 = vector.load %arg11[%swap3A_42, %swap3A_43] : memref<512x128xf32, #tpu.memory_space<vmem>>, vector<512x128xf32>
    tpu.vector_store %arg11[%swap3A_42, %swap3A_43], %add3A_41 {strides = array<i32>} : memref<512x128xf32, #tpu.memory_space<vmem>>, vector<512x128xf32>,
    return
  }
  func.func @transform_0(%arg0: i32) -> (i32, i32) {
    %c0_i32 = arith.constant 0 : i32
    %c0_i32_0 = arith.constant 0 : i32
    return %arg0, %c0_i32 : i32, i32
  }
  func.func @transform_1(%arg0: i32) -> (i32, i32) {
    %c0_i32 = arith.constant 0 : i32
    %c0_i32_0 = arith.constant 0 : i32
    return %arg0, %c0_i32 : i32, i32
  }
  func.func @transform_2(%arg0: i32) -> (i32, i32) {
    %c0_i32 = arith.constant 0 : i32
    %c0_i32_0 = arith.constant 0 : i32
    %c0_i32_1 = arith.constant 0 : i32
    return %c0_i32, %c0_i32_0 : i32, i32
  }
  func.func @transform_3(%arg0: i32) -> (i32, i32) {
    %c0_i32 = arith.constant 0 : i32
    %c0_i32_0 = arith.constant 0 : i32
    %c0_i32_1 = arith.constant 0 : i32
    return %c0_i32, %c0_i32_0 : i32, i32
  }
  func.func @transform_4(%arg0: i32) -> (i32, i32) {
    %c0_i32 = arith.constant 0 : i32
    %c0_i32_0 = arith.constant 0 : i32
    %c0_i32_1 = arith.constant 0 : i32
    return %c0_i32, %c0_i32_0 : i32, i32
  }
  func.func @transform_5(%arg0: i32) -> (i32, i32) {
    %c0_i32 = arith.constant 0 : i32
    %c0_i32_0 = arith.constant 0 : i32
    %c0_i32_1 = arith.constant 0 : i32
    return %c0_i32, %c0_i32_0 : i32, i32
  }
  func.func @transform_6(%arg0: i32) -> (i32, i32) {
    %c0_i32 = arith.constant 0 : i32
    %c0_i32_0 = arith.constant 0 : i32
    %c0_i32_1 = arith.constant 0 : i32
    return %c0_i32, %c0_i32_0 : i32, i32
  }
  func.func @transform_7(%arg0: i32) -> (i32, i32) {
    %c0_i32 = arith.constant 0 : i32
    %c0_i32_0 = arith.constant 0 : i32
    %c0_i32_1 = arith.constant 0 : i32
    return %c0_i32, %c0_i32_0 : i32, i32
  }
  func.func @transform_8(%arg0: i32) -> (i32, i32) {
    %c0_i32 = arith.constant 0 : i32
    %c0_i32_0 = arith.constant 0 : i32
    %c0_i32_1 = arith.constant 0 : i32
    return %c0_i32, %c0_i32_0 : i32, i32
  }
  func.func @transform_9(%arg0: i32) -> (i32, i32) {
    %c0_i32 = arith.constant 0 : i32
    %c0_i32_0 = arith.constant 0 : i32
    return %arg0, %c0_i32 : i32, i32
  }
  func.func @transform_10(%arg0: i32) -> (i32, i32) {
    %c0_i32 = arith.constant 0 : i32
    %c0_i32_0 = arith.constant 0 : i32
    return %arg0, %c0_i32 : i32, i32
  }
}

module attributes {stable_mosaic.version = 14 : i64} {
  func.func @_mid_body(%arg0: i32, %arg1: memref<128x128xf32, #tpu.memory_space<vmem>>, %arg2: memref<128x128xf32, #tpu.memory_space<vmem>>, %arg3: memref<128x8xf32, #tpu.memory_space<vmem>>, %arg4: memref<128x8xf32, #tpu.memory_space<vmem>>, %arg5: memref<128x128xf32, #tpu.memory_space<vmem>>, %arg6: memref<128x128xf32, #tpu.memory_space<vmem>>, %arg7: memref<128x128xf32, #tpu.memory_space<vmem>>, %arg8: memref<1x128xf32, #tpu.memory_space<vmem>>, %arg9: memref<128x128xf32, #tpu.memory_space<vmem>>, %arg10: memref<128x128xf32, #tpu.memory_space<vmem>>) attributes {dimension_semantics = [#tpu.dimension_semantics<arbitrary>], iteration_bounds = array<i64: 79>, scalar_prefetch = 0 : i64, scratch_operands = 0 : i64, tpu.core_type = #tpu.core_type<tc>, window_params = [{transform_indices = @transform_0, window_bounds = array<i64: 128, 128>}, {transform_indices = @transform_1, window_bounds = array<i64: 128, 128>}, {transform_indices = @transform_2, window_bounds = array<i64: 128, 8>}, {transform_indices = @transform_3, window_bounds = array<i64: 128, 8>}, {transform_indices = @transform_4, window_bounds = array<i64: 128, 128>}, {pipeline_mode = #tpu.pipeline_mode<synchronous>, transform_indices = @transform_5, window_bounds = array<i64: 128, 128>}, {pipeline_mode = #tpu.pipeline_mode<synchronous>, transform_indices = @transform_6, window_bounds = array<i64: 128, 128>}, {pipeline_mode = #tpu.pipeline_mode<synchronous>, transform_indices = @transform_7, window_bounds = array<i64: 1, 128>}, {transform_indices = @transform_8, window_bounds = array<i64: 128, 128>}, {transform_indices = @transform_9, window_bounds = array<i64: 128, 128>}]} {
    %get3A = arith.constant 0 : index
    %get3A_0 = arith.constant 0 : index
    %get3A_1 = vector.load %arg3[%get3A, %get3A_0] : memref<128x8xf32, #tpu.memory_space<vmem>>, vector<128x1xf32>
    %get3A_2 = vector.shape_cast %get3A_1 : vector<128x1xf32> to vector<128xf32>
    %get3A_3 = arith.constant 0 : index
    %get3A_4 = arith.constant 0 : index
    %get3A_5 = vector.load %arg4[%get3A_3, %get3A_4] : memref<128x8xf32, #tpu.memory_space<vmem>>, vector<128x1xf32>
    %get3A_6 = vector.shape_cast %get3A_5 : vector<128x1xf32> to vector<128xf32>
    %add3A = arith.addf %get3A_2, %get3A_6 : vector<128xf32>
    %jit3A = arith.constant 1.000000e+00 : f32
    %max3A = vector.broadcast %jit3A : f32 to vector<128xf32>
    %max3A_7 = arith.maximumf %max3A, %add3A : vector<128xf32>
    %div3A = arith.constant 1.000000e+00 : f32
    %div3A_8 = vector.broadcast %div3A : f32 to vector<128xf32>
    %div3A_9 = arith.divf %div3A_8, %max3A_7 : vector<128xf32>
    %get3A_10 = arith.constant 0 : index
    %get3A_11 = arith.constant 0 : index
    %get3A_12 = vector.load %arg1[%get3A_10, %get3A_11] : memref<128x128xf32, #tpu.memory_space<vmem>>, vector<128x128xf32>
    %get3A_13 = arith.constant 0 : index
    %get3A_14 = arith.constant 0 : index
    %get3A_15 = vector.load %arg2[%get3A_13, %get3A_14] : memref<128x128xf32, #tpu.memory_space<vmem>>, vector<128x128xf32>
    %add3A_16 = arith.addf %get3A_12, %get3A_15 : vector<128x128xf32>
    %broadcast_in_dim3A = vector.shape_cast %div3A_9 : vector<128xf32> to vector<128x1xf32>
    %mul3A = vector.broadcast %broadcast_in_dim3A : vector<128x1xf32> to vector<128x128xf32>
    %mul3A_17 = arith.mulf %add3A_16, %mul3A : vector<128x128xf32>
    %get3A_18 = arith.constant 0 : index
    %get3A_19 = arith.constant 0 : index
    %get3A_20 = vector.load %arg5[%get3A_18, %get3A_19] : memref<128x128xf32, #tpu.memory_space<vmem>>, vector<128x128xf32>
    %add3A_21 = arith.addf %mul3A_17, %get3A_20 : vector<128x128xf32>
    %max3A_22 = arith.constant 0.000000e+00 : f32
    %max3A_23 = vector.broadcast %max3A_22 : f32 to vector<128x128xf32>
    %max3A_24 = arith.maximumf %add3A_21, %max3A_23 : vector<128x128xf32>
    %get3A_25 = arith.constant 0 : index
    %get3A_26 = arith.constant 0 : index
    %get3A_27 = vector.load %arg6[%get3A_25, %get3A_26] : memref<128x128xf32, #tpu.memory_space<vmem>>, vector<128x128xf32>
    %dot_general3A = arith.constant dense<0.000000e+00> : vector<128x128xf32>
    %dot_general3A_28 = tpu.matmul %max3A_24, %get3A_27, %dot_general3A {dimension_numbers = #tpu.dot_dimension_numbers<[1], [0], [0], [1], [0, 0, 1, 1], [], []>, transpose_lhs_hint = false} : vector<128x128xf32>, vector<128x128xf32>, vector<128x128xf32> -> vector<128x128xf32>
    %swap3A = arith.constant 0 : index
    %swap3A_29 = arith.constant 0 : index
    %swap3A_30 = vector.load %arg9[%swap3A, %swap3A_29] : memref<128x128xf32, #tpu.memory_space<vmem>>, vector<128x128xf32>
    tpu.vector_store %arg9[%swap3A, %swap3A_29], %dot_general3A_28 {strides = array<i32>} : memref<128x128xf32, #tpu.memory_space<vmem>>, vector<128x128xf32>,
    %get3A_31 = arith.constant 0 : index
    %get3A_32 = arith.constant 0 : index
    %get3A_33 = vector.load %arg7[%get3A_31, %get3A_32] : memref<128x128xf32, #tpu.memory_space<vmem>>, vector<128x128xf32>
    %dot_general3A_34 = arith.constant dense<0.000000e+00> : vector<128x128xf32>
    %dot_general3A_35 = tpu.matmul %max3A_24, %get3A_33, %dot_general3A_34 {dimension_numbers = #tpu.dot_dimension_numbers<[1], [0], [0], [1], [0, 0, 1, 1], [], []>, transpose_lhs_hint = false} : vector<128x128xf32>, vector<128x128xf32>, vector<128x128xf32> -> vector<128x128xf32>
    %get3A_36 = arith.constant 0 : index
    %get3A_37 = arith.constant 0 : index
    %get3A_38 = vector.load %arg8[%get3A_36, %get3A_37] : memref<1x128xf32, #tpu.memory_space<vmem>>, vector<1x128xf32>
    %add3A_39 = vector.broadcast %get3A_38 : vector<1x128xf32> to vector<128x128xf32>
    %add3A_40 = arith.addf %dot_general3A_35, %add3A_39 : vector<128x128xf32>
    %swap3A_41 = arith.constant 0 : index
    %swap3A_42 = arith.constant 0 : index
    %swap3A_43 = vector.load %arg10[%swap3A_41, %swap3A_42] : memref<128x128xf32, #tpu.memory_space<vmem>>, vector<128x128xf32>
    tpu.vector_store %arg10[%swap3A_41, %swap3A_42], %add3A_40 {strides = array<i32>} : memref<128x128xf32, #tpu.memory_space<vmem>>, vector<128x128xf32>,
    return
  }
  func.func @transform_0(%arg0: i32) -> (i32, i32) {
    %c0_i32 = arith.constant 0 : i32
    %c0_i32_0 = arith.constant 0 : i32
    return %arg0, %c0_i32 : i32, i32
  }
  func.func @transform_1(%arg0: i32) -> (i32, i32) {
    %c0_i32 = arith.constant 0 : i32
    %c0_i32_0 = arith.constant 0 : i32
    return %arg0, %c0_i32 : i32, i32
  }
  func.func @transform_2(%arg0: i32) -> (i32, i32) {
    %c0_i32 = arith.constant 0 : i32
    %c0_i32_0 = arith.constant 0 : i32
    return %arg0, %c0_i32 : i32, i32
  }
  func.func @transform_3(%arg0: i32) -> (i32, i32) {
    %c0_i32 = arith.constant 0 : i32
    %c0_i32_0 = arith.constant 0 : i32
    return %arg0, %c0_i32 : i32, i32
  }
  func.func @transform_4(%arg0: i32) -> (i32, i32) {
    %c0_i32 = arith.constant 0 : i32
    %c0_i32_0 = arith.constant 0 : i32
    return %arg0, %c0_i32 : i32, i32
  }
  func.func @transform_5(%arg0: i32) -> (i32, i32) {
    %c0_i32 = arith.constant 0 : i32
    %c0_i32_0 = arith.constant 0 : i32
    %c0_i32_1 = arith.constant 0 : i32
    return %c0_i32, %c0_i32_0 : i32, i32
  }
  func.func @transform_6(%arg0: i32) -> (i32, i32) {
    %c0_i32 = arith.constant 0 : i32
    %c0_i32_0 = arith.constant 0 : i32
    %c0_i32_1 = arith.constant 0 : i32
    return %c0_i32, %c0_i32_0 : i32, i32
  }
  func.func @transform_7(%arg0: i32) -> (i32, i32) {
    %c0_i32 = arith.constant 0 : i32
    %c0_i32_0 = arith.constant 0 : i32
    %c0_i32_1 = arith.constant 0 : i32
    return %c0_i32, %c0_i32_0 : i32, i32
  }
  func.func @transform_8(%arg0: i32) -> (i32, i32) {
    %c0_i32 = arith.constant 0 : i32
    %c0_i32_0 = arith.constant 0 : i32
    return %arg0, %c0_i32 : i32, i32
  }
  func.func @transform_9(%arg0: i32) -> (i32, i32) {
    %c0_i32 = arith.constant 0 : i32
    %c0_i32_0 = arith.constant 0 : i32
    return %arg0, %c0_i32 : i32, i32
  }
}

module attributes {stable_mosaic.version = 14 : i64} {
  func.func @_post_body(%arg0: i32, %arg1: memref<128x128xf32, #tpu.memory_space<vmem>>, %arg2: memref<128x128xf32, #tpu.memory_space<vmem>>, %arg3: memref<128x8xf32, #tpu.memory_space<vmem>>, %arg4: memref<128x8xf32, #tpu.memory_space<vmem>>, %arg5: memref<128x128xf32, #tpu.memory_space<vmem>>, %arg6: memref<128x128xf32, #tpu.memory_space<vmem>>, %arg7: memref<128x1xf32, #tpu.memory_space<vmem>>, %arg8: memref<1x128xf32, #tpu.memory_space<vmem>>, %arg9: memref<1x128xf32, #tpu.memory_space<vmem>>, %arg10: memref<128x128xf32, #tpu.memory_space<vmem>>, %arg11: memref<128x128xf32, #tpu.memory_space<vmem>>, %arg12: memref<128x128xf32, #tpu.memory_space<vmem>>, %arg13: memref<1x128xf32, #tpu.memory_space<vmem>>, %arg14: memref<128x128xf32, #tpu.memory_space<vmem>>, %arg15: memref<128x128xf32, #tpu.memory_space<vmem>>) attributes {dimension_semantics = [#tpu.dimension_semantics<arbitrary>], iteration_bounds = array<i64: 79>, scalar_prefetch = 0 : i64, scratch_operands = 0 : i64, tpu.core_type = #tpu.core_type<tc>, window_params = [{transform_indices = @transform_0, window_bounds = array<i64: 128, 128>}, {transform_indices = @transform_1, window_bounds = array<i64: 128, 128>}, {transform_indices = @transform_2, window_bounds = array<i64: 128, 8>}, {transform_indices = @transform_3, window_bounds = array<i64: 128, 8>}, {transform_indices = @transform_4, window_bounds = array<i64: 128, 128>}, {transform_indices = @transform_5, window_bounds = array<i64: 128, 128>}, {transform_indices = @transform_6, window_bounds = array<i64: 128, 1>}, {pipeline_mode = #tpu.pipeline_mode<synchronous>, transform_indices = @transform_7, window_bounds = array<i64: 1, 128>}, {pipeline_mode = #tpu.pipeline_mode<synchronous>, transform_indices = @transform_8, window_bounds = array<i64: 1, 128>}, {pipeline_mode = #tpu.pipeline_mode<synchronous>, transform_indices = @transform_9, window_bounds = array<i64: 128, 128>}, {pipeline_mode = #tpu.pipeline_mode<synchronous>, transform_indices = @transform_10, window_bounds = array<i64: 128, 128>}, {pipeline_mode = #tpu.pipeline_mode<synchronous>, transform_indices = @transform_11, window_bounds = array<i64: 128, 128>}, {pipeline_mode = #tpu.pipeline_mode<synchronous>, transform_indices = @transform_12, window_bounds = array<i64: 1, 128>}, {transform_indices = @transform_13, window_bounds = array<i64: 128, 128>}, {transform_indices = @transform_14, window_bounds = array<i64: 128, 128>}]} {
    %get3A = arith.constant 0 : index
    %get3A_0 = arith.constant 0 : index
    %get3A_1 = vector.load %arg3[%get3A, %get3A_0] : memref<128x8xf32, #tpu.memory_space<vmem>>, vector<128x1xf32>
    %get3A_2 = vector.shape_cast %get3A_1 : vector<128x1xf32> to vector<128xf32>
    %get3A_3 = arith.constant 0 : index
    %get3A_4 = arith.constant 0 : index
    %get3A_5 = vector.load %arg4[%get3A_3, %get3A_4] : memref<128x8xf32, #tpu.memory_space<vmem>>, vector<128x1xf32>
    %get3A_6 = vector.shape_cast %get3A_5 : vector<128x1xf32> to vector<128xf32>
    %add3A = arith.addf %get3A_2, %get3A_6 : vector<128xf32>
    %jit3A = arith.constant 1.000000e+00 : f32
    %max3A = vector.broadcast %jit3A : f32 to vector<128xf32>
    %max3A_7 = arith.maximumf %max3A, %add3A : vector<128xf32>
    %div3A = arith.constant 1.000000e+00 : f32
    %div3A_8 = vector.broadcast %div3A : f32 to vector<128xf32>
    %div3A_9 = arith.divf %div3A_8, %max3A_7 : vector<128xf32>
    %get3A_10 = arith.constant 0 : index
    %get3A_11 = arith.constant 0 : index
    %get3A_12 = vector.load %arg1[%get3A_10, %get3A_11] : memref<128x128xf32, #tpu.memory_space<vmem>>, vector<128x128xf32>
    %get3A_13 = arith.constant 0 : index
    %get3A_14 = arith.constant 0 : index
    %get3A_15 = vector.load %arg2[%get3A_13, %get3A_14] : memref<128x128xf32, #tpu.memory_space<vmem>>, vector<128x128xf32>
    %add3A_16 = arith.addf %get3A_12, %get3A_15 : vector<128x128xf32>
    %broadcast_in_dim3A = vector.shape_cast %div3A_9 : vector<128xf32> to vector<128x1xf32>
    %mul3A = vector.broadcast %broadcast_in_dim3A : vector<128x1xf32> to vector<128x128xf32>
    %mul3A_17 = arith.mulf %add3A_16, %mul3A : vector<128x128xf32>
    %get3A_18 = arith.constant 0 : index
    %get3A_19 = arith.constant 0 : index
    %get3A_20 = vector.load %arg5[%get3A_18, %get3A_19] : memref<128x128xf32, #tpu.memory_space<vmem>>, vector<128x128xf32>
    %add3A_21 = arith.addf %mul3A_17, %get3A_20 : vector<128x128xf32>
    %get3A_22 = arith.constant 0 : index
    %get3A_23 = arith.constant 0 : index
    %get3A_24 = vector.load %arg7[%get3A_22, %get3A_23] : memref<128x1xf32, #tpu.memory_space<vmem>>, vector<128x1xf32>
    %get3A_25 = arith.constant 0 : index
    %get3A_26 = arith.constant 0 : index
    %get3A_27 = vector.load %arg8[%get3A_25, %get3A_26] : memref<1x128xf32, #tpu.memory_space<vmem>>, vector<1x128xf32>
    %mul3A_28 = vector.broadcast %get3A_24 : vector<128x1xf32> to vector<128x128xf32>
    %mul3A_29 = vector.broadcast %get3A_27 : vector<1x128xf32> to vector<128x128xf32>
    %mul3A_30 = arith.mulf %mul3A_28, %mul3A_29 : vector<128x128xf32>
    %get3A_31 = arith.constant 0 : index
    %get3A_32 = arith.constant 0 : index
    %get3A_33 = vector.load %arg9[%get3A_31, %get3A_32] : memref<1x128xf32, #tpu.memory_space<vmem>>, vector<1x128xf32>
    %add3A_34 = vector.broadcast %get3A_33 : vector<1x128xf32> to vector<128x128xf32>
    %add3A_35 = arith.addf %mul3A_30, %add3A_34 : vector<128x128xf32>
    %cos3A = math.cos %add3A_35 : vector<128x128xf32>
    %get3A_36 = arith.constant 0 : index
    %get3A_37 = arith.constant 0 : index
    %get3A_38 = vector.load %arg6[%get3A_36, %get3A_37] : memref<128x128xf32, #tpu.memory_space<vmem>>, vector<128x128xf32>
    %add3A_39 = arith.addf %get3A_38, %cos3A : vector<128x128xf32>
    %get3A_40 = arith.constant 0 : index
    %get3A_41 = arith.constant 0 : index
    %get3A_42 = vector.load %arg10[%get3A_40, %get3A_41] : memref<128x128xf32, #tpu.memory_space<vmem>>, vector<128x128xf32>
    %dot_general3A = arith.constant dense<0.000000e+00> : vector<128x128xf32>
    %dot_general3A_43 = tpu.matmul %add3A_39, %get3A_42, %dot_general3A {dimension_numbers = #tpu.dot_dimension_numbers<[1], [0], [0], [1], [0, 0, 1, 1], [], []>, transpose_lhs_hint = false} : vector<128x128xf32>, vector<128x128xf32>, vector<128x128xf32> -> vector<128x128xf32>
    %swap3A = arith.constant 0 : index
    %swap3A_44 = arith.constant 0 : index
    %swap3A_45 = vector.load %arg14[%swap3A, %swap3A_44] : memref<128x128xf32, #tpu.memory_space<vmem>>, vector<128x128xf32>
    tpu.vector_store %arg14[%swap3A, %swap3A_44], %dot_general3A_43 {strides = array<i32>} : memref<128x128xf32, #tpu.memory_space<vmem>>, vector<128x128xf32>,
    %get3A_46 = arith.constant 0 : index
    %get3A_47 = arith.constant 0 : index
    %get3A_48 = vector.load %arg11[%get3A_46, %get3A_47] : memref<128x128xf32, #tpu.memory_space<vmem>>, vector<128x128xf32>
    %dot_general3A_49 = arith.constant dense<0.000000e+00> : vector<128x128xf32>
    %dot_general3A_50 = tpu.matmul %add3A_21, %get3A_48, %dot_general3A_49 {dimension_numbers = #tpu.dot_dimension_numbers<[1], [0], [0], [1], [0, 0, 1, 1], [], []>, transpose_lhs_hint = false} : vector<128x128xf32>, vector<128x128xf32>, vector<128x128xf32> -> vector<128x128xf32>
    %get3A_51 = arith.constant 0 : index
    %get3A_52 = arith.constant 0 : index
    %get3A_53 = vector.load %arg12[%get3A_51, %get3A_52] : memref<128x128xf32, #tpu.memory_space<vmem>>, vector<128x128xf32>
    %dot_general3A_54 = arith.constant dense<0.000000e+00> : vector<128x128xf32>
    %dot_general3A_55 = tpu.matmul %add3A_39, %get3A_53, %dot_general3A_54 {dimension_numbers = #tpu.dot_dimension_numbers<[1], [0], [0], [1], [0, 0, 1, 1], [], []>, transpose_lhs_hint = false} : vector<128x128xf32>, vector<128x128xf32>, vector<128x128xf32> -> vector<128x128xf32>
    %add3A_56 = arith.addf %dot_general3A_50, %dot_general3A_55 : vector<128x128xf32>
    %get3A_57 = arith.constant 0 : index
    %get3A_58 = arith.constant 0 : index
    %get3A_59 = vector.load %arg13[%get3A_57, %get3A_58] : memref<1x128xf32, #tpu.memory_space<vmem>>, vector<1x128xf32>
    %add3A_60 = vector.broadcast %get3A_59 : vector<1x128xf32> to vector<128x128xf32>
    %add3A_61 = arith.addf %add3A_56, %add3A_60 : vector<128x128xf32>
    %swap3A_62 = arith.constant 0 : index
    %swap3A_63 = arith.constant 0 : index
    %swap3A_64 = vector.load %arg15[%swap3A_62, %swap3A_63] : memref<128x128xf32, #tpu.memory_space<vmem>>, vector<128x128xf32>
    tpu.vector_store %arg15[%swap3A_62, %swap3A_63], %add3A_61 {strides = array<i32>} : memref<128x128xf32, #tpu.memory_space<vmem>>, vector<128x128xf32>,
    return
  }
  func.func @transform_0(%arg0: i32) -> (i32, i32) {
    %c0_i32 = arith.constant 0 : i32
    %c0_i32_0 = arith.constant 0 : i32
    return %arg0, %c0_i32 : i32, i32
  }
  func.func @transform_1(%arg0: i32) -> (i32, i32) {
    %c0_i32 = arith.constant 0 : i32
    %c0_i32_0 = arith.constant 0 : i32
    return %arg0, %c0_i32 : i32, i32
  }
  func.func @transform_2(%arg0: i32) -> (i32, i32) {
    %c0_i32 = arith.constant 0 : i32
    %c0_i32_0 = arith.constant 0 : i32
    return %arg0, %c0_i32 : i32, i32
  }
  func.func @transform_3(%arg0: i32) -> (i32, i32) {
    %c0_i32 = arith.constant 0 : i32
    %c0_i32_0 = arith.constant 0 : i32
    return %arg0, %c0_i32 : i32, i32
  }
  func.func @transform_4(%arg0: i32) -> (i32, i32) {
    %c0_i32 = arith.constant 0 : i32
    %c0_i32_0 = arith.constant 0 : i32
    return %arg0, %c0_i32 : i32, i32
  }
  func.func @transform_5(%arg0: i32) -> (i32, i32) {
    %c0_i32 = arith.constant 0 : i32
    %c0_i32_0 = arith.constant 0 : i32
    return %arg0, %c0_i32 : i32, i32
  }
  func.func @transform_6(%arg0: i32) -> (i32, i32) {
    %c0_i32 = arith.constant 0 : i32
    %c0_i32_0 = arith.constant 0 : i32
    return %arg0, %c0_i32 : i32, i32
  }
  func.func @transform_7(%arg0: i32) -> (i32, i32) {
    %c0_i32 = arith.constant 0 : i32
    %c0_i32_0 = arith.constant 0 : i32
    %c0_i32_1 = arith.constant 0 : i32
    return %c0_i32, %c0_i32_0 : i32, i32
  }
  func.func @transform_8(%arg0: i32) -> (i32, i32) {
    %c0_i32 = arith.constant 0 : i32
    %c0_i32_0 = arith.constant 0 : i32
    %c0_i32_1 = arith.constant 0 : i32
    return %c0_i32, %c0_i32_0 : i32, i32
  }
  func.func @transform_9(%arg0: i32) -> (i32, i32) {
    %c0_i32 = arith.constant 0 : i32
    %c0_i32_0 = arith.constant 0 : i32
    %c0_i32_1 = arith.constant 0 : i32
    return %c0_i32, %c0_i32_0 : i32, i32
  }
  func.func @transform_10(%arg0: i32) -> (i32, i32) {
    %c0_i32 = arith.constant 0 : i32
    %c0_i32_0 = arith.constant 0 : i32
    %c0_i32_1 = arith.constant 0 : i32
    return %c0_i32, %c0_i32_0 : i32, i32
  }
  func.func @transform_11(%arg0: i32) -> (i32, i32) {
    %c0_i32 = arith.constant 0 : i32
    %c0_i32_0 = arith.constant 0 : i32
    %c0_i32_1 = arith.constant 0 : i32
    return %c0_i32, %c0_i32_0 : i32, i32
  }
  func.func @transform_12(%arg0: i32) -> (i32, i32) {
    %c0_i32 = arith.constant 0 : i32
    %c0_i32_0 = arith.constant 0 : i32
    %c0_i32_1 = arith.constant 0 : i32
    return %c0_i32, %c0_i32_0 : i32, i32
  }
  func.func @transform_13(%arg0: i32) -> (i32, i32) {
    %c0_i32 = arith.constant 0 : i32
    %c0_i32_0 = arith.constant 0 : i32
    return %arg0, %c0_i32 : i32, i32
  }
  func.func @transform_14(%arg0: i32) -> (i32, i32) {
    %c0_i32 = arith.constant 0 : i32
    %c0_i32_0 = arith.constant 0 : i32
    return %arg0, %c0_i32 : i32, i32
  }
}

module attributes {stable_mosaic.version = 14 : i64} {
  func.func @_score_body(%arg0: i32, %arg1: memref<512x128xf32, #tpu.memory_space<vmem>>, %arg2: memref<512x128xf32, #tpu.memory_space<vmem>>, %arg3: memref<1x128xf32, #tpu.memory_space<vmem>>, %arg4: memref<1x1xf32, #tpu.memory_space<vmem>>, %arg5: memref<512x1xf32, #tpu.memory_space<vmem>>) attributes {dimension_semantics = [#tpu.dimension_semantics<arbitrary>], iteration_bounds = array<i64: 120>, scalar_prefetch = 0 : i64, scratch_operands = 0 : i64, tpu.core_type = #tpu.core_type<tc>, window_params = [{transform_indices = @transform_0, window_bounds = array<i64: 512, 128>}, {transform_indices = @transform_1, window_bounds = array<i64: 512, 128>}, {pipeline_mode = #tpu.pipeline_mode<synchronous>, transform_indices = @transform_2, window_bounds = array<i64: 1, 128>}, {pipeline_mode = #tpu.pipeline_mode<synchronous>, transform_indices = @transform_3, window_bounds = array<i64: 1, 1>}, {transform_indices = @transform_4, window_bounds = array<i64: 512, 1>}]} {
    %get3A = arith.constant 0 : index
    %get3A_0 = arith.constant 0 : index
    %get3A_1 = vector.load %arg1[%get3A, %get3A_0] : memref<512x128xf32, #tpu.memory_space<vmem>>, vector<512x128xf32>
    %get3A_2 = arith.constant 0 : index
    %get3A_3 = arith.constant 0 : index
    %get3A_4 = vector.load %arg2[%get3A_2, %get3A_3] : memref<512x128xf32, #tpu.memory_space<vmem>>, vector<512x128xf32>
    %add3A = arith.addf %get3A_1, %get3A_4 : vector<512x128xf32>
    %max3A = arith.constant 0.000000e+00 : f32
    %max3A_5 = vector.broadcast %max3A : f32 to vector<512x128xf32>
    %max3A_6 = arith.maximumf %add3A, %max3A_5 : vector<512x128xf32>
    %get3A_7 = arith.constant 0 : index
    %get3A_8 = arith.constant 0 : index
    %get3A_9 = vector.load %arg3[%get3A_7, %get3A_8] : memref<1x128xf32, #tpu.memory_space<vmem>>, vector<1x128xf32>
    %mul3A = vector.broadcast %get3A_9 : vector<1x128xf32> to vector<512x128xf32>
    %mul3A_10 = arith.mulf %max3A_6, %mul3A : vector<512x128xf32>
    %reduce_sum3A = arith.constant dense<0.000000e+00> : vector<512xf32>
    %reduce_sum3A_11 = vector.multi_reduction <add>, %mul3A_10, %reduce_sum3A [1] : vector<512x128xf32> to vector<512xf32>
    %broadcast_in_dim3A = vector.shape_cast %reduce_sum3A_11 : vector<512xf32> to vector<512x1xf32>
    %get3A_12 = arith.constant 0 : index
    %get3A_13 = arith.constant 0 : index
    %get3A_14 = vector.load %arg4[%get3A_12, %get3A_13] : memref<1x1xf32, #tpu.memory_space<vmem>>, vector<1x1xf32>
    %add3A_15 = vector.broadcast %get3A_14 : vector<1x1xf32> to vector<512x1xf32>
    %add3A_16 = arith.addf %broadcast_in_dim3A, %add3A_15 : vector<512x1xf32>
    %swap3A = arith.constant 0 : index
    %swap3A_17 = arith.constant 0 : index
    %swap3A_18 = vector.load %arg5[%swap3A, %swap3A_17] : memref<512x1xf32, #tpu.memory_space<vmem>>, vector<512x1xf32>
    tpu.vector_store %arg5[%swap3A, %swap3A_17], %add3A_16 {strides = array<i32>} : memref<512x1xf32, #tpu.memory_space<vmem>>, vector<512x1xf32>,
    return
  }
  func.func @transform_0(%arg0: i32) -> (i32, i32) {
    %c0_i32 = arith.constant 0 : i32
    %c0_i32_0 = arith.constant 0 : i32
    return %arg0, %c0_i32 : i32, i32
  }
  func.func @transform_1(%arg0: i32) -> (i32, i32) {
    %c0_i32 = arith.constant 0 : i32
    %c0_i32_0 = arith.constant 0 : i32
    return %arg0, %c0_i32 : i32, i32
  }
  func.func @transform_2(%arg0: i32) -> (i32, i32) {
    %c0_i32 = arith.constant 0 : i32
    %c0_i32_0 = arith.constant 0 : i32
    %c0_i32_1 = arith.constant 0 : i32
    return %c0_i32, %c0_i32_0 : i32, i32
  }
  func.func @transform_3(%arg0: i32) -> (i32, i32) {
    %c0_i32 = arith.constant 0 : i32
    %c0_i32_0 = arith.constant 0 : i32
    %c0_i32_1 = arith.constant 0 : i32
    return %c0_i32, %c0_i32_0 : i32, i32
  }
  func.func @transform_4(%arg0: i32) -> (i32, i32) {
    %c0_i32 = arith.constant 0 : i32
    %c0_i32_0 = arith.constant 0 : i32
    return %arg0, %c0_i32 : i32, i32
  }
}

</mosaic_0001>

<sc_bundles>
// kernel: kernel.10.cloned.1.call-start
scs
__scs_entry_jumppad:
0x0: {  	(pc) =	sbr.rel $0x88, $3  }
0x1: {  	(tag) =	ssettag $0x0;
	lr =	simm.s32 $0x1  }
0x2: {  	[smem:$0x3F8D] =	sst lr;
	_ =	strace $0xD0000000  }
0x3: {  	_ = 	snop  }
0x4: {  	_ = 	snop  }
0x5: {  	_ = 	snop  }
0x6: {  	_ = 	snop  }
0x7: {  	_ = 	snop  }
__scs_overlays_trampoline_lowered:
0x8: {  	[smem:$0x3F9C] =	sst s0  }
0x9: {  	[smem:$0x3F9D] =	sst s1  }
0xa: {  	[smem:$0x3F9E] =	sst s2  }
0xb: {  	[smem:$0x3F9F] =	sst s3  }
0xc: {  	[smem:$0x3FA0] =	sst s4  }
0xd: {  	[smem:$0x3FA1] =	sst s5  }
0xe: {  	[smem:$0x3FA2] =	sst s6  }
0xf: {  	[smem:$0x3FA3] =	sst s7  }
0x10: {  	[smem:$0x3FA4] =	sst s8  }
0x11: {  	[smem:$0x3FA5] =	sst s9;
	s0 =	simm.s32 @!p0 $0x0  }
0x12: {  	s1 =	sld [smem:$0x3F8B];
	s0 =	simm.s32 @p0 $0x1  }
0x13: {  	[smem:$0x3FA6] =	sst s0;
	s0 =	simm.s32 @!p1 $0x0  }
0x14: {  	s2 =	sld [smem:$0x3F8A];
	s0 =	simm.s32 @p1 $0x1  }
0x15: {  	[smem:$0x3FA7] =	sst s0;
	s0 =	simm.s32 @!p2 $0x0  }
0x16: {  	s3 =	sld [smem:$0x3FDB];
	s0 =	simm.s32 @p2 $0x1  }
0x17: {  	s4 =	simm.s32 $0x1BF5;
	[smem:$0x3FA9] =	sst s0  }
0x18: {  	s0 =	sld [smem:$0x3F8C];
	_ =	swait.ge [sflag:s4], $0x0  }
0x19: {  	s7 =	sld [smem:$0x3F8D]  }
0x1a: {  	s8 =	sadd.s32 $0xFFFFE003, lr  }
0x1b: {  	s9 =	sadd.s32 $0xFFFFFEF7, lr;
	s5 =	simm.s32 $0xFFFFFFFF;
	p2 =	slt.u32 s8, $0xFFFFF086  }
0x1c: {  	p1 =	slt.u32 s9, $0xF7A;
	s5 =	simm.s32 @!p2 $0x0  }
0x1d: {  	s5 =	simm.s32 @p1 $0x1;
	p0 =	seq.s32 s7, s2  }
0x1e: {  	s7 =	smul.u32 @!p0 $0xF7A, s2;
	p2 =	seq.s32 @!p0 s5, $0x0  }
0x1f: {  	s9 =	smul.u32 $0xF7A, s1;
	s8 =	simm.s32 @!p0 $0x1BF5;
	p2 =	por !p2, p0  }
0x20: {  	[sflag:s8] =	ssyncset.s32 @!p0 $0xFFFFF086;
	s6 =	sadd.s32 @!p0 s3, s7;
	s7 =	simm.s32 @!p0 $0x108  }
0x21: {  	s3 =	sadd.s32 s3, s9;
	s6 =	sadd.s32 @!p0 $0x88, s6;
	s7 =	simm.s32 @p2 $0x1082  }
0x22: {  	[simem:s7], [sflag:s8] =	dma.local @!p0 [hbm:s6], $0xF7A  }
0x23: {  	s9 =	sor.u32 $0xD0000000, s2;
	s6 =	simm.s32 $0x108;
	_ =	swait.ge @!p0 [sflag:s8], $0x0  }
0x24: {  	s3 =	sadd.s32 $0x88, s3;
	s6 =	simm.s32 @!p1 $0x1082;
	[sflag:s4] =	ssyncset.s32 $0xFFFFF086  }
0x25: {  	[simem:s6], [sflag:s4] =	dma.local [hbm:s3], $0xF7A  }
0x26: {  	[smem:$0x3F8D] =	sst s1;
	(tag) =	ssettag s2;
	_ =	strace s9  }
0x27: {  	s1 =	sld [smem:$0x3F9D]  }
0x28: {  	s2 =	sld [smem:$0x3F9E]  }
0x29: {  	s4 =	sld [smem:$0x3FA0]  }
0x2a: {  	p0 =	seq.s32 s5, $0x0;
	s5 =	sld [smem:$0x3FA1]  }
0x2b: {  	s6 =	sld [smem:$0x3FA2]  }
0x2c: {  	s7 =	sld [smem:$0x3FA3]  }
0x2d: {  	s3 =	simm.s32 $0x108;
	s8 =	sld [smem:$0x3FA4]  }
0x2e: {  	s3 =	simm.s32 @!p0 $0x1082;
	s9 =	sld [smem:$0x3FA5]  }
0x2f: {  	lr =	sadd.s32 s0, s3;
	s0 =	sld [smem:$0x3F9C]  }
0x30: {  	s3 =	sld [smem:$0x3F9F]  }
0x31: {  	[smem:$0x3FA8] =	sst s10  }
0x32: {  	s10 =	sld [smem:$0x3FA6];
	_ =	sdelay $0x3  }
0x33: {  	p0 =	seq.s32 s10, $0x1;
	s10 =	sld [smem:$0x3FA8];
	_ =	sdelay $0x3  }
0x34: {  	[smem:$0x3FA8] =	sst s10  }
0x35: {  	s10 =	sld [smem:$0x3FA7];
	_ =	sdelay $0x3  }
0x36: {  	p1 =	seq.s32 s10, $0x1;
	s10 =	sld [smem:$0x3FA8];
	_ =	sdelay $0x3  }
0x37: {  	[smem:$0x3FA8] =	sst s10  }
0x38: {  	s10 =	sld [smem:$0x3FA9]  }
0x39: {  	_ = 	snop;
	(pc) =	sbr.ind lr, $3  }
0x3a: {  	_ = 	snop  }
0x3b: {  	_ = 	snop  }
0x3c: {  	p2 =	seq.s32 s10, $0x1;
	s10 =	sld [smem:$0x3FA8]  }
0x3d: {  	_ =	shalt  }
0x3e: {  	_ =	shalt  }
0x3f: {  	_ =	shalt  }
0x40: {  	_ =	shalt  }
0x41: {  	_ =	shalt  }
0x42: {  	_ =	shalt  }
0x43: {  	_ =	shalt  }
0x44: {  	_ =	shalt  }
0x45: {  	_ =	shalt  }
0x46: {  	_ =	shalt  }
0x47: {  	_ =	shalt  }
0x48: {  	_ =	shalt  }
0x49: {  	_ =	shalt  }
0x4a: {  	_ =	shalt  }
0x4b: {  	_ =	shalt  }
0x4c: {  	_ =	shalt  }
0x4d: {  	_ =	shalt  }
0x4e: {  	_ =	shalt  }
0x4f: {  	_ =	shalt  }
0x50: {  	_ =	shalt  }
0x51: {  	_ =	shalt  }
0x52: {  	_ =	shalt  }
0x53: {  	_ =	shalt  }
0x54: {  	_ =	shalt  }
0x55: {  	_ =	shalt  }
0x56: {  	_ =	shalt  }
0x57: {  	_ =	shalt  }
0x58: {  	_ =	shalt  }
0x59: {  	_ =	shalt  }
0x5a: {  	_ =	shalt  }
0x5b: {  	_ =	shalt  }
0x5c: {  	_ =	shalt  }
0x5d: {  	_ =	shalt  }
0x5e: {  	_ =	shalt  }
0x5f: {  	_ =	shalt  }
0x60: {  	_ =	shalt  }
0x61: {  	_ =	shalt  }
0x62: {  	_ =	shalt  }
0x63: {  	_ =	shalt  }
0x64: {  	_ =	shalt  }
0x65: {  	_ =	shalt  }
0x66: {  	_ =	shalt  }
0x67: {  	_ =	shalt  }
0x68: {  	_ =	shalt  }
0x69: {  	_ =	shalt  }
0x6a: {  	_ =	shalt  }
0x6b: {  	_ =	shalt  }
0x6c: {  	_ =	shalt  }
0x6d: {  	_ =	shalt  }
0x6e: {  	_ =	shalt  }
0x6f: {  	_ =	shalt  }
0x70: {  	_ =	shalt  }
0x71: {  	_ =	shalt  }
0x72: {  	_ =	shalt  }
0x73: {  	_ =	shalt  }
0x74: {  	_ =	shalt  }
0x75: {  	_ =	shalt  }
0x76: {  	_ =	shalt  }
0x77: {  	_ =	shalt  }
0x78: {  	_ =	shalt  }
0x79: {  	_ =	shalt  }
0x7a: {  	_ =	shalt  }
0x7b: {  	_ =	shalt  }
0x7c: {  	_ =	shalt  }
0x7d: {  	_ =	shalt  }
0x7e: {  	_ =	shalt  }
0x7f: {  	_ =	shalt  }
0x80: {  	_ =	shalt  }
0x81: {  	_ =	shalt  }
0x82: {  	_ =	shalt  }
0x83: {  	_ =	shalt  }
0x84: {  	_ =	shalt  }
0x85: {  	_ =	shalt  }
0x86: {  	_ =	shalt  }
0x87: {  	_ =	shalt  }
.Lfunc_end0:
.L_simem_size_0:
called_computation_lowered:
.L_overlay_start_0:
0x88: {  	s2 =	sld [smem:$0x3FD9]  }
0x89: {  	s3 =	sld [smem:$0x3FFE];
	_ =	sdelay $0x1  }
0x8a: {  	s1 =	srdreg.scid  }
0x8b: {  	s0 =	sand.u32 $0x1, s1  }
0x8c: {  	s14 =	sshll.u32 s0, $0xA;
	s2 =	sadd.s32 s3, s2  }
0x8d: {  	s2 =	sadd.s32 s2, s14  }
0x8e: {  	[smem:$0x3FB4] =	sst s2  }
0x8f: {  	_ = 	snop  }
0x90: {  	s2 =	sld [smem:$0x3FD0];
	_ =	sdelay $0x2  }
0x91: {  	s15 =	simm.s32 $0xB;
	s4 =	simm.s32 $0x10  }
0x92: {  	[smem:s4], [sflag:s15] =	dma.local [hbm:s2], $0x1  }
0x93: {  	_ =	swait.eq [sflag:s15], $0x1  }
0x94: {  	[sflag:s15] =	ssyncset.done $0x0  }
0x95: {  	[sflag:s15] =	ssyncadd.s32 $0xFFFFFFFF  }
0x96: {  	s16 =	sld [smem:$0x10];
	(tm) =	ssettm $0x1  }
0x97: {  	s17 =	sld [smem:$0x3FFB];
	_ =	sdelay $0x3  }
0x98: {  	_ =	strace s17  }
0x99: {  	s3 =	sld [smem:$0x3FFC];
	_ =	sdelay $0x3  }
0x9a: {  	_ =	strace s3  }
0x9b: {  	s3 =	sld [smem:$0x3FFD];
	_ =	sdelay $0x3  }
0x9c: {  	_ =	strace s3  }
0x9d: {  	_ =	strace $0x8FFFFFFF  }
0x9e: {  	s18 =	sld [smem:$0x3FDB];
	_ =	sdelay $0x1  }
0x9f: {  	s19 =	simm.s32 $_scs_section_size  }
0xa0: {  	s5 =	simm.s32 $_size__tile_overlayer_lowered;
	s6 =	simm.s32 $_tile_overlayer_lowered  }
0xa1: {  	s22 =	simm.s32 $0x1BFF;
	s21 =	sshll.u32 s6, $0x1;
	s3 =	sadd.s32 s19, s18  }
0xa2: {  	s7 =	simm.s32 $0x0;
	s20 =	sshll.u32 s5, $0x1;
	s5 =	sadd.s32 s21, s3  }
0xa3: {  	[timem:s7], [sflag:s22] =	dma.local [hbm:s5], s20  }
0xa4: {  	_ =	swait.ge [sflag:s22], s20  }
0xa5: {  	s4 =	ssub.s32 $0x0, s20;
	[sflag:s22] =	ssyncset.done $0x0  }
0xa6: {  	[sflag:s22] =	ssyncadd.s32 s4;
	_ =	sdelay $0x1  }
0xa7: {  	s23 =	simm.s32 $0x1B8B  }
0xa8: {  	_ =	swait.ge [sflag:s23], $0x1  }
0xa9: {  	[sflag:s23] =	ssyncset.done $0x0  }
0xaa: {  	s25 =	simm.s32 $0x1B8E;
	s24 =	sld [smem:$0x3FFE];
	[sflag:s23] =	ssyncadd.s32 $0xFFFFFFFF  }
0xab: {  	s26 =	simm.s32 $execute0_lowered;
	[smem:$0x3FD2] =	sst s25  }
0xac: {  	s5 =	sshll.u32 s26, $0x1;
	_ =	strace $0x80000046;
	[dreg:$0x1] =	wrdreg $0xFFFFFFFF  }
0xad: {  	s28 =	simm.s32 $_size_execute0_lowered;
	s3 =	sadd.s32 s3, s5;
	[dreg:$0x0] =	wrdreg $0x0  }
0xae: {  	s5 =	sshll.u32 s28, $0x1;
	[dreg:$0x2] =	wrdreg s3  }
0xaf: {  	[dreg:$0x3] =	wrdreg s5  }
0xb0: {  	[dreg:$0x4] =	wrdreg $0xC0  }
0xb1: {  	_ =	task [dreg:s7], $0x5FFFF  }
0xb2: {  	[dreg:$0x1] =	wrdreg $0xFFFFFFFF  }
0xb3: {  	[dreg:$0x0] =	wrdreg $0x60  }
0xb4: {  	[dreg:$0x2] =	wrdreg s24  }
0xb5: {  	[dreg:$0x3] =	wrdreg s16  }
0xb6: {  	[dreg:$0x4] =	wrdreg $0x60800  }
0xb7: {  	[dreg:$0x5] =	wrdreg $0x74400  }
0xb8: {  	[dreg:$0x6] =	wrdreg $0x9  }
0xb9: {  	_ =	task.clear_ibuf [dreg:s7], $0x7FFFF;
	_ =	strace $0x90000046  }
0xba: {  	s29 =	simm.s32 $0x9;
	_ =	strace $0x80000048  }
0xbb: {  	_ =	swait.ge [sflag:s29], $0x1  }
0xbc: {  	[sflag:s29] =	ssyncadd.s32 $0xFFFFFFFF  }
0xbd: {  	_ =	strace $0x90000048  }
0xbe: {  	_ =	sfence  }
0xbf: {  	s30 =	sld [smem:$0x0];
	_ =	sdelay $0x2  }
0xc0: {  	s31 =	sshll.u32 s1, $0xD;
	s1 =	sshrl.u32 s1, $0x2  }
0xc1: {  	s3 =	sand.u32 $0x4000, s31;
	s1 =	sadd.s32 s1, s30  }
0xc2: {  	s0 =	sor.u32 s3, s0;
	s1 =	sshll.u32 s1, $0x11  }
0xc3: {  	s0 =	sor.u32 s1, s0  }
0xc4: {  	s0 =	sadd.s32 $0x8F2B, s0  }
0xc5: {  	[sflag:s0] =	ssyncadd.remote.s32 $0x1  }
0xc6: {  	_ =	sfence.sel $0xFFFF  }
0xc7: {  	[dreg:$0x0] =	wrdreg $0xFFFFFFFF;
	(pc) =	sbr.abs _section_cstart, $3  }
0xc8: {  	[dreg:$0x1] =	wrdreg $0xFFFFFFFF  }
0xc9: {  	_ =	task.clear_ibuf [dreg:s7], $0x2FFFF;
	_ =	strace $0x9FFFFFFF  }
0xca: {  	(tm) =	ssettm $0x7FFFFFFF  }
0xcb: {  	_ =	shalt  }
tec
execute0_lowered:
.L_overlay_start_1:
0x0: {  	(tag) =	ssettag $0x1  }
0x1: {  	s0 =	rddreg [dreg:$0x0];
	s11 =	stileid.u32  }
0x2: {  	s12 =	rddreg [dreg:$0x1];
	s1 =	smul.u32 $0x960, s11  }
0x3: {  	s3 =	rddreg [dreg:$0x2];
	s2 =	smul.u32 $0x320, s11  }
0x4: {  	s4 =	rddreg [dreg:$0x3];
	s7 =	smul.u32 $0x278, s11  }
0x5: {  	s6 =	srdreg.scid;
	s9 =	smul.u32 $0x4F000, s11  }
0x6: {  	s5 =	simm.s32 $0x0;
	s6 =	sand.u32 $0x1, s6;
	s11 =	smul.u32 $0x13C00, s11  }
0x7: {  	[smem:$0x7FF] =	sst s5;
	s13 =	sadd.s32 $0x800, s12;
	s8 =	smul.u32 $0x2780, s6  }
0x8: {  	_ =	strace $0x80000047;
	s26 =	ssub.s32 $0x2, s6;
	s25 =	smul.u32 $0x4B0, s6  }
0x9: {  	[dreg:$0x5] =	wrdreg s13;
	s6 =	smul.u32 $0x190, s6;
	s1 =	sadd.s32 s1, s0  }
0xa: {  	s2 =	sadd.s32 s2, s0;
	s10 =	sshrl.u32 s26, $0x1;
	s9 =	sshrl.u32 s9, $0x2  }
0xb: {  	s14 =	sadd.s32 $0x12000, s11;
	s16 =	sadd.s32 s11, s3;
	s11 =	sadd.s32 s11, s4  }
0xc: {  	s7 =	sadd.s32 s7, s8;
	s8 =	ssub.s32 s26, s10;
	s15 =	sadd.s32 s14, s3  }
0xd: {  	s10 =	sadd.s32 s14, s4;
	s26 =	sadd.s32 s6, s2;
	[dreg:$0x6] =	wrdreg s15  }
0xe: {  	s6 =	simm.s32 $0x80;
	s7 =	sshll.u32 s7, $0x4;
	[dreg:$0x7] =	wrdreg s10  }
0xf: {  	s21 =	smax.u32 s8, $0x1;
	s8 =	simm.s32 $0x1;
	s10 =	simm.s32 $0x4080  }
0x10: {  	s0 =	sadd.s32 s7, s0;
	s7 =	sadd.s32 s9, s3;
	s9 =	sadd.s32 s9, s4  }
0x11: {  	[dreg:$0xa] =	wrdreg s21;
	s20 =	sadd.s32 $0x10200, s0;
	s0 =	sadd.s32 $0x5F200, s0  }
0x12: {  	s22 =	sadd.s32 $0x2000, s7;
	s23 =	sadd.s32 $0x4000, s7;
	s24 =	sadd.s32 $0x6000, s7  }
0x13: {  	s17 =	sadd.s32 $0x8000, s7;
	s18 =	sadd.s32 $0xA000, s7;
	[dreg:$0x8] =	wrdreg s20  }
0x14: {  	s19 =	sadd.s32 $0xC000, s7;
	s21 =	sadd.s32 $0x10000, s7;
	[dreg:$0x9] =	wrdreg s0  }
0x15: {  	s28 =	sadd.s32 $0x4000, s9;
	s29 =	sadd.s32 $0x6000, s9;
	[dreg:$0xb] =	wrdreg s22  }
0x16: {  	s30 =	sadd.s32 $0x8000, s9;
	s31 =	sadd.s32 $0xA000, s9;
	[dreg:$0xc] =	wrdreg s23  }
0x17: {  	s2 =	sadd.s32 $0xE000, s9;
	[dreg:$0xd] =	wrdreg s24;
	s0 =	sadd.s32 s25, s1  }
0x18: {  	s20 =	sadd.s32 $0xE000, s7;
	s23 =	sadd.s32 $0xD000, s26;
	s24 =	sshrl.u32 s16, $0x3  }
0x19: {  	s25 =	sshrl.u32 s11, $0x3;
	s26 =	sadd.s32 $0x2000, s9;
	s1 =	sadd.s32 $0x10000, s9  }
0x1a: {  	s11 =	simm.s32 $0x0;
	s22 =	sadd.s32 $0x3A00, s0;
	s0 =	sadd.s32 $0xC000, s9  }
.LBB2_1:
0x1b: {  	s12 =	rddreg [dreg:$0x1]  }
0x1c: {  	[tilespmem:s6], [sflag:$0x1] =	stream.linear.gather [hbm4b:s12+s5], $0x4000, $0x38;
	[tilespmem:$0x8800] =	vst v63  }
0x1d: {  	_ =	swait.ge [sflag:s8], $0x4000  }
0x1e: {  	[sflag:s8] =	ssyncset.done $0x0  }
0x1f: {  	s14 =	rddreg [dreg:$0x5];
	[sflag:s8] =	ssyncadd.s32 $0xFFFFC000  }
0x20: {  	[tilespmem:s10], [sflag:$0x1] =	stream.linear.gather [hbm4b:s14+s5], $0x2000, $0x38;
	[tilespmem:$0x8800] =	vst v63  }
0x21: {  	_ =	swait.ge [sflag:s8], $0x2000  }
0x22: {  	[sflag:s8] =	ssyncset.done $0x0  }
0x23: {  	[sflag:s8] =	ssyncadd.s32 $0xFFFFE000  }
0x24: {  	[spmem:s7] =	stream.linear.scatter [tilespmem:s10], [sflag:$0x1], $0x2000, $0x38;
	[tilespmem:$0x8800] =	vst v63  }
0x25: {  	_ =	swait.ge [sflag:s8], $0x2000  }
0x26: {  	[sflag:s8] =	ssyncset.done $0x0  }
0x27: {  	s15 =	rddreg [dreg:$0xb];
	[sflag:s8] =	ssyncadd.s32 $0xFFFFE000  }
0x28: {  	[spmem:s15] =	stream.linear.scatter [tilespmem:s10], [sflag:$0x1], $0x2000, $0x38;
	[tilespmem:$0x8800] =	vst v63  }
0x29: {  	_ =	swait.ge [sflag:s8], $0x2000  }
0x2a: {  	[sflag:s8] =	ssyncset.done $0x0  }
0x2b: {  	s16 =	rddreg [dreg:$0xc];
	[sflag:s8] =	ssyncadd.s32 $0xFFFFE000  }
0x2c: {  	[spmem:s16] =	stream.linear.scatter [tilespmem:s10], [sflag:$0x1], $0x2000, $0x38;
	[tilespmem:$0x8800] =	vst v63  }
0x2d: {  	_ =	swait.ge [sflag:s8], $0x2000  }
0x2e: {  	[sflag:s8] =	ssyncset.done $0x0  }
0x2f: {  	s13 =	rddreg [dreg:$0xd];
	[sflag:s8] =	ssyncadd.s32 $0xFFFFE000  }
0x30: {  	[spmem:s13] =	stream.linear.scatter [tilespmem:s10], [sflag:$0x1], $0x2000, $0x38;
	[tilespmem:$0x8800] =	vst v63  }
0x31: {  	_ =	swait.ge [sflag:s8], $0x2000  }
0x32: {  	[sflag:s8] =	ssyncset.done $0x0  }
0x33: {  	[sflag:s8] =	ssyncadd.s32 $0xFFFFE000  }
0x34: {  	[spmem:s17] =	stream.linear.scatter [tilespmem:s10], [sflag:$0x1], $0x2000, $0x38;
	[tilespmem:$0x8800] =	vst v63  }
0x35: {  	_ =	swait.ge [sflag:s8], $0x2000  }
0x36: {  	[sflag:s8] =	ssyncset.done $0x0  }
0x37: {  	[sflag:s8] =	ssyncadd.s32 $0xFFFFE000  }
0x38: {  	[spmem:s18] =	stream.linear.scatter [tilespmem:s10], [sflag:$0x1], $0x2000, $0x38;
	[tilespmem:$0x8800] =	vst v63  }
0x39: {  	_ =	swait.ge [sflag:s8], $0x2000  }
0x3a: {  	[sflag:s8] =	ssyncset.done $0x0  }
0x3b: {  	[sflag:s8] =	ssyncadd.s32 $0xFFFFE000  }
0x3c: {  	[spmem:s19] =	stream.linear.scatter [tilespmem:s10], [sflag:$0x1], $0x2000, $0x38;
	[tilespmem:$0x8800] =	vst v63  }
0x3d: {  	_ =	swait.ge [sflag:s8], $0x2000  }
0x3e: {  	[sflag:s8] =	ssyncset.done $0x0  }
0x3f: {  	[sflag:s8] =	ssyncadd.s32 $0xFFFFE000  }
0x40: {  	[spmem:s20] =	stream.linear.scatter [tilespmem:s10], [sflag:$0x1], $0x2000, $0x38;
	[tilespmem:$0x8800] =	vst v63  }
0x41: {  	_ =	swait.ge [sflag:s8], $0x2000  }
0x42: {  	[sflag:s8] =	ssyncset.done $0x0  }
0x43: {  	[sflag:s8] =	ssyncadd.s32 $0xFFFFE000  }
0x44: {  	[spmem:s21] =	stream.linear.scatter [tilespmem:s10], [sflag:$0x1], $0x2000, $0x38;
	[tilespmem:$0x8800] =	vst v63  }
0x45: {  	_ =	swait.ge [sflag:s8], $0x2000  }
0x46: {  	[sflag:s8] =	ssyncset.done $0x0  }
0x47: {  	s14 =	rddreg [dreg:$0x6];
	[sflag:s8] =	ssyncadd.s32 $0xFFFFE000  }
0x48: {  	[spmem:s14] =	stream.linear.scatter [tilespmem:s10], [sflag:$0x1], $0x1C00, $0x38;
	[tilespmem:$0x8800] =	vst v63  }
0x49: {  	_ =	swait.ge [sflag:s8], $0x1C00  }
0x4a: {  	[sflag:s8] =	ssyncset.done $0x0  }
0x4b: {  	[sflag:s8] =	ssyncadd.s32 $0xFFFFE400  }
0x4c: {  	[spmem:s9] =	stream.linear.scatter [tilespmem:s10], [sflag:$0x1], $0x2000, $0x38;
	[tilespmem:$0x8800] =	vst v63  }
0x4d: {  	_ =	swait.ge [sflag:s8], $0x2000  }
0x4e: {  	[sflag:s8] =	ssyncset.done $0x0  }
0x4f: {  	[sflag:s8] =	ssyncadd.s32 $0xFFFFE000  }
0x50: {  	[spmem:s26] =	stream.linear.scatter [tilespmem:s10], [sflag:$0x1], $0x2000, $0x38;
	[tilespmem:$0x8800] =	vst v63  }
0x51: {  	_ =	swait.ge [sflag:s8], $0x2000  }
0x52: {  	[sflag:s8] =	ssyncset.done $0x0  }
0x53: {  	[sflag:s8] =	ssyncadd.s32 $0xFFFFE000  }
0x54: {  	[spmem:s28] =	stream.linear.scatter [tilespmem:s10], [sflag:$0x1], $0x2000, $0x38;
	[tilespmem:$0x8800] =	vst v63  }
0x55: {  	_ =	swait.ge [sflag:s8], $0x2000  }
0x56: {  	[sflag:s8] =	ssyncset.done $0x0  }
0x57: {  	[sflag:s8] =	ssyncadd.s32 $0xFFFFE000  }
0x58: {  	[spmem:s29] =	stream.linear.scatter [tilespmem:s10], [sflag:$0x1], $0x2000, $0x38;
	[tilespmem:$0x8800] =	vst v63  }
0x59: {  	_ =	swait.ge [sflag:s8], $0x2000  }
0x5a: {  	[sflag:s8] =	ssyncset.done $0x0  }
0x5b: {  	[sflag:s8] =	ssyncadd.s32 $0xFFFFE000  }
0x5c: {  	[spmem:s30] =	stream.linear.scatter [tilespmem:s10], [sflag:$0x1], $0x2000, $0x38;
	[tilespmem:$0x8800] =	vst v63  }
0x5d: {  	_ =	swait.ge [sflag:s8], $0x2000  }
0x5e: {  	[sflag:s8] =	ssyncset.done $0x0  }
0x5f: {  	[sflag:s8] =	ssyncadd.s32 $0xFFFFE000  }
0x60: {  	[spmem:s31] =	stream.linear.scatter [tilespmem:s10], [sflag:$0x1], $0x2000, $0x38;
	[tilespmem:$0x8800] =	vst v63  }
0x61: {  	_ =	swait.ge [sflag:s8], $0x2000  }
0x62: {  	[sflag:s8] =	ssyncset.done $0x0  }
0x63: {  	[sflag:s8] =	ssyncadd.s32 $0xFFFFE000  }
0x64: {  	[spmem:s0] =	stream.linear.scatter [tilespmem:s10], [sflag:$0x1], $0x2000, $0x38;
	[tilespmem:$0x8800] =	vst v63  }
0x65: {  	_ =	swait.ge [sflag:s8], $0x2000  }
0x66: {  	[sflag:s8] =	ssyncset.done $0x0  }
0x67: {  	[sflag:s8] =	ssyncadd.s32 $0xFFFFE000  }
0x68: {  	[spmem:s2] =	stream.linear.scatter [tilespmem:s10], [sflag:$0x1], $0x2000, $0x38;
	[tilespmem:$0x8800] =	vst v63  }
0x69: {  	_ =	swait.ge [sflag:s8], $0x2000  }
0x6a: {  	[sflag:s8] =	ssyncset.done $0x0  }
0x6b: {  	[sflag:s8] =	ssyncadd.s32 $0xFFFFE000  }
0x6c: {  	[spmem:s1] =	stream.linear.scatter [tilespmem:s10], [sflag:$0x1], $0x2000, $0x38;
	[tilespmem:$0x8800] =	vst v63  }
0x6d: {  	_ =	swait.ge [sflag:s8], $0x2000  }
0x6e: {  	[sflag:s8] =	ssyncset.done $0x0  }
0x6f: {  	s15 =	rddreg [dreg:$0x7];
	[sflag:s8] =	ssyncadd.s32 $0xFFFFE000  }
0x70: {  	[spmem:s15] =	stream.linear.scatter [tilespmem:s10], [sflag:$0x1], $0x1C00, $0x38;
	[tilespmem:$0x8800] =	vst v63  }
0x71: {  	_ =	swait.ge [sflag:s8], $0x1C00  }
0x72: {  	[sflag:s8] =	ssyncset.done $0x0  }
0x73: {  	[sflag:s8] =	ssyncadd.s32 $0xFFFFE400  }
0x74: {  	s16 =	sadd.s32 $0x0, s22;
	[bflag:$0x0] =	sbarrier.arrive $0xFFFF  }
0x75: {  	[tilespmem:s5], [sflag:$0x1] =	stream.linear.gather [hbm4b:s16+s5], $0x80, $0x38;
	[tilespmem:$0x8800] =	vst v63  }
0x76: {  	_ =	swait.ge [sflag:s8], $0x80  }
0x77: {  	[sflag:s8] =	ssyncset.done $0x0  }
0x78: {  	[sflag:s8] =	ssyncadd.s32 $0xFFFFFF80  }
0x79: {  	v0 =	vld [tilespmem:$0x30]  }
0x7a: {  	v1 =	vld [tilespmem:$0x20]  }
0x7b: {  	v2 =	vld [tilespmem:$0x10]  }
0x7c: {  	v3 =	vld [tilespmem:$0x70]  }
0x7d: {  	v4 =	vld [tilespmem:$0x60]  }
0x7e: {  	v5 =	vld [tilespmem:$0x0];
	vm0 =	vlt.s32 v0, $0x2710  }
0x7f: {  	v6 =	vld [tilespmem:$0x40];
	vm1 =	vlt.s32 v1, $0x2710;
	v0 =	vnsel vm0, $0x2710, v0  }
0x80: {  	vm0 =	vlt.s32 v2, $0x2710;
	v1 =	vnsel vm1, $0x2710, v1;
	[tilespmem:$0x30] =	vst v0;
	v0 =	vld [tilespmem:$0x50]  }
0x81: {  	v2 =	vnsel vm0, $0x2710, v2;
	[tilespmem:$0x20] =	vst v1;
	vm0 =	vlt.s32 v3, $0x2710  }
0x82: {  	vm1 =	vlt.s32 v4, $0x2710;
	[tilespmem:$0x10] =	vst v2;
	v1 =	vnsel vm0, $0x2710, v3  }
0x83: {  	vm0 =	vlt.s32 v5, $0x2710;
	v2 =	vnsel vm1, $0x2710, v4;
	[tilespmem:$0x70] =	vst v1  }
0x84: {  	s12 =	simm.s32 $0x0;
	v1 =	vnsel vm0, $0x2710, v5;
	vm0 =	vlt.s32 v6, $0x2710;
	[tilespmem:$0x60] =	vst v2  }
0x85: {  	s13 =	simm.s32 $0x20;
	s14 =	simm.s32 $0x10;
	s15 =	simm.s32 $0x30;
	[tilespmem:$0x0] =	vst v1;
	v1 =	vnsel vm0, $0x2710, v6;
	vm0 =	vlt.s32 v0, $0x2710  }
.LBB2_2:
0x86: {  	p0 =	sne.s32 s15, $0x4A0;
	[tilespmem:$0x40] =	vst v1;
	v0 =	vnsel vm0, $0x2710, v0;
	s16 =	smov.u32 s15;
	s15 =	sadd.s32 $0x10, s15  }
0x87: {  	[tilespmem:$0x50] =	vst v0  }
0x88: {  	[spmem:s3] =	stream.indirect.scatter.add.f32 [tilespmem:s6], [sflag:$0x1], $0x8, s12, s6, $0xb8;
	[tilespmem:$0x8800] =	vst v63  }
0x89: {  	_ =	swait.ge [sflag:s8], $0x400  }
0x8a: {  	[sflag:s8] =	ssyncset.done $0x0  }
0x8b: {  	s14 =	sadd.s32 s14, s22;
	s12 =	simm.s32 $0x0;
	[sflag:s8] =	ssyncadd.s32 $0xFFFFFC00  }
0x8c: {  	[tilespmem:s12], [sflag:$0x1] =	stream.linear.gather [hbm4b:s14+s12], $0x80, $0x38;
	[tilespmem:$0x8800] =	vst v63  }
0x8d: {  	s14 =	smov.u32 s13;
	s13 =	smov.u32 s16;
	_ =	swait.ge [sflag:s8], $0x80  }
0x8e: {  	[sflag:s8] =	ssyncset.done $0x0  }
0x8f: {  	[sflag:s8] =	ssyncadd.s32 $0xFFFFFF80  }
0x90: {  	v0 =	vld [tilespmem:$0x30]  }
0x91: {  	v1 =	vld [tilespmem:$0x20]  }
0x92: {  	v2 =	vld [tilespmem:$0x10]  }
0x93: {  	v3 =	vld [tilespmem:$0x70]  }
0x94: {  	v4 =	vld [tilespmem:$0x60]  }
0x95: {  	v5 =	vld [tilespmem:$0x0];
	vm0 =	vlt.s32 v0, $0x2710  }
0x96: {  	vm1 =	vlt.s32 v1, $0x2710;
	v0 =	vnsel vm0, $0x2710, v0;
	v6 =	vld [tilespmem:$0x40]  }
0x97: {  	vm0 =	vlt.s32 v2, $0x2710;
	v1 =	vnsel vm1, $0x2710, v1;
	[tilespmem:$0x30] =	vst v0;
	v0 =	vld [tilespmem:$0x50]  }
.Ltmp0:
0x98: {  	v2 =	vnsel vm0, $0x2710, v2;
	[tilespmem:$0x20] =	vst v1;
	vm0 =	vlt.s32 v3, $0x2710;
	(pc) =	sbr.rel @p0 .LBB2_2-.Ltmp0, $4  }
0x99: {  	[tilespmem:$0x10] =	vst v2;
	vm1 =	vlt.s32 v4, $0x2710;
	v1 =	vnsel vm0, $0x2710, v3  }
0x9a: {  	vm0 =	vlt.s32 v5, $0x2710;
	v2 =	vnsel vm1, $0x2710, v4;
	[tilespmem:$0x70] =	vst v1  }
0x9b: {  	v1 =	vnsel vm0, $0x2710, v5;
	vm0 =	vlt.s32 v6, $0x2710;
	[tilespmem:$0x60] =	vst v2  }
0x9c: {  	[tilespmem:$0x0] =	vst v1;
	v1 =	vnsel vm0, $0x2710, v6;
	vm0 =	vlt.s32 v0, $0x2710  }
0x9d: {  	[tilespmem:$0x40] =	vst v1;
	v0 =	vnsel vm0, $0x2710, v0  }
0x9e: {  	[tilespmem:$0x50] =	vst v0  }
0x9f: {  	[spmem:s3] =	stream.indirect.scatter.add.f32 [tilespmem:s6], [sflag:$0x1], $0x8, s12, s6, $0xb8;
	[tilespmem:$0x8800] =	vst v63  }
0xa0: {  	_ =	swait.ge [sflag:s8], $0x400  }
0xa1: {  	[sflag:s8] =	ssyncset.done $0x0  }
0xa2: {  	s14 =	sadd.s32 s14, s22;
	[sflag:s8] =	ssyncadd.s32 $0xFFFFFC00  }
0xa3: {  	[tilespmem:s12], [sflag:$0x1] =	stream.linear.gather [hbm4b:s14+s12], $0x80, $0x38;
	[tilespmem:$0x8800] =	vst v63  }
0xa4: {  	_ =	swait.ge [sflag:s8], $0x80  }
0xa5: {  	[sflag:s8] =	ssyncset.done $0x0  }
0xa6: {  	[sflag:s8] =	ssyncadd.s32 $0xFFFFFF80  }
0xa7: {  	v45 =	vld [tilespmem:$0x30]  }
0xa8: {  	v46 =	vld [tilespmem:$0x20]  }
0xa9: {  	v2 =	vld [tilespmem:$0x10]  }
0xaa: {  	v3 =	vld [tilespmem:$0x70]  }
0xab: {  	v4 =	vld [tilespmem:$0x60]  }
0xac: {  	v5 =	vld [tilespmem:$0x0];
	vm13 =	vlt.s32 v45, $0x2710  }
0xad: {  	v6 =	vld [tilespmem:$0x40];
	vm1 =	vlt.s32 v46, $0x2710;
	v0 =	vnsel vm13, $0x2710, v45  }
0xae: {  	v47 =	vld [tilespmem:$0x50];
	vm14 =	vlt.s32 v2, $0x2710;
	v1 =	vnsel vm1, $0x2710, v46;
	[tilespmem:$0x30] =	vst v0  }
0xaf: {  	vm15 =	vlt.s32 v3, $0x2710;
	v2 =	vnsel vm14, $0x2710, v2;
	[tilespmem:$0x20] =	vst v1  }
0xb0: {  	vm4 =	vlt.s32 v4, $0x2710;
	v48 =	vnsel vm15, $0x2710, v3;
	[tilespmem:$0x10] =	vst v2  }
0xb1: {  	vm5 =	vlt.s32 v5, $0x2710;
	v49 =	vnsel vm4, $0x2710, v4;
	[tilespmem:$0x70] =	vst v48  }
0xb2: {  	vm6 =	vlt.s32 v6, $0x2710;
	v50 =	vnsel vm5, $0x2710, v5;
	[tilespmem:$0x60] =	vst v49  }
0xb3: {  	vm7 =	vlt.s32 v47, $0x2710;
	v51 =	vnsel vm6, $0x2710, v6;
	[tilespmem:$0x0] =	vst v50  }
0xb4: {  	[tilespmem:$0x40] =	vst v51;
	v0 =	vnsel vm7, $0x2710, v47  }
0xb5: {  	[tilespmem:$0x50] =	vst v0  }
0xb6: {  	[spmem:s3] =	stream.indirect.scatter.add.f32 [tilespmem:s6], [sflag:$0x1], $0x8, s12, s6, $0xb8;
	[tilespmem:$0x8800] =	vst v63  }
0xb7: {  	_ =	swait.ge [sflag:s8], $0x400  }
0xb8: {  	[sflag:s8] =	ssyncset.done $0x0  }
0xb9: {  	s13 =	sadd.s32 s13, s22;
	[sflag:s8] =	ssyncadd.s32 $0xFFFFFC00  }
0xba: {  	[tilespmem:s12], [sflag:$0x1] =	stream.linear.gather [hbm4b:s13+s12], $0x80, $0x38;
	[tilespmem:$0x8800] =	vst v63  }
0xbb: {  	_ =	swait.ge [sflag:s8], $0x80  }
0xbc: {  	[sflag:s8] =	ssyncset.done $0x0  }
0xbd: {  	[sflag:s8] =	ssyncadd.s32 $0xFFFFFF80  }
0xbe: {  	v52 =	vld [tilespmem:$0x30]  }
0xbf: {  	v53 =	vld [tilespmem:$0x20]  }
0xc0: {  	v54 =	vld [tilespmem:$0x10]  }
0xc1: {  	v55 =	vld [tilespmem:$0x70]  }
0xc2: {  	v56 =	vld [tilespmem:$0x60]  }
0xc3: {  	v57 =	vld [tilespmem:$0x0];
	vm8 =	vlt.s32 v52, $0x2710  }
0xc4: {  	v58 =	vld [tilespmem:$0x40];
	vm9 =	vlt.s32 v53, $0x2710;
	v0 =	vnsel vm8, $0x2710, v52  }
0xc5: {  	v59 =	vld [tilespmem:$0x50];
	vm10 =	vlt.s32 v54, $0x2710;
	v1 =	vnsel vm9, $0x2710, v53;
	[tilespmem:$0x30] =	vst v0  }
0xc6: {  	vm11 =	vlt.s32 v55, $0x2710;
	v2 =	vnsel vm10, $0x2710, v54;
	[tilespmem:$0x20] =	vst v1  }
0xc7: {  	vm12 =	vlt.s32 v56, $0x2710;
	v60 =	vnsel vm11, $0x2710, v55;
	[tilespmem:$0x10] =	vst v2  }
0xc8: {  	vm13 =	vlt.s32 v57, $0x2710;
	v61 =	vnsel vm12, $0x2710, v56;
	[tilespmem:$0x70] =	vst v60  }
0xc9: {  	vm14 =	vlt.s32 v58, $0x2710;
	v62 =	vnsel vm13, $0x2710, v57;
	[tilespmem:$0x60] =	vst v61  }
0xca: {  	vm15 =	vlt.s32 v59, $0x2710;
	v63 =	vnsel vm14, $0x2710, v58;
	[tilespmem:$0x0] =	vst v62  }
0xcb: {  	p2 =	por $0x1, $0x1;
	[tilespmem:$0x40] =	vst v63;
	v0 =	vnsel vm15, $0x2710, v59  }
.Ltmp1:
0xcc: {  	[tilespmem:$0x50] =	vst v0;
	(pc) =	sbr.rel @!p2 .LBB2_4-.Ltmp1, $4  }
0xcd: {  	[spmem:s3] =	stream.indirect.scatter.add.f32 [tilespmem:s6], [sflag:$0x1], $0x8, s12, s6, $0xb8;
	[tilespmem:$0x8800] =	vst v63  }
0xce: {  	_ =	swait.ge [sflag:s8], $0x400  }
0xcf: {  	p0 =	por $0x0, $0x0;
	[sflag:s8] =	ssyncset.done $0x0  }
0xd0: {  	p1 =	por $0x0, $0x0;
	s13 =	simm.s32 $0x10;
	[sflag:s8] =	ssyncadd.s32 $0xFFFFFC00  }
0xd1: {  	p2 =	por $0x1, $0x1  }
.Ltmp2:
0xd2: {  	_ = 	snop;
	(pc) =	sbr.rel @!p2 .LBB2_6-.Ltmp2, $2  }
0xd3: {  	_ =	sdelay $0x2  }
0xd4: {  	s12 =	simm.s32 $0x20;
	p0 =	por $0x1, $0x1  }
0xd5: {  	s14 =	sadd.s32 $0x0, s23  }
0xd6: {  	[tilespmem:s5], [sflag:$0x1] =	stream.linear.gather [hbm4b:s14+s5], $0x80, $0x38;
	[tilespmem:$0x8800] =	vst v63  }
0xd7: {  	_ =	swait.ge [sflag:s8], $0x80  }
0xd8: {  	[sflag:s8] =	ssyncset.done $0x0  }
0xd9: {  	[sflag:s8] =	ssyncadd.s32 $0xFFFFFF80  }
0xda: {  	v0 =	vld [tilespmem:$0x0]  }
0xdb: {  	v1 =	vld [tilespmem:$0x10]  }
0xdc: {  	v2 =	vld [tilespmem:$0x20]  }
0xdd: {  	v5 =	vld [tilespmem:$0x40]  }
0xde: {  	v3 =	vld [tilespmem:$0x30]  }
0xdf: {  	v4 =	vld [tilespmem:$0x70];
	vm0 =	vlt.s32 v0, $0x2710  }
0xe0: {  	v6 =	vld [tilespmem:$0x50];
	v0 =	vnsel vm0, $0x2710, v0;
	vm0 =	vlt.s32 v1, $0x2710  }
0xe1: {  	p2 =	por $0x1, $0x1;
	[tilespmem:$0x0] =	vst v0;
	v1 =	vnsel vm0, $0x2710, v1;
	vm0 =	vlt.s32 v2, $0x2710;
	v0 =	vld [tilespmem:$0x60]  }
.Ltmp3:
0xe2: {  	vm1 =	vlt.s32 v5, $0x2710;
	[tilespmem:$0x10] =	vst v1;
	v1 =	vnsel vm0, $0x2710, v2;
	(pc) =	sbr.rel @!p2 .LBB2_9-.Ltmp3, $4  }
0xe3: {  	vm0 =	vlt.s32 v3, $0x2710;
	v2 =	vnsel vm1, $0x2710, v5;
	[tilespmem:$0x20] =	vst v1  }
0xe4: {  	v1 =	vnsel vm0, $0x2710, v3;
	vm0 =	vlt.s32 v4, $0x2710;
	[tilespmem:$0x40] =	vst v2  }
0xe5: {  	[tilespmem:$0x30] =	vst v1;
	v1 =	vnsel vm0, $0x2710, v4;
	vm0 =	vlt.s32 v6, $0x2710  }
0xe6: {  	p1 =	por $0x1, $0x1;
	s14 =	simm.s32 $0x30;
	[tilespmem:$0x70] =	vst v1;
	v1 =	vnsel vm0, $0x2710, v6;
	vm0 =	vlt.s32 v0, $0x2710  }
.LBB2_8:
0xe7: {  	p2 =	sne.s32 s14, $0x180;
	[tilespmem:$0x50] =	vst v1;
	v0 =	vnsel vm0, $0x2710, v0;
	s15 =	smov.u32 s14;
	s14 =	sadd.s32 $0x10, s14  }
0xe8: {  	[tilespmem:$0x60] =	vst v0  }
0xe9: {  	[spmem:s4] =	stream.indirect.scatter.add.f32 [tilespmem:s6], [sflag:$0x1], $0x8, s5, s6, $0xb8;
	[tilespmem:$0x8800] =	vst v63  }
0xea: {  	_ =	swait.ge [sflag:s8], $0x400  }
0xeb: {  	[sflag:s8] =	ssyncset.done $0x0  }
0xec: {  	s16 =	sadd.s32 s13, s23;
	s13 =	smov.u32 s12;
	[sflag:s8] =	ssyncadd.s32 $0xFFFFFC00  }
0xed: {  	[tilespmem:s5], [sflag:$0x1] =	stream.linear.gather [hbm4b:s16+s5], $0x80, $0x38;
	[tilespmem:$0x8800] =	vst v63  }
0xee: {  	s12 =	smov.u32 s15;
	_ =	swait.ge [sflag:s8], $0x80  }
0xef: {  	[sflag:s8] =	ssyncset.done $0x0  }
0xf0: {  	[sflag:s8] =	ssyncadd.s32 $0xFFFFFF80  }
0xf1: {  	v0 =	vld [tilespmem:$0x0]  }
0xf2: {  	v1 =	vld [tilespmem:$0x10]  }
0xf3: {  	v2 =	vld [tilespmem:$0x20]  }
0xf4: {  	v3 =	vld [tilespmem:$0x30]  }
0xf5: {  	v4 =	vld [tilespmem:$0x70]  }
0xf6: {  	vm0 =	vlt.s32 v0, $0x2710;
	v5 =	vld [tilespmem:$0x40]  }
0xf7: {  	v0 =	vnsel vm0, $0x2710, v0;
	vm0 =	vlt.s32 v1, $0x2710;
	v6 =	vld [tilespmem:$0x50]  }
0xf8: {  	[tilespmem:$0x0] =	vst v0;
	v1 =	vnsel vm0, $0x2710, v1;
	vm0 =	vlt.s32 v2, $0x2710;
	v0 =	vld [tilespmem:$0x60]  }
.Ltmp4:
0xf9: {  	[tilespmem:$0x10] =	vst v1;
	v1 =	vnsel vm0, $0x2710, v2;
	vm0 =	vlt.s32 v3, $0x2710;
	(pc) =	sbr.rel @p2 .LBB2_8-.Ltmp4, $4  }
0xfa: {  	[tilespmem:$0x20] =	vst v1;
	v1 =	vnsel vm0, $0x2710, v3;
	vm0 =	vlt.s32 v4, $0x2710  }
0xfb: {  	[tilespmem:$0x30] =	vst v1;
	vm1 =	vlt.s32 v5, $0x2710;
	v1 =	vnsel vm0, $0x2710, v4  }
0xfc: {  	v2 =	vnsel vm1, $0x2710, v5;
	vm0 =	vlt.s32 v6, $0x2710;
	[tilespmem:$0x70] =	vst v1  }
0xfd: {  	[tilespmem:$0x40] =	vst v2;
	v1 =	vnsel vm0, $0x2710, v6;
	vm0 =	vlt.s32 v0, $0x2710  }
.LBB2_9:
0xfe: {  	[tilespmem:$0x50] =	vst @p1 v1;
	v0 =	vnsel @p1 vm0, $0x2710, v0  }
0xff: {  	[tilespmem:$0x60] =	vst @p1 v0  }
0x100: {  	[spmem:s4] =	stream.indirect.scatter.add.f32 @p1 [tilespmem:s6], [sflag:$0x1], $0x8, s5, s6, $0xb8;
	[tilespmem:$0x8800] =	vst v63  }
0x101: {  	_ =	swait.ge @p1 [sflag:s8], $0x400  }
0x102: {  	[sflag:s8] =	ssyncset.done @p1 $0x0  }
0x103: {  	s13 =	sadd.s32 @p0 s13, s23;
	[sflag:s8] =	ssyncadd.s32 @p1 $0xFFFFFC00  }
0x104: {  	[tilespmem:s5], [sflag:$0x1] =	stream.linear.gather @p0 [hbm4b:s13+s5], $0x80, $0x38;
	[tilespmem:$0x8800] =	vst v63  }
0x105: {  	_ =	swait.ge @p0 [sflag:s8], $0x80  }
0x106: {  	[sflag:s8] =	ssyncset.done @p0 $0x0  }
0x107: {  	[sflag:s8] =	ssyncadd.s32 @p0 $0xFFFFFF80  }
0x108: {  	v0 =	vld @p0 [tilespmem:$0x0]  }
0x109: {  	v1 =	vld @p0 [tilespmem:$0x10]  }
0x10a: {  	v2 =	vld @p0 [tilespmem:$0x20]  }
0x10b: {  	v3 =	vld @p0 [tilespmem:$0x30]  }
0x10c: {  	v4 =	vld @p0 [tilespmem:$0x70]  }
0x10d: {  	v6 =	vld @p0 [tilespmem:$0x50];
	vm0 =	vlt.s32 @p0 v0, $0x2710  }
0x10e: {  	v5 =	vld @p0 [tilespmem:$0x40];
	v0 =	vnsel @p0 vm0, $0x2710, v0;
	vm0 =	vlt.s32 @p0 v1, $0x2710  }
0x10f: {  	v7 =	vld @p0 [tilespmem:$0x60];
	[tilespmem:$0x0] =	vst @p0 v0;
	v0 =	vnsel @p0 vm0, $0x2710, v1;
	vm0 =	vlt.s32 @p0 v2, $0x2710  }
0x110: {  	[tilespmem:$0x10] =	vst @p0 v0;
	v0 =	vnsel @p0 vm0, $0x2710, v2;
	vm0 =	vlt.s32 @p0 v3, $0x2710  }
0x111: {  	[tilespmem:$0x20] =	vst @p0 v0;
	v0 =	vnsel @p0 vm0, $0x2710, v3;
	vm0 =	vlt.s32 @p0 v4, $0x2710  }
0x112: {  	[tilespmem:$0x30] =	vst @p0 v0;
	v0 =	vnsel @p0 vm0, $0x2710, v4;
	vm0 =	vlt.s32 @p0 v6, $0x2710  }
0x113: {  	vm1 =	vlt.s32 @p0 v5, $0x2710;
	[tilespmem:$0x70] =	vst @p0 v0;
	v0 =	vnsel @p0 vm0, $0x2710, v6  }
0x114: {  	v1 =	vnsel @p0 vm1, $0x2710, v5;
	vm0 =	vlt.s32 @p0 v7, $0x2710;
	v0 =	vpsel p0, v0, v0  }
0x115: {  	[tilespmem:$0x40] =	vst @p0 v1;
	vm0 =	vmmov @p0 vm0;
	v1 =	vpsel p0, v7, v0  }
0x116: {  	[tilespmem:$0x50] =	vst @p0 v0;
	v0 =	vnsel @p0 vm0, $0x2710, v1  }
0x117: {  	[tilespmem:$0x60] =	vst @p0 v0  }
0x118: {  	[spmem:s4] =	stream.indirect.scatter.add.f32 @p0 [tilespmem:s6], [sflag:$0x1], $0x8, s5, s6, $0xb8;
	[tilespmem:$0x8800] =	vst v63  }
0x119: {  	_ =	swait.ge @p0 [sflag:s8], $0x400  }
0x11a: {  	[sflag:s8] =	ssyncset.done @p0 $0x0  }
0x11b: {  	s12 =	sadd.s32 s12, s23;
	[sflag:s8] =	ssyncadd.s32 @p0 $0xFFFFFC00  }
0x11c: {  	[tilespmem:s5], [sflag:$0x1] =	stream.linear.gather [hbm4b:s12+s5], $0x80, $0x38;
	[tilespmem:$0x8800] =	vst v63  }
0x11d: {  	_ =	swait.ge [sflag:s8], $0x80  }
0x11e: {  	[sflag:s8] =	ssyncset.done $0x0  }
0x11f: {  	[sflag:s8] =	ssyncadd.s32 $0xFFFFFF80  }
0x120: {  	v49 =	vld [tilespmem:$0x0]  }
0x121: {  	v50 =	vld [tilespmem:$0x10]  }
0x122: {  	v51 =	vld [tilespmem:$0x20]  }
0x123: {  	v52 =	vld [tilespmem:$0x30]  }
0x124: {  	v53 =	vld [tilespmem:$0x70]  }
0x125: {  	v54 =	vld [tilespmem:$0x40];
	vm8 =	vlt.s32 v49, $0x2710  }
0x126: {  	v55 =	vld [tilespmem:$0x50];
	vm9 =	vlt.s32 v50, $0x2710;
	v0 =	vnsel vm8, $0x2710, v49  }
0x127: {  	v57 =	vld [tilespmem:$0x60];
	vm10 =	vlt.s32 v51, $0x2710;
	v56 =	vnsel vm9, $0x2710, v50;
	[tilespmem:$0x0] =	vst v0  }
0x128: {  	vm11 =	vlt.s32 v52, $0x2710;
	v58 =	vnsel vm10, $0x2710, v51;
	[tilespmem:$0x10] =	vst v56  }
0x129: {  	vm12 =	vlt.s32 v53, $0x2710;
	v59 =	vnsel vm11, $0x2710, v52;
	[tilespmem:$0x20] =	vst v58  }
0x12a: {  	vm13 =	vlt.s32 v54, $0x2710;
	v60 =	vnsel vm12, $0x2710, v53;
	[tilespmem:$0x30] =	vst v59  }
0x12b: {  	vm14 =	vlt.s32 v55, $0x2710;
	v61 =	vnsel vm13, $0x2710, v54;
	[tilespmem:$0x70] =	vst v60  }
0x12c: {  	vm15 =	vlt.s32 v57, $0x2710;
	v62 =	vnsel vm14, $0x2710, v55;
	[tilespmem:$0x40] =	vst v61  }
0x12d: {  	v63 =	vnsel vm15, $0x2710, v57;
	[tilespmem:$0x50] =	vst v62  }
0x12e: {  	[tilespmem:$0x60] =	vst v63  }
0x12f: {  	[spmem:s4] =	stream.indirect.scatter.add.f32 [tilespmem:s6], [sflag:$0x1], $0x8, s5, s6, $0xb8;
	[tilespmem:$0x8800] =	vst v63  }
0x130: {  	_ =	swait.ge [sflag:s8], $0x400  }
0x131: {  	[sflag:s8] =	ssyncset.done $0x0  }
0x132: {  	s13 =	stileid.u32;
	[sflag:s8] =	ssyncadd.s32 $0xFFFFFC00  }
0x133: {  	s12 =	sshll.u32 s13, $0x6;
	[bflag:$0x0] =	sbarrier.arrive $0xFFFF  }
0x134: {  	s12 =	sor.u32 $0x1C01, s12;
	s14 =	rddreg [dreg:$0x8]  }
0x135: {  	[hbm:s14], [sflag:s12] =	dma.local [spmem:s24], $0x2780  }
0x136: {  	_ =	swait.ge [sflag:s8], $0x2780  }
0x137: {  	[sflag:s8] =	ssyncset.done $0x0  }
0x138: {  	s15 =	rddreg [dreg:$0x9];
	[sflag:s8] =	ssyncadd.s32 $0xFFFFD880  }
0x139: {  	[hbm:s15], [sflag:s12] =	dma.local [spmem:s25], $0x2780  }
0x13a: {  	_ =	swait.ge [sflag:s8], $0x2780  }
0x13b: {  	s11 =	sadd.s32 $0x1, s11;
	s16 =	rddreg [dreg:$0xa]  }
0x13c: {  	p0 =	sne.s32 s11, s16  }
.Ltmp5:
0x13d: {  	_ = 	snop;
	(pc) =	sbr.rel @p0 .LBB2_1-.Ltmp5, $4  }
.Ltmp6:
0x13e: {  	_ = 	snop;
	(pc) =	sbr.rel @!p0 .LBB2_10-.Ltmp6, $4  }
0x13f: {  	_ = 	snop  }
0x140: {  	[sflag:s8] =	ssyncset.done $0x0  }
0x141: {  	[sflag:s8] =	ssyncadd.s32 $0xFFFFD880  }
0x142: {  	_ = 	snop  }
.LBB2_4:
.Ltmp7:
0x143: {  	(pc) =	sbr.rel .LBB2_9-.Ltmp7, $2  }
0x144: {  	_ =	sdelay $0x2  }
0x145: {  	_ = 	snop  }
.LBB2_6:
.Ltmp8:
0x146: {  	(pc) =	sbr.rel .LBB2_9-.Ltmp8, $2  }
0x147: {  	_ =	sdelay $0x2  }
0x148: {  	s13 =	simm.s32 $0x0;
	s12 =	simm.s32 $0x10  }
.LBB2_10:
0x149: {  	_ =	sfence.sel $0x180000  }
0x14a: {  	[bflag:$0x0] =	sbarrier.arrive $0xFFFF  }
0x14b: {  	_ =	strace $0x90000047  }
0x14c: {  	s0 =	stileid.u32;
	[bflag:$0x2] =	sbarrier.arrive $0xFFFF  }
0x14d: {  	p0 =	sne.s32 s0, $0x0;
	s0 =	rddreg [dreg:$0x4]  }
0x14e: {  	s0 =	sadd.s32 @!p0 $0x100000, s0  }
0x14f: {  	[sflag:s0] =	ssyncadd.tile.s32 @!p0 $0x1;
	_ =	shalt  }
.Lfunc_end2:
_tile_overlayer_lowered:
.L_overlay_start_2:
0x150: {  	(tag) =	ssettag $0x2  }
0x151: {  	s0 =	rddreg [dreg:$0x0];
	s2 =	stileid.u32  }
0x152: {  	s1 =	rddreg [dreg:$0x1];
	p0 =	sne.s32 s2, $0x0  }
0x153: {  	s3 =	rddreg [dreg:$0x2];
	[bflag:$0x3] =	sbarrier.arrive $0xFFFF;
	s2 =	simm.s32 @!p0 $0x1C01  }
0x154: {  	[timem:s3], [sflag:s2] =	dma.local @!p0 [hbm:s0], s1  }
0x155: {  	s0 =	simm.s32 @!p0 $0x1  }
0x156: {  	_ =	swait.ge @!p0 [sflag:s0], s1  }
0x157: {  	s1 =	ssub.s32 @!p0 $0x0, s1;
	[sflag:s0] =	ssyncset.done @!p0 $0x0  }
0x158: {  	[sflag:s0] =	ssyncadd.s32 @!p0 s1  }
0x159: {  	[bflag:$0x3] =	sbarrier.arrive $0xFFFF  }
0x15a: {  	_ =	shalt  }

// kernel: kernel.13.cloned.1.call-start
scs
__scs_entry_jumppad:
0x0: {  	(pc) =	sbr.rel $0x88, $3  }
0x1: {  	(tag) =	ssettag $0x0;
	lr =	simm.s32 $0x1  }
0x2: {  	[smem:$0x3F8D] =	sst lr;
	_ =	strace $0xD0000000  }
0x3: {  	_ = 	snop  }
0x4: {  	_ = 	snop  }
0x5: {  	_ = 	snop  }
0x6: {  	_ = 	snop  }
0x7: {  	_ = 	snop  }
__scs_overlays_trampoline_lowered:
0x8: {  	[smem:$0x3F9C] =	sst s0  }
0x9: {  	[smem:$0x3F9D] =	sst s1  }
0xa: {  	[smem:$0x3F9E] =	sst s2  }
0xb: {  	[smem:$0x3F9F] =	sst s3  }
0xc: {  	[smem:$0x3FA0] =	sst s4  }
0xd: {  	[smem:$0x3FA1] =	sst s5  }
0xe: {  	[smem:$0x3FA2] =	sst s6  }
0xf: {  	[smem:$0x3FA3] =	sst s7  }
0x10: {  	[smem:$0x3FA4] =	sst s8  }
0x11: {  	[smem:$0x3FA5] =	sst s9;
	s0 =	simm.s32 @!p0 $0x0  }
0x12: {  	s1 =	sld [smem:$0x3F8B];
	s0 =	simm.s32 @p0 $0x1  }
0x13: {  	[smem:$0x3FA6] =	sst s0;
	s0 =	simm.s32 @!p1 $0x0  }
0x14: {  	s2 =	sld [smem:$0x3F8A];
	s0 =	simm.s32 @p1 $0x1  }
0x15: {  	[smem:$0x3FA7] =	sst s0;
	s0 =	simm.s32 @!p2 $0x0  }
0x16: {  	s3 =	sld [smem:$0x3FDB];
	s0 =	simm.s32 @p2 $0x1  }
0x17: {  	s4 =	simm.s32 $0x1BF5;
	[smem:$0x3FA9] =	sst s0  }
0x18: {  	s0 =	sld [smem:$0x3F8C];
	_ =	swait.ge [sflag:s4], $0x0  }
0x19: {  	s7 =	sld [smem:$0x3F8D]  }
0x1a: {  	s8 =	sadd.s32 $0xFFFFE003, lr  }
0x1b: {  	s9 =	sadd.s32 $0xFFFFFEF7, lr;
	s5 =	simm.s32 $0xFFFFFFFF;
	p2 =	slt.u32 s8, $0xFFFFF086  }
0x1c: {  	p1 =	slt.u32 s9, $0xF7A;
	s5 =	simm.s32 @!p2 $0x0  }
0x1d: {  	s5 =	simm.s32 @p1 $0x1;
	p0 =	seq.s32 s7, s2  }
0x1e: {  	s7 =	smul.u32 @!p0 $0xF7A, s2;
	p2 =	seq.s32 @!p0 s5, $0x0  }
0x1f: {  	s9 =	smul.u32 $0xF7A, s1;
	s8 =	simm.s32 @!p0 $0x1BF5;
	p2 =	por !p2, p0  }
0x20: {  	[sflag:s8] =	ssyncset.s32 @!p0 $0xFFFFF086;
	s6 =	sadd.s32 @!p0 s3, s7;
	s7 =	simm.s32 @!p0 $0x108  }
0x21: {  	s3 =	sadd.s32 s3, s9;
	s6 =	sadd.s32 @!p0 $0x88, s6;
	s7 =	simm.s32 @p2 $0x1082  }
0x22: {  	[simem:s7], [sflag:s8] =	dma.local @!p0 [hbm:s6], $0xF7A  }
0x23: {  	s9 =	sor.u32 $0xD0000000, s2;
	s6 =	simm.s32 $0x108;
	_ =	swait.ge @!p0 [sflag:s8], $0x0  }
0x24: {  	s3 =	sadd.s32 $0x88, s3;
	s6 =	simm.s32 @!p1 $0x1082;
	[sflag:s4] =	ssyncset.s32 $0xFFFFF086  }
0x25: {  	[simem:s6], [sflag:s4] =	dma.local [hbm:s3], $0xF7A  }
0x26: {  	[smem:$0x3F8D] =	sst s1;
	(tag) =	ssettag s2;
	_ =	strace s9  }
0x27: {  	s1 =	sld [smem:$0x3F9D]  }
0x28: {  	s2 =	sld [smem:$0x3F9E]  }
0x29: {  	s4 =	sld [smem:$0x3FA0]  }
0x2a: {  	p0 =	seq.s32 s5, $0x0;
	s5 =	sld [smem:$0x3FA1]  }
0x2b: {  	s6 =	sld [smem:$0x3FA2]  }
0x2c: {  	s7 =	sld [smem:$0x3FA3]  }
0x2d: {  	s3 =	simm.s32 $0x108;
	s8 =	sld [smem:$0x3FA4]  }
0x2e: {  	s3 =	simm.s32 @!p0 $0x1082;
	s9 =	sld [smem:$0x3FA5]  }
0x2f: {  	lr =	sadd.s32 s0, s3;
	s0 =	sld [smem:$0x3F9C]  }
0x30: {  	s3 =	sld [smem:$0x3F9F]  }
0x31: {  	[smem:$0x3FA8] =	sst s10  }
0x32: {  	s10 =	sld [smem:$0x3FA6];
	_ =	sdelay $0x3  }
0x33: {  	p0 =	seq.s32 s10, $0x1;
	s10 =	sld [smem:$0x3FA8];
	_ =	sdelay $0x3  }
0x34: {  	[smem:$0x3FA8] =	sst s10  }
0x35: {  	s10 =	sld [smem:$0x3FA7];
	_ =	sdelay $0x3  }
0x36: {  	p1 =	seq.s32 s10, $0x1;
	s10 =	sld [smem:$0x3FA8];
	_ =	sdelay $0x3  }
0x37: {  	[smem:$0x3FA8] =	sst s10  }
0x38: {  	s10 =	sld [smem:$0x3FA9]  }
0x39: {  	_ = 	snop;
	(pc) =	sbr.ind lr, $3  }
0x3a: {  	_ = 	snop  }
0x3b: {  	_ = 	snop  }
0x3c: {  	p2 =	seq.s32 s10, $0x1;
	s10 =	sld [smem:$0x3FA8]  }
0x3d: {  	_ =	shalt  }
0x3e: {  	_ =	shalt  }
0x3f: {  	_ =	shalt  }
0x40: {  	_ =	shalt  }
0x41: {  	_ =	shalt  }
0x42: {  	_ =	shalt  }
0x43: {  	_ =	shalt  }
0x44: {  	_ =	shalt  }
0x45: {  	_ =	shalt  }
0x46: {  	_ =	shalt  }
0x47: {  	_ =	shalt  }
0x48: {  	_ =	shalt  }
0x49: {  	_ =	shalt  }
0x4a: {  	_ =	shalt  }
0x4b: {  	_ =	shalt  }
0x4c: {  	_ =	shalt  }
0x4d: {  	_ =	shalt  }
0x4e: {  	_ =	shalt  }
0x4f: {  	_ =	shalt  }
0x50: {  	_ =	shalt  }
0x51: {  	_ =	shalt  }
0x52: {  	_ =	shalt  }
0x53: {  	_ =	shalt  }
0x54: {  	_ =	shalt  }
0x55: {  	_ =	shalt  }
0x56: {  	_ =	shalt  }
0x57: {  	_ =	shalt  }
0x58: {  	_ =	shalt  }
0x59: {  	_ =	shalt  }
0x5a: {  	_ =	shalt  }
0x5b: {  	_ =	shalt  }
0x5c: {  	_ =	shalt  }
0x5d: {  	_ =	shalt  }
0x5e: {  	_ =	shalt  }
0x5f: {  	_ =	shalt  }
0x60: {  	_ =	shalt  }
0x61: {  	_ =	shalt  }
0x62: {  	_ =	shalt  }
0x63: {  	_ =	shalt  }
0x64: {  	_ =	shalt  }
0x65: {  	_ =	shalt  }
0x66: {  	_ =	shalt  }
0x67: {  	_ =	shalt  }
0x68: {  	_ =	shalt  }
0x69: {  	_ =	shalt  }
0x6a: {  	_ =	shalt  }
0x6b: {  	_ =	shalt  }
0x6c: {  	_ =	shalt  }
0x6d: {  	_ =	shalt  }
0x6e: {  	_ =	shalt  }
0x6f: {  	_ =	shalt  }
0x70: {  	_ =	shalt  }
0x71: {  	_ =	shalt  }
0x72: {  	_ =	shalt  }
0x73: {  	_ =	shalt  }
0x74: {  	_ =	shalt  }
0x75: {  	_ =	shalt  }
0x76: {  	_ =	shalt  }
0x77: {  	_ =	shalt  }
0x78: {  	_ =	shalt  }
0x79: {  	_ =	shalt  }
0x7a: {  	_ =	shalt  }
0x7b: {  	_ =	shalt  }
0x7c: {  	_ =	shalt  }
0x7d: {  	_ =	shalt  }
0x7e: {  	_ =	shalt  }
0x7f: {  	_ =	shalt  }
0x80: {  	_ =	shalt  }
0x81: {  	_ =	shalt  }
0x82: {  	_ =	shalt  }
0x83: {  	_ =	shalt  }
0x84: {  	_ =	shalt  }
0x85: {  	_ =	shalt  }
0x86: {  	_ =	shalt  }
0x87: {  	_ =	shalt  }
.Lfunc_end0:
.L_simem_size_0:
called_computation.1_lowered:
.L_overlay_start_0:
0x88: {  	s2 =	sld [smem:$0x3FD9]  }
0x89: {  	s3 =	sld [smem:$0x3FFE];
	_ =	sdelay $0x1  }
0x8a: {  	s1 =	srdreg.scid  }
0x8b: {  	s0 =	sand.u32 $0x1, s1  }
0x8c: {  	s17 =	sshll.u32 s0, $0xA;
	s2 =	sadd.s32 s3, s2  }
0x8d: {  	s2 =	sadd.s32 s2, s17  }
0x8e: {  	[smem:$0x3FB4] =	sst s2  }
0x8f: {  	_ = 	snop  }
0x90: {  	(tm) =	ssettm $0x1  }
0x91: {  	s18 =	sld [smem:$0x3FFB];
	_ =	sdelay $0x3  }
0x92: {  	_ =	strace s18  }
0x93: {  	s2 =	sld [smem:$0x3FFC];
	_ =	sdelay $0x3  }
0x94: {  	_ =	strace s2  }
0x95: {  	s2 =	sld [smem:$0x3FFD];
	_ =	sdelay $0x3  }
0x96: {  	_ =	strace s2  }
0x97: {  	_ =	strace $0x8FFFFFFF  }
0x98: {  	s19 =	sld [smem:$0x3FDB];
	_ =	sdelay $0x1  }
0x99: {  	s20 =	simm.s32 $_scs_section_size  }
0x9a: {  	s4 =	simm.s32 $_size__tile_overlayer_lowered;
	s5 =	simm.s32 $_tile_overlayer_lowered  }
0x9b: {  	s6 =	simm.s32 $0x1BFF;
	s21 =	sshll.u32 s5, $0x1;
	s3 =	sadd.s32 s20, s19  }
0x9c: {  	s22 =	simm.s32 $0x0;
	s4 =	sshll.u32 s4, $0x1;
	s5 =	sadd.s32 s21, s3  }
0x9d: {  	[timem:s22], [sflag:s6] =	dma.local [hbm:s5], s4  }
0x9e: {  	_ =	swait.ge [sflag:s6], s4  }
0x9f: {  	s4 =	ssub.s32 $0x0, s4;
	[sflag:s6] =	ssyncset.done $0x0  }
0xa0: {  	[sflag:s6] =	ssyncadd.s32 s4;
	_ =	sdelay $0x1  }
0xa1: {  	s23 =	simm.s32 $0x1B8B  }
0xa2: {  	_ =	swait.ge [sflag:s23], $0x1  }
0xa3: {  	[sflag:s23] =	ssyncset.done $0x0  }
0xa4: {  	[sflag:s23] =	ssyncadd.s32 $0xFFFFFFFF  }
0xa5: {  	s4 =	sld [smem:$0x0]  }
0xa6: {  	s5 =	sand.u32 $0xFFFFFFFE, s1  }
0xa7: {  	p0 =	sne.s32 s1, s5  }
0xa8: {  	s5 =	sshll.u32 @p0 s5, $0xE  }
0xa9: {  	s5 =	sadd.s32 @p0 $0x11B8D, s5;
	s6 =	sshll.u32 @p0 s4, $0x11  }
0xaa: {  	s5 =	sor.u32 @p0 s6, s5  }
0xab: {  	[sflag:s5] =	ssyncadd.remote.s32 @p0 $0x1;
	_ =	sdelay $0x1  }
0xac: {  	s5 =	simm.s32 @p0 $0x1B8D  }
0xad: {  	_ =	swait.eq @p0 [sflag:s5], $0x1  }
0xae: {  	[sflag:s5] =	ssyncadd.s32 @p0 $0xFFFFFFFF  }
0xaf: {  	s6 =	sshll.u32 @!p0 s1, $0xE  }
0xb0: {  	s6 =	sor.u32 @!p0 $0x4000, s6;
	s5 =	simm.s32 @!p0 $0x1B8D  }
0xb1: {  	s4 =	sshll.u32 @!p0 s4, $0x11;
	s6 =	sadd.s32 @!p0 $0x11B8D, s6;
	_ =	swait.eq @!p0 [sflag:s5], $0x1  }
0xb2: {  	s4 =	sor.u32 @!p0 s4, s6;
	[sflag:s5] =	ssyncadd.s32 @!p0 $0xFFFFFFFF  }
0xb3: {  	s25 =	simm.s32 $0x1B8E;
	s24 =	sld [smem:$0x3FFE];
	[sflag:s4] =	ssyncadd.remote.s32 @!p0 $0x1  }
0xb4: {  	s26 =	simm.s32 $execute0_lowered;
	[smem:$0x3FD2] =	sst s25  }
0xb5: {  	s5 =	sshll.u32 s26, $0x1;
	_ =	strace $0x80000049;
	[dreg:$0x1] =	wrdreg $0xFFFFFFFF  }
0xb6: {  	s28 =	simm.s32 $_size_execute0_lowered;
	s3 =	sadd.s32 s3, s5;
	[dreg:$0x0] =	wrdreg $0x0  }
0xb7: {  	s5 =	sshll.u32 s28, $0x1;
	[dreg:$0x2] =	wrdreg s3  }
0xb8: {  	[dreg:$0x3] =	wrdreg s5  }
0xb9: {  	[dreg:$0x4] =	wrdreg $0xC0  }
0xba: {  	_ =	task [dreg:s22], $0x5FFFF  }
0xbb: {  	[dreg:$0x1] =	wrdreg $0xFFFFFFFF  }
0xbc: {  	[dreg:$0x0] =	wrdreg $0x60  }
0xbd: {  	[dreg:$0x2] =	wrdreg s24  }
0xbe: {  	[dreg:$0x3] =	wrdreg $0x61000  }
0xbf: {  	[dreg:$0x4] =	wrdreg $0xA  }
0xc0: {  	_ =	task.clear_ibuf [dreg:s22], $0x5FFFF;
	_ =	strace $0x90000049  }
0xc1: {  	s29 =	simm.s32 $0xA;
	_ =	strace $0x8000004B  }
0xc2: {  	_ =	swait.ge [sflag:s29], $0x1  }
0xc3: {  	[sflag:s29] =	ssyncadd.s32 $0xFFFFFFFF  }
0xc4: {  	_ =	strace $0x9000004B  }
0xc5: {  	_ =	sfence  }
0xc6: {  	s30 =	sld [smem:$0x0];
	_ =	sdelay $0x2  }
0xc7: {  	s31 =	sshll.u32 s1, $0xD;
	s1 =	sshrl.u32 s1, $0x2  }
0xc8: {  	s4 =	sand.u32 $0x4000, s31;
	s1 =	sadd.s32 s1, s30  }
0xc9: {  	s0 =	sor.u32 s4, s0;
	s1 =	sshll.u32 s1, $0x11  }
0xca: {  	s0 =	sor.u32 s1, s0  }
0xcb: {  	s0 =	sadd.s32 $0x8F2B, s0  }
0xcc: {  	[sflag:s0] =	ssyncadd.remote.s32 $0x1  }
0xcd: {  	_ =	sfence.sel $0xFFFF  }
0xce: {  	[dreg:$0x0] =	wrdreg $0xFFFFFFFF;
	(pc) =	sbr.abs _section_cstart, $3  }
0xcf: {  	[dreg:$0x1] =	wrdreg $0xFFFFFFFF  }
0xd0: {  	_ =	task.clear_ibuf [dreg:s22], $0x2FFFF;
	_ =	strace $0x9FFFFFFF  }
0xd1: {  	(tm) =	ssettm $0x7FFFFFFF  }
tec
execute0_lowered:
.L_overlay_start_1:
0x0: {  	(tag) =	ssettag $0x1  }
0x1: {  	s5 =	rddreg [dreg:$0x0]  }
0x2: {  	s2 =	rddreg [dreg:$0x1]  }
0x3: {  	s0 =	rddreg [dreg:$0x2];
	s1 =	stileid.u32  }
0x4: {  	s4 =	srdreg.scid;
	s3 =	simm.s32 $0x0;
	s19 =	simm.s32 $0x4100  }
0x5: {  	s20 =	simm.s32 $0x2;
	s21 =	simm.s32 $0x80;
	s6 =	smul.u32 $0x960, s1  }
0x6: {  	s22 =	simm.s32 $0x100;
	s23 =	simm.s32 $0x1;
	s7 =	smul.u32 $0x2780, s1  }
0x7: {  	s24 =	simm.s32 $0x0;
	s11 =	sand.u32 $0x1, s4;
	s9 =	smul.u32 $0x4F000, s1  }
0x8: {  	[smem:$0x7FF] =	sst s3;
	s4 =	sadd.s32 $0x303800, s5;
	s8 =	smul.u32 $0x27800, s11  }
0x9: {  	_ =	strace $0x8000004A;
	s30 =	ssub.s32 $0x2, s11;
	s17 =	smul.u32 $0x4B0, s11  }
0xa: {  	s16 =	sadd.s32 s6, s5;
	s31 =	sshrl.u32 s30, $0x1;
	s9 =	sshrl.u32 s9, $0x2  }
0xb: {  	s7 =	sadd.s32 s7, s8;
	s8 =	ssub.s32 s30, s31;
	s18 =	sadd.s32 s17, s16  }
0xc: {  	s7 =	sadd.s32 s7, s5;
	s5 =	sadd.s32 s9, s2;
	s8 =	smax.u32 s8, $0x1  }
0xd: {  	s17 =	sadd.s32 $0x3A00, s18;
	s18 =	sadd.s32 $0x172200, s18;
	s6 =	sadd.s32 $0x12000, s5  }
0xe: {  	s7 =	sadd.s32 $0xAE200, s7;
	s9 =	sadd.s32 $0x2000, s5;
	s10 =	sadd.s32 $0x4000, s5  }
0xf: {  	s11 =	sadd.s32 $0x6000, s5;
	s12 =	sadd.s32 $0x8000, s5;
	s13 =	sadd.s32 $0xA000, s5  }
0x10: {  	v0 =	vimm.f32 $0.0e+00;
	s14 =	sadd.s32 $0xC000, s5;
	s15 =	sadd.s32 $0xE000, s5;
	s16 =	sadd.s32 $0x10000, s5  }
.LBB2_1:
0x11: {  	s25 =	simm.s32 $0x0;
	s26 =	simm.s32 $0x200  }
.LBB2_2:
0x12: {  	p0 =	sne.s32 s26, $0x7E00;
	[tilespmem:s25+$0x4170] =	vst v0  }
0x13: {  	[tilespmem:s25+$0x4100] =	vst v0  }
0x14: {  	[tilespmem:s25+$0x4110] =	vst v0  }
.Ltmp0:
0x15: {  	[tilespmem:s25+$0x4120] =	vst v0;
	(pc) =	sbr.rel @p0 .LBB2_2-.Ltmp0, $4  }
0x16: {  	[tilespmem:s25+$0x4130] =	vst v0  }
0x17: {  	[tilespmem:s25+$0x4140] =	vst v0  }
0x18: {  	[tilespmem:s25+$0x4150] =	vst v0  }
0x19: {  	[tilespmem:s25+$0x4160] =	vst v0;
	s25 =	sshra.s32 s26, $0x2;
	s26 =	sadd.s32 $0x200, s26  }
0x1a: {  	[tilespmem:s25+$0x4170] =	vst v0  }
0x1b: {  	[tilespmem:s25+$0x4100] =	vst v0  }
0x1c: {  	[tilespmem:s25+$0x4110] =	vst v0  }
0x1d: {  	[tilespmem:s25+$0x4120] =	vst v0  }
0x1e: {  	[tilespmem:s25+$0x4130] =	vst v0  }
0x1f: {  	[tilespmem:s25+$0x4140] =	vst v0  }
0x20: {  	[tilespmem:s25+$0x4150] =	vst v0  }
0x21: {  	[tilespmem:s25+$0x4160] =	vst v0  }
0x22: {  	[spmem:s5] =	stream.linear.scatter [tilespmem:s19], [sflag:$0x2], $0x2000, $0x38;
	[tilespmem:$0x19D00] =	vst v63  }
0x23: {  	_ =	swait.ge [sflag:s20], $0x2000  }
0x24: {  	[sflag:s20] =	ssyncset.done $0x0  }
0x25: {  	[sflag:s20] =	ssyncadd.s32 $0xFFFFE000  }
0x26: {  	[spmem:s9] =	stream.linear.scatter [tilespmem:s19], [sflag:$0x2], $0x2000, $0x38;
	[tilespmem:$0x19D00] =	vst v63  }
0x27: {  	_ =	swait.ge [sflag:s20], $0x2000  }
0x28: {  	[sflag:s20] =	ssyncset.done $0x0  }
0x29: {  	[sflag:s20] =	ssyncadd.s32 $0xFFFFE000  }
0x2a: {  	[spmem:s10] =	stream.linear.scatter [tilespmem:s19], [sflag:$0x2], $0x2000, $0x38;
	[tilespmem:$0x19D00] =	vst v63  }
0x2b: {  	_ =	swait.ge [sflag:s20], $0x2000  }
0x2c: {  	[sflag:s20] =	ssyncset.done $0x0  }
0x2d: {  	[sflag:s20] =	ssyncadd.s32 $0xFFFFE000  }
0x2e: {  	[spmem:s11] =	stream.linear.scatter [tilespmem:s19], [sflag:$0x2], $0x2000, $0x38;
	[tilespmem:$0x19D00] =	vst v63  }
0x2f: {  	_ =	swait.ge [sflag:s20], $0x2000  }
0x30: {  	[sflag:s20] =	ssyncset.done $0x0  }
0x31: {  	[sflag:s20] =	ssyncadd.s32 $0xFFFFE000  }
0x32: {  	[spmem:s12] =	stream.linear.scatter [tilespmem:s19], [sflag:$0x2], $0x2000, $0x38;
	[tilespmem:$0x19D00] =	vst v63  }
0x33: {  	_ =	swait.ge [sflag:s20], $0x2000  }
0x34: {  	[sflag:s20] =	ssyncset.done $0x0  }
0x35: {  	[sflag:s20] =	ssyncadd.s32 $0xFFFFE000  }
0x36: {  	[spmem:s13] =	stream.linear.scatter [tilespmem:s19], [sflag:$0x2], $0x2000, $0x38;
	[tilespmem:$0x19D00] =	vst v63  }
0x37: {  	_ =	swait.ge [sflag:s20], $0x2000  }
0x38: {  	[sflag:s20] =	ssyncset.done $0x0  }
0x39: {  	[sflag:s20] =	ssyncadd.s32 $0xFFFFE000  }
0x3a: {  	[spmem:s14] =	stream.linear.scatter [tilespmem:s19], [sflag:$0x2], $0x2000, $0x38;
	[tilespmem:$0x19D00] =	vst v63  }
0x3b: {  	_ =	swait.ge [sflag:s20], $0x2000  }
0x3c: {  	[sflag:s20] =	ssyncset.done $0x0  }
0x3d: {  	[sflag:s20] =	ssyncadd.s32 $0xFFFFE000  }
0x3e: {  	[spmem:s15] =	stream.linear.scatter [tilespmem:s19], [sflag:$0x2], $0x2000, $0x38;
	[tilespmem:$0x19D00] =	vst v63  }
0x3f: {  	_ =	swait.ge [sflag:s20], $0x2000  }
0x40: {  	[sflag:s20] =	ssyncset.done $0x0  }
0x41: {  	[sflag:s20] =	ssyncadd.s32 $0xFFFFE000  }
0x42: {  	[spmem:s16] =	stream.linear.scatter [tilespmem:s19], [sflag:$0x2], $0x2000, $0x38;
	[tilespmem:$0x19D00] =	vst v63  }
0x43: {  	_ =	swait.ge [sflag:s20], $0x2000  }
0x44: {  	[sflag:s20] =	ssyncset.done $0x0  }
0x45: {  	[sflag:s20] =	ssyncadd.s32 $0xFFFFE000  }
0x46: {  	[spmem:s6] =	stream.linear.scatter [tilespmem:s19], [sflag:$0x2], $0x1C00, $0x38;
	[tilespmem:$0x19D00] =	vst v63  }
0x47: {  	_ =	swait.ge [sflag:s20], $0x1C00  }
0x48: {  	[sflag:s20] =	ssyncset.done $0x0  }
0x49: {  	[sflag:s20] =	ssyncadd.s32 $0xFFFFE400  }
0x4a: {  	s30 =	sadd.s32 $0x0, s18;
	[bflag:$0x0] =	sbarrier.arrive $0xFFFF  }
0x4b: {  	[tilespmem:s3], [sflag:$0x2] =	stream.linear.gather [hbm4b:s30+s3], $0x80, $0x38;
	[tilespmem:$0x19D00] =	vst v63  }
0x4c: {  	_ =	swait.ge [sflag:s20], $0x80  }
0x4d: {  	[sflag:s20] =	ssyncset.done $0x0  }
0x4e: {  	s31 =	sadd.s32 $0x0, s17;
	[sflag:s20] =	ssyncadd.s32 $0xFFFFFF80  }
0x4f: {  	[tilespmem:s21], [sflag:$0x2] =	stream.linear.gather [hbm4b:s31+s3], $0x80, $0x38;
	[tilespmem:$0x19D00] =	vst v63  }
0x50: {  	_ =	swait.ge [sflag:s20], $0x80  }
0x51: {  	[sflag:s20] =	ssyncset.done $0x0  }
0x52: {  	[sflag:s20] =	ssyncadd.s32 $0xFFFFFF80  }
0x53: {  	v1 =	vld [tilespmem:$0xD0]  }
0x54: {  	v2 =	vld [tilespmem:$0xB0]  }
0x55: {  	v3 =	vld [tilespmem:$0xA0]  }
0x56: {  	v4 =	vld [tilespmem:$0x90]  }
0x57: {  	v5 =	vld [tilespmem:$0xC0]  }
0x58: {  	v6 =	vld [tilespmem:$0x80];
	vm0 =	vlt.s32 v1, $0x2710  }
0x59: {  	v7 =	vld [tilespmem:$0xE0];
	vm1 =	vlt.s32 v2, $0x2710;
	v1 =	vnsel vm0, $0x2710, v1  }
0x5a: {  	vm0 =	vlt.s32 v3, $0x2710;
	v2 =	vnsel vm1, $0x2710, v2;
	[tilespmem:$0xD0] =	vst v1;
	v1 =	vld [tilespmem:$0xF0]  }
0x5b: {  	vm1 =	vlt.s32 v4, $0x2710;
	v3 =	vnsel vm0, $0x2710, v3;
	[tilespmem:$0xB0] =	vst v2  }
0x5c: {  	v2 =	vnsel vm1, $0x2710, v4;
	vm0 =	vlt.s32 v5, $0x2710;
	[tilespmem:$0xA0] =	vst v3  }
0x5d: {  	vm1 =	vlt.s32 v6, $0x2710;
	[tilespmem:$0x90] =	vst v2;
	v2 =	vnsel vm0, $0x2710, v5  }
0x5e: {  	v3 =	vnsel vm1, $0x2710, v6;
	vm0 =	vlt.s32 v7, $0x2710;
	[tilespmem:$0xC0] =	vst v2  }
0x5f: {  	s25 =	simm.s32 $0x10;
	[tilespmem:$0x80] =	vst v3;
	v2 =	vnsel vm0, $0x2710, v7;
	vm0 =	vlt.s32 v1, $0x2710  }
.LBB2_4:
0x60: {  	p0 =	sne.s32 s25, $0x4A0;
	[tilespmem:$0xE0] =	vst v2;
	v1 =	vnsel vm0, $0x2710, v1;
	s26 =	smov.u32 s25;
	s25 =	sadd.s32 $0x10, s25  }
0x61: {  	[tilespmem:$0xF0] =	vst v1  }
0x62: {  	[tilespmem:s22], [sflag:$0x1] =	stream.indirect.gather [hbm4b:s4+s21], $0x80, s3, s21, $0xb8;
	[tilespmem:$0x19D00] =	vst v63  }
0x63: {  	_ =	swait.ge [sflag:s23], $0x4000  }
0x64: {  	[sflag:s23] =	ssyncset.done $0x0  }
0x65: {  	[sflag:s23] =	ssyncadd.s32 $0xFFFFC000  }
0x66: {  	[spmem:s2] =	stream.indirect.scatter.add.f32 [tilespmem:s22], [sflag:$0x2], $0x80, s21, s21, $0xb8;
	[tilespmem:$0x19D00] =	vst v63  }
0x67: {  	s28 =	sadd.s32 s26, s18;
	_ =	swait.ge [sflag:s20], $0x4000  }
0x68: {  	[sflag:s20] =	ssyncset.done $0x0  }
0x69: {  	[sflag:s20] =	ssyncadd.s32 $0xFFFFC000  }
0x6a: {  	[tilespmem:s3], [sflag:$0x2] =	stream.linear.gather [hbm4b:s28+s3], $0x80, $0x38;
	[tilespmem:$0x19D00] =	vst v63  }
0x6b: {  	_ =	swait.ge [sflag:s20], $0x80  }
0x6c: {  	[sflag:s20] =	ssyncset.done $0x0  }
0x6d: {  	s26 =	sadd.s32 s26, s17;
	[sflag:s20] =	ssyncadd.s32 $0xFFFFFF80  }
0x6e: {  	[tilespmem:s21], [sflag:$0x2] =	stream.linear.gather [hbm4b:s26+s3], $0x80, $0x38;
	[tilespmem:$0x19D00] =	vst v63  }
0x6f: {  	_ =	swait.ge [sflag:s20], $0x80  }
0x70: {  	[sflag:s20] =	ssyncset.done $0x0  }
0x71: {  	[sflag:s20] =	ssyncadd.s32 $0xFFFFFF80  }
0x72: {  	v1 =	vld [tilespmem:$0xD0]  }
0x73: {  	v2 =	vld [tilespmem:$0xB0]  }
0x74: {  	v3 =	vld [tilespmem:$0xA0]  }
0x75: {  	v4 =	vld [tilespmem:$0x90]  }
0x76: {  	v5 =	vld [tilespmem:$0xC0]  }
0x77: {  	v6 =	vld [tilespmem:$0x80];
	vm0 =	vlt.s32 v1, $0x2710  }
0x78: {  	vm1 =	vlt.s32 v2, $0x2710;
	v1 =	vnsel vm0, $0x2710, v1;
	v7 =	vld [tilespmem:$0xE0]  }
0x79: {  	vm0 =	vlt.s32 v3, $0x2710;
	v2 =	vnsel vm1, $0x2710, v2;
	[tilespmem:$0xD0] =	vst v1;
	v1 =	vld [tilespmem:$0xF0]  }
.Ltmp1:
0x7a: {  	vm1 =	vlt.s32 v4, $0x2710;
	v3 =	vnsel vm0, $0x2710, v3;
	[tilespmem:$0xB0] =	vst v2;
	(pc) =	sbr.rel @p0 .LBB2_4-.Ltmp1, $4  }
0x7b: {  	v2 =	vnsel vm1, $0x2710, v4;
	[tilespmem:$0xA0] =	vst v3;
	vm0 =	vlt.s32 v5, $0x2710  }
0x7c: {  	vm1 =	vlt.s32 v6, $0x2710;
	[tilespmem:$0x90] =	vst v2;
	v2 =	vnsel vm0, $0x2710, v5  }
0x7d: {  	v3 =	vnsel vm1, $0x2710, v6;
	[tilespmem:$0xC0] =	vst v2;
	vm0 =	vlt.s32 v7, $0x2710  }
0x7e: {  	[tilespmem:$0x80] =	vst v3;
	v2 =	vnsel vm0, $0x2710, v7;
	vm0 =	vlt.s32 v1, $0x2710  }
0x7f: {  	[tilespmem:$0xE0] =	vst v2;
	v1 =	vnsel vm0, $0x2710, v1  }
0x80: {  	[tilespmem:$0xF0] =	vst v1  }
0x81: {  	[tilespmem:s22], [sflag:$0x1] =	stream.indirect.gather [hbm4b:s4+s21], $0x80, s3, s21, $0xb8;
	[tilespmem:$0x19D00] =	vst v63  }
0x82: {  	_ =	swait.ge [sflag:s23], $0x4000  }
0x83: {  	[sflag:s23] =	ssyncset.done $0x0  }
0x84: {  	[sflag:s23] =	ssyncadd.s32 $0xFFFFC000  }
0x85: {  	[spmem:s2] =	stream.indirect.scatter.add.f32 [tilespmem:s22], [sflag:$0x2], $0x80, s21, s21, $0xb8;
	[tilespmem:$0x19D00] =	vst v63  }
0x86: {  	_ =	swait.ge [sflag:s20], $0x4000  }
0x87: {  	s25 =	sshll.u32 s1, $0x6;
	s24 =	sadd.s32 $0x1, s24;
	[sflag:s20] =	ssyncset.done $0x0  }
0x88: {  	s26 =	sshrl.u32 s5, $0x3;
	p0 =	sne.s32 s24, s8;
	[sflag:s20] =	ssyncadd.s32 $0xFFFFC000  }
.Ltmp2:
0x89: {  	s25 =	sor.u32 $0x1C02, s25;
	[bflag:$0x0] =	sbarrier.arrive $0xFFFF;
	(pc) =	sbr.rel @p0 .LBB2_1-.Ltmp2, $4  }
0x8a: {  	[hbm:s7], [sflag:s25] =	dma.local [spmem:s26], $0x2780  }
0x8b: {  	_ =	swait.ge [sflag:s20], $0x2780  }
0x8c: {  	[sflag:s20] =	ssyncset.done $0x0  }
0x8d: {  	[sflag:s20] =	ssyncadd.s32 $0xFFFFD880  }
0x8e: {  	_ =	sfence.sel $0x180000  }
0x8f: {  	[bflag:$0x0] =	sbarrier.arrive $0xFFFF  }
0x90: {  	p0 =	sne.s32 s1, $0x0;
	_ =	strace $0x9000004A  }
0x91: {  	s0 =	sadd.s32 @!p0 $0x100000, s0;
	[bflag:$0x2] =	sbarrier.arrive $0xFFFF  }
0x92: {  	[sflag:s0] =	ssyncadd.tile.s32 @!p0 $0x1;
	_ =	shalt  }
.Lfunc_end2:
_tile_overlayer_lowered:
.L_overlay_start_2:
0x93: {  	(tag) =	ssettag $0x2  }
0x94: {  	s0 =	rddreg [dreg:$0x0];
	s2 =	stileid.u32  }
0x95: {  	s1 =	rddreg [dreg:$0x1];
	p0 =	sne.s32 s2, $0x0  }
0x96: {  	s3 =	rddreg [dreg:$0x2];
	[bflag:$0x3] =	sbarrier.arrive $0xFFFF;
	s2 =	simm.s32 @!p0 $0x1C02  }
0x97: {  	[timem:s3], [sflag:s2] =	dma.local @!p0 [hbm:s0], s1  }
0x98: {  	s0 =	simm.s32 @!p0 $0x2  }
0x99: {  	_ =	swait.ge @!p0 [sflag:s0], s1  }
0x9a: {  	s1 =	ssub.s32 @!p0 $0x0, s1;
	[sflag:s0] =	ssyncset.done @!p0 $0x0  }
0x9b: {  	[sflag:s0] =	ssyncadd.s32 @!p0 s1  }
0x9c: {  	[bflag:$0x3] =	sbarrier.arrive $0xFFFF  }
0x9d: {  	_ =	shalt  }

// kernel: kernel.16.cloned.1.call-start
scs
__scs_entry_jumppad:
0x0: {  	(pc) =	sbr.rel $0x88, $3  }
0x1: {  	(tag) =	ssettag $0x0;
	lr =	simm.s32 $0x1  }
0x2: {  	[smem:$0x3F8D] =	sst lr;
	_ =	strace $0xD0000000  }
0x3: {  	_ = 	snop  }
0x4: {  	_ = 	snop  }
0x5: {  	_ = 	snop  }
0x6: {  	_ = 	snop  }
0x7: {  	_ = 	snop  }
__scs_overlays_trampoline_lowered:
0x8: {  	[smem:$0x3F9C] =	sst s0  }
0x9: {  	[smem:$0x3F9D] =	sst s1  }
0xa: {  	[smem:$0x3F9E] =	sst s2  }
0xb: {  	[smem:$0x3F9F] =	sst s3  }
0xc: {  	[smem:$0x3FA0] =	sst s4  }
0xd: {  	[smem:$0x3FA1] =	sst s5  }
0xe: {  	[smem:$0x3FA2] =	sst s6  }
0xf: {  	[smem:$0x3FA3] =	sst s7  }
0x10: {  	[smem:$0x3FA4] =	sst s8  }
0x11: {  	[smem:$0x3FA5] =	sst s9;
	s0 =	simm.s32 @!p0 $0x0  }
0x12: {  	s1 =	sld [smem:$0x3F8B];
	s0 =	simm.s32 @p0 $0x1  }
0x13: {  	[smem:$0x3FA6] =	sst s0;
	s0 =	simm.s32 @!p1 $0x0  }
0x14: {  	s2 =	sld [smem:$0x3F8A];
	s0 =	simm.s32 @p1 $0x1  }
0x15: {  	[smem:$0x3FA7] =	sst s0;
	s0 =	simm.s32 @!p2 $0x0  }
0x16: {  	s3 =	sld [smem:$0x3FDB];
	s0 =	simm.s32 @p2 $0x1  }
0x17: {  	s4 =	simm.s32 $0x1BF5;
	[smem:$0x3FA9] =	sst s0  }
0x18: {  	s0 =	sld [smem:$0x3F8C];
	_ =	swait.ge [sflag:s4], $0x0  }
0x19: {  	s7 =	sld [smem:$0x3F8D]  }
0x1a: {  	s8 =	sadd.s32 $0xFFFFE003, lr  }
0x1b: {  	s9 =	sadd.s32 $0xFFFFFEF7, lr;
	s5 =	simm.s32 $0xFFFFFFFF;
	p2 =	slt.u32 s8, $0xFFFFF086  }
0x1c: {  	p1 =	slt.u32 s9, $0xF7A;
	s5 =	simm.s32 @!p2 $0x0  }
0x1d: {  	s5 =	simm.s32 @p1 $0x1;
	p0 =	seq.s32 s7, s2  }
0x1e: {  	s7 =	smul.u32 @!p0 $0xF7A, s2;
	p2 =	seq.s32 @!p0 s5, $0x0  }
0x1f: {  	s9 =	smul.u32 $0xF7A, s1;
	s8 =	simm.s32 @!p0 $0x1BF5;
	p2 =	por !p2, p0  }
0x20: {  	[sflag:s8] =	ssyncset.s32 @!p0 $0xFFFFF086;
	s6 =	sadd.s32 @!p0 s3, s7;
	s7 =	simm.s32 @!p0 $0x108  }
0x21: {  	s3 =	sadd.s32 s3, s9;
	s6 =	sadd.s32 @!p0 $0x88, s6;
	s7 =	simm.s32 @p2 $0x1082  }
0x22: {  	[simem:s7], [sflag:s8] =	dma.local @!p0 [hbm:s6], $0xF7A  }
0x23: {  	s9 =	sor.u32 $0xD0000000, s2;
	s6 =	simm.s32 $0x108;
	_ =	swait.ge @!p0 [sflag:s8], $0x0  }
0x24: {  	s3 =	sadd.s32 $0x88, s3;
	s6 =	simm.s32 @!p1 $0x1082;
	[sflag:s4] =	ssyncset.s32 $0xFFFFF086  }
0x25: {  	[simem:s6], [sflag:s4] =	dma.local [hbm:s3], $0xF7A  }
0x26: {  	[smem:$0x3F8D] =	sst s1;
	(tag) =	ssettag s2;
	_ =	strace s9  }
0x27: {  	s1 =	sld [smem:$0x3F9D]  }
0x28: {  	s2 =	sld [smem:$0x3F9E]  }
0x29: {  	s4 =	sld [smem:$0x3FA0]  }
0x2a: {  	p0 =	seq.s32 s5, $0x0;
	s5 =	sld [smem:$0x3FA1]  }
0x2b: {  	s6 =	sld [smem:$0x3FA2]  }
0x2c: {  	s7 =	sld [smem:$0x3FA3]  }
0x2d: {  	s3 =	simm.s32 $0x108;
	s8 =	sld [smem:$0x3FA4]  }
0x2e: {  	s3 =	simm.s32 @!p0 $0x1082;
	s9 =	sld [smem:$0x3FA5]  }
0x2f: {  	lr =	sadd.s32 s0, s3;
	s0 =	sld [smem:$0x3F9C]  }
0x30: {  	s3 =	sld [smem:$0x3F9F]  }
0x31: {  	[smem:$0x3FA8] =	sst s10  }
0x32: {  	s10 =	sld [smem:$0x3FA6];
	_ =	sdelay $0x3  }
0x33: {  	p0 =	seq.s32 s10, $0x1;
	s10 =	sld [smem:$0x3FA8];
	_ =	sdelay $0x3  }
0x34: {  	[smem:$0x3FA8] =	sst s10  }
0x35: {  	s10 =	sld [smem:$0x3FA7];
	_ =	sdelay $0x3  }
0x36: {  	p1 =	seq.s32 s10, $0x1;
	s10 =	sld [smem:$0x3FA8];
	_ =	sdelay $0x3  }
0x37: {  	[smem:$0x3FA8] =	sst s10  }
0x38: {  	s10 =	sld [smem:$0x3FA9]  }
0x39: {  	_ = 	snop;
	(pc) =	sbr.ind lr, $3  }
0x3a: {  	_ = 	snop  }
0x3b: {  	_ = 	snop  }
0x3c: {  	p2 =	seq.s32 s10, $0x1;
	s10 =	sld [smem:$0x3FA8]  }
0x3d: {  	_ =	shalt  }
0x3e: {  	_ =	shalt  }
0x3f: {  	_ =	shalt  }
0x40: {  	_ =	shalt  }
0x41: {  	_ =	shalt  }
0x42: {  	_ =	shalt  }
0x43: {  	_ =	shalt  }
0x44: {  	_ =	shalt  }
0x45: {  	_ =	shalt  }
0x46: {  	_ =	shalt  }
0x47: {  	_ =	shalt  }
0x48: {  	_ =	shalt  }
0x49: {  	_ =	shalt  }
0x4a: {  	_ =	shalt  }
0x4b: {  	_ =	shalt  }
0x4c: {  	_ =	shalt  }
0x4d: {  	_ =	shalt  }
0x4e: {  	_ =	shalt  }
0x4f: {  	_ =	shalt  }
0x50: {  	_ =	shalt  }
0x51: {  	_ =	shalt  }
0x52: {  	_ =	shalt  }
0x53: {  	_ =	shalt  }
0x54: {  	_ =	shalt  }
0x55: {  	_ =	shalt  }
0x56: {  	_ =	shalt  }
0x57: {  	_ =	shalt  }
0x58: {  	_ =	shalt  }
0x59: {  	_ =	shalt  }
0x5a: {  	_ =	shalt  }
0x5b: {  	_ =	shalt  }
0x5c: {  	_ =	shalt  }
0x5d: {  	_ =	shalt  }
0x5e: {  	_ =	shalt  }
0x5f: {  	_ =	shalt  }
0x60: {  	_ =	shalt  }
0x61: {  	_ =	shalt  }
0x62: {  	_ =	shalt  }
0x63: {  	_ =	shalt  }
0x64: {  	_ =	shalt  }
0x65: {  	_ =	shalt  }
0x66: {  	_ =	shalt  }
0x67: {  	_ =	shalt  }
0x68: {  	_ =	shalt  }
0x69: {  	_ =	shalt  }
0x6a: {  	_ =	shalt  }
0x6b: {  	_ =	shalt  }
0x6c: {  	_ =	shalt  }
0x6d: {  	_ =	shalt  }
0x6e: {  	_ =	shalt  }
0x6f: {  	_ =	shalt  }
0x70: {  	_ =	shalt  }
0x71: {  	_ =	shalt  }
0x72: {  	_ =	shalt  }
0x73: {  	_ =	shalt  }
0x74: {  	_ =	shalt  }
0x75: {  	_ =	shalt  }
0x76: {  	_ =	shalt  }
0x77: {  	_ =	shalt  }
0x78: {  	_ =	shalt  }
0x79: {  	_ =	shalt  }
0x7a: {  	_ =	shalt  }
0x7b: {  	_ =	shalt  }
0x7c: {  	_ =	shalt  }
0x7d: {  	_ =	shalt  }
0x7e: {  	_ =	shalt  }
0x7f: {  	_ =	shalt  }
0x80: {  	_ =	shalt  }
0x81: {  	_ =	shalt  }
0x82: {  	_ =	shalt  }
0x83: {  	_ =	shalt  }
0x84: {  	_ =	shalt  }
0x85: {  	_ =	shalt  }
0x86: {  	_ =	shalt  }
0x87: {  	_ =	shalt  }
.Lfunc_end0:
.L_simem_size_0:
called_computation.2_lowered:
.L_overlay_start_0:
0x88: {  	s2 =	sld [smem:$0x3FD9]  }
0x89: {  	s3 =	sld [smem:$0x3FFE];
	_ =	sdelay $0x1  }
0x8a: {  	s1 =	srdreg.scid  }
0x8b: {  	s0 =	sand.u32 $0x1, s1  }
0x8c: {  	s16 =	sshll.u32 s0, $0xA;
	s2 =	sadd.s32 s3, s2  }
0x8d: {  	s2 =	sadd.s32 s2, s16  }
0x8e: {  	[smem:$0x3FB4] =	sst s2  }
0x8f: {  	_ = 	snop  }
0x90: {  	(tm) =	ssettm $0x1  }
0x91: {  	s17 =	sld [smem:$0x3FFB];
	_ =	sdelay $0x3  }
0x92: {  	_ =	strace s17  }
0x93: {  	s2 =	sld [smem:$0x3FFC];
	_ =	sdelay $0x3  }
0x94: {  	_ =	strace s2  }
0x95: {  	s2 =	sld [smem:$0x3FFD];
	_ =	sdelay $0x3  }
0x96: {  	_ =	strace s2  }
0x97: {  	_ =	strace $0x8FFFFFFF  }
0x98: {  	s18 =	sld [smem:$0x3FDB];
	_ =	sdelay $0x1  }
0x99: {  	s19 =	simm.s32 $_scs_section_size  }
0x9a: {  	s4 =	simm.s32 $_size__tile_overlayer_lowered;
	s5 =	simm.s32 $_tile_overlayer_lowered  }
0x9b: {  	s22 =	simm.s32 $0x1BFF;
	s21 =	sshll.u32 s5, $0x1;
	s2 =	sadd.s32 s19, s18  }
0x9c: {  	s6 =	simm.s32 $0x0;
	s20 =	sshll.u32 s4, $0x1;
	s4 =	sadd.s32 s21, s2  }
0x9d: {  	[timem:s6], [sflag:s22] =	dma.local [hbm:s4], s20  }
0x9e: {  	_ =	swait.ge [sflag:s22], s20  }
0x9f: {  	s3 =	ssub.s32 $0x0, s20;
	[sflag:s22] =	ssyncset.done $0x0  }
0xa0: {  	[sflag:s22] =	ssyncadd.s32 s3;
	_ =	sdelay $0x1  }
0xa1: {  	s23 =	simm.s32 $0x1B8B  }
0xa2: {  	_ =	swait.ge [sflag:s23], $0x1  }
0xa3: {  	[sflag:s23] =	ssyncset.done $0x0  }
0xa4: {  	s25 =	simm.s32 $0x1B8E;
	s24 =	sld [smem:$0x3FFE];
	[sflag:s23] =	ssyncadd.s32 $0xFFFFFFFF  }
0xa5: {  	s26 =	simm.s32 $execute0_lowered;
	[smem:$0x3FD2] =	sst s25  }
0xa6: {  	s4 =	sshll.u32 s26, $0x1;
	_ =	strace $0x8000004C;
	[dreg:$0x1] =	wrdreg $0xFFFFFFFF  }
0xa7: {  	s28 =	simm.s32 $_size_execute0_lowered;
	s2 =	sadd.s32 s2, s4;
	[dreg:$0x0] =	wrdreg $0x0  }
0xa8: {  	s4 =	sshll.u32 s28, $0x1;
	[dreg:$0x2] =	wrdreg s2  }
0xa9: {  	[dreg:$0x3] =	wrdreg s4  }
0xaa: {  	[dreg:$0x4] =	wrdreg $0xC0  }
0xab: {  	_ =	task [dreg:s6], $0x5FFFF  }
0xac: {  	[dreg:$0x1] =	wrdreg $0xFFFFFFFF  }
0xad: {  	[dreg:$0x0] =	wrdreg $0x60  }
0xae: {  	[dreg:$0x2] =	wrdreg s24  }
0xaf: {  	[dreg:$0x3] =	wrdreg $0x61000  }
0xb0: {  	[dreg:$0x4] =	wrdreg $0x9  }
0xb1: {  	_ =	task.clear_ibuf [dreg:s6], $0x5FFFF;
	_ =	strace $0x9000004C  }
0xb2: {  	s29 =	simm.s32 $0x9;
	_ =	strace $0x8000004E  }
0xb3: {  	_ =	swait.ge [sflag:s29], $0x1  }
0xb4: {  	[sflag:s29] =	ssyncadd.s32 $0xFFFFFFFF  }
0xb5: {  	_ =	strace $0x9000004E  }
0xb6: {  	_ =	sfence  }
0xb7: {  	s30 =	sld [smem:$0x0];
	_ =	sdelay $0x2  }
0xb8: {  	s31 =	sshll.u32 s1, $0xD;
	s1 =	sshrl.u32 s1, $0x2  }
0xb9: {  	s3 =	sand.u32 $0x4000, s31;
	s1 =	sadd.s32 s1, s30  }
0xba: {  	s0 =	sor.u32 s3, s0;
	s1 =	sshll.u32 s1, $0x11  }
0xbb: {  	s0 =	sor.u32 s1, s0  }
0xbc: {  	s0 =	sadd.s32 $0x8F2B, s0  }
0xbd: {  	[sflag:s0] =	ssyncadd.remote.s32 $0x1  }
0xbe: {  	_ =	sfence.sel $0xFFFF  }
0xbf: {  	[dreg:$0x0] =	wrdreg $0xFFFFFFFF;
	(pc) =	sbr.abs _section_cstart, $3  }
0xc0: {  	[dreg:$0x1] =	wrdreg $0xFFFFFFFF  }
0xc1: {  	_ =	task.clear_ibuf [dreg:s6], $0x2FFFF;
	_ =	strace $0x9FFFFFFF  }
0xc2: {  	(tm) =	ssettm $0x7FFFFFFF  }
0xc3: {  	_ =	shalt  }
tec
execute0_lowered:
.L_overlay_start_1:
0x0: {  	(tag) =	ssettag $0x1  }
0x1: {  	s5 =	rddreg [dreg:$0x0]  }
0x2: {  	s2 =	rddreg [dreg:$0x1]  }
0x3: {  	s0 =	rddreg [dreg:$0x2];
	s1 =	stileid.u32  }
0x4: {  	s4 =	srdreg.scid;
	s3 =	simm.s32 $0x0;
	s19 =	simm.s32 $0x4100  }
0x5: {  	s20 =	simm.s32 $0x2;
	s21 =	simm.s32 $0x80;
	s6 =	smul.u32 $0x320, s1  }
0x6: {  	s22 =	simm.s32 $0x100;
	s23 =	simm.s32 $0x1;
	s7 =	smul.u32 $0x2780, s1  }
0x7: {  	s24 =	simm.s32 $0x0;
	s11 =	sand.u32 $0x1, s4;
	s9 =	smul.u32 $0x4F000, s1  }
0x8: {  	[smem:$0x7FF] =	sst s3;
	s4 =	sadd.s32 $0x127C00, s5;
	s8 =	smul.u32 $0x27800, s11  }
0x9: {  	_ =	strace $0x8000004D;
	s30 =	ssub.s32 $0x2, s11;
	s17 =	smul.u32 $0x190, s11  }
0xa: {  	s16 =	sadd.s32 s6, s5;
	s31 =	sshrl.u32 s30, $0x1;
	s9 =	sshrl.u32 s9, $0x2  }
0xb: {  	s7 =	sadd.s32 s7, s8;
	s8 =	ssub.s32 s30, s31;
	s18 =	sadd.s32 s17, s16  }
0xc: {  	s7 =	sadd.s32 s7, s5;
	s5 =	sadd.s32 s9, s2;
	s8 =	smax.u32 s8, $0x1  }
0xd: {  	s17 =	sadd.s32 $0xD000, s18;
	s18 =	sadd.s32 $0x124A00, s18;
	s6 =	sadd.s32 $0x12000, s5  }
0xe: {  	s7 =	sadd.s32 $0x10200, s7;
	s9 =	sadd.s32 $0x2000, s5;
	s10 =	sadd.s32 $0x4000, s5  }
0xf: {  	s11 =	sadd.s32 $0x6000, s5;
	s12 =	sadd.s32 $0x8000, s5;
	s13 =	sadd.s32 $0xA000, s5  }
0x10: {  	v0 =	vimm.f32 $0.0e+00;
	s14 =	sadd.s32 $0xC000, s5;
	s15 =	sadd.s32 $0xE000, s5;
	s16 =	sadd.s32 $0x10000, s5  }
.LBB2_1:
0x11: {  	s25 =	simm.s32 $0x0;
	s26 =	simm.s32 $0x200  }
.LBB2_2:
0x12: {  	p0 =	sne.s32 s26, $0x7E00;
	[tilespmem:s25+$0x4170] =	vst v0  }
0x13: {  	[tilespmem:s25+$0x4100] =	vst v0  }
0x14: {  	[tilespmem:s25+$0x4110] =	vst v0  }
.Ltmp0:
0x15: {  	[tilespmem:s25+$0x4120] =	vst v0;
	(pc) =	sbr.rel @p0 .LBB2_2-.Ltmp0, $4  }
0x16: {  	[tilespmem:s25+$0x4130] =	vst v0  }
0x17: {  	[tilespmem:s25+$0x4140] =	vst v0  }
0x18: {  	[tilespmem:s25+$0x4150] =	vst v0  }
0x19: {  	[tilespmem:s25+$0x4160] =	vst v0;
	s25 =	sshra.s32 s26, $0x2;
	s26 =	sadd.s32 $0x200, s26  }
0x1a: {  	[tilespmem:s25+$0x4170] =	vst v0  }
0x1b: {  	[tilespmem:s25+$0x4100] =	vst v0  }
0x1c: {  	[tilespmem:s25+$0x4110] =	vst v0  }
0x1d: {  	[tilespmem:s25+$0x4120] =	vst v0  }
0x1e: {  	[tilespmem:s25+$0x4130] =	vst v0  }
0x1f: {  	[tilespmem:s25+$0x4140] =	vst v0  }
0x20: {  	[tilespmem:s25+$0x4150] =	vst v0  }
0x21: {  	[tilespmem:s25+$0x4160] =	vst v0  }
0x22: {  	[spmem:s5] =	stream.linear.scatter [tilespmem:s19], [sflag:$0x2], $0x2000, $0x38;
	[tilespmem:$0x19D00] =	vst v63  }
0x23: {  	_ =	swait.ge [sflag:s20], $0x2000  }
0x24: {  	[sflag:s20] =	ssyncset.done $0x0  }
0x25: {  	[sflag:s20] =	ssyncadd.s32 $0xFFFFE000  }
0x26: {  	[spmem:s9] =	stream.linear.scatter [tilespmem:s19], [sflag:$0x2], $0x2000, $0x38;
	[tilespmem:$0x19D00] =	vst v63  }
0x27: {  	_ =	swait.ge [sflag:s20], $0x2000  }
0x28: {  	[sflag:s20] =	ssyncset.done $0x0  }
0x29: {  	[sflag:s20] =	ssyncadd.s32 $0xFFFFE000  }
0x2a: {  	[spmem:s10] =	stream.linear.scatter [tilespmem:s19], [sflag:$0x2], $0x2000, $0x38;
	[tilespmem:$0x19D00] =	vst v63  }
0x2b: {  	_ =	swait.ge [sflag:s20], $0x2000  }
0x2c: {  	[sflag:s20] =	ssyncset.done $0x0  }
0x2d: {  	[sflag:s20] =	ssyncadd.s32 $0xFFFFE000  }
0x2e: {  	[spmem:s11] =	stream.linear.scatter [tilespmem:s19], [sflag:$0x2], $0x2000, $0x38;
	[tilespmem:$0x19D00] =	vst v63  }
0x2f: {  	_ =	swait.ge [sflag:s20], $0x2000  }
0x30: {  	[sflag:s20] =	ssyncset.done $0x0  }
0x31: {  	[sflag:s20] =	ssyncadd.s32 $0xFFFFE000  }
0x32: {  	[spmem:s12] =	stream.linear.scatter [tilespmem:s19], [sflag:$0x2], $0x2000, $0x38;
	[tilespmem:$0x19D00] =	vst v63  }
0x33: {  	_ =	swait.ge [sflag:s20], $0x2000  }
0x34: {  	[sflag:s20] =	ssyncset.done $0x0  }
0x35: {  	[sflag:s20] =	ssyncadd.s32 $0xFFFFE000  }
0x36: {  	[spmem:s13] =	stream.linear.scatter [tilespmem:s19], [sflag:$0x2], $0x2000, $0x38;
	[tilespmem:$0x19D00] =	vst v63  }
0x37: {  	_ =	swait.ge [sflag:s20], $0x2000  }
0x38: {  	[sflag:s20] =	ssyncset.done $0x0  }
0x39: {  	[sflag:s20] =	ssyncadd.s32 $0xFFFFE000  }
0x3a: {  	[spmem:s14] =	stream.linear.scatter [tilespmem:s19], [sflag:$0x2], $0x2000, $0x38;
	[tilespmem:$0x19D00] =	vst v63  }
0x3b: {  	_ =	swait.ge [sflag:s20], $0x2000  }
0x3c: {  	[sflag:s20] =	ssyncset.done $0x0  }
0x3d: {  	[sflag:s20] =	ssyncadd.s32 $0xFFFFE000  }
0x3e: {  	[spmem:s15] =	stream.linear.scatter [tilespmem:s19], [sflag:$0x2], $0x2000, $0x38;
	[tilespmem:$0x19D00] =	vst v63  }
0x3f: {  	_ =	swait.ge [sflag:s20], $0x2000  }
0x40: {  	[sflag:s20] =	ssyncset.done $0x0  }
0x41: {  	[sflag:s20] =	ssyncadd.s32 $0xFFFFE000  }
0x42: {  	[spmem:s16] =	stream.linear.scatter [tilespmem:s19], [sflag:$0x2], $0x2000, $0x38;
	[tilespmem:$0x19D00] =	vst v63  }
0x43: {  	_ =	swait.ge [sflag:s20], $0x2000  }
0x44: {  	[sflag:s20] =	ssyncset.done $0x0  }
0x45: {  	[sflag:s20] =	ssyncadd.s32 $0xFFFFE000  }
0x46: {  	[spmem:s6] =	stream.linear.scatter [tilespmem:s19], [sflag:$0x2], $0x1C00, $0x38;
	[tilespmem:$0x19D00] =	vst v63  }
0x47: {  	_ =	swait.ge [sflag:s20], $0x1C00  }
0x48: {  	[sflag:s20] =	ssyncset.done $0x0  }
0x49: {  	[sflag:s20] =	ssyncadd.s32 $0xFFFFE400  }
0x4a: {  	s30 =	sadd.s32 $0x0, s18;
	[bflag:$0x0] =	sbarrier.arrive $0xFFFF  }
0x4b: {  	[tilespmem:s3], [sflag:$0x2] =	stream.linear.gather [hbm4b:s30+s3], $0x80, $0x38;
	[tilespmem:$0x19D00] =	vst v63  }
0x4c: {  	_ =	swait.ge [sflag:s20], $0x80  }
0x4d: {  	[sflag:s20] =	ssyncset.done $0x0  }
0x4e: {  	s31 =	sadd.s32 $0x0, s17;
	[sflag:s20] =	ssyncadd.s32 $0xFFFFFF80  }
0x4f: {  	[tilespmem:s21], [sflag:$0x2] =	stream.linear.gather [hbm4b:s31+s3], $0x80, $0x38;
	[tilespmem:$0x19D00] =	vst v63  }
0x50: {  	_ =	swait.ge [sflag:s20], $0x80  }
0x51: {  	[sflag:s20] =	ssyncset.done $0x0  }
0x52: {  	[sflag:s20] =	ssyncadd.s32 $0xFFFFFF80  }
0x53: {  	v1 =	vld [tilespmem:$0xD0]  }
0x54: {  	v2 =	vld [tilespmem:$0xB0]  }
0x55: {  	v3 =	vld [tilespmem:$0xA0]  }
0x56: {  	v4 =	vld [tilespmem:$0x90]  }
0x57: {  	v5 =	vld [tilespmem:$0xC0]  }
0x58: {  	v6 =	vld [tilespmem:$0x80];
	vm0 =	vlt.s32 v1, $0x2710  }
0x59: {  	v7 =	vld [tilespmem:$0xE0];
	vm1 =	vlt.s32 v2, $0x2710;
	v1 =	vnsel vm0, $0x2710, v1  }
0x5a: {  	vm0 =	vlt.s32 v3, $0x2710;
	v2 =	vnsel vm1, $0x2710, v2;
	[tilespmem:$0xD0] =	vst v1;
	v1 =	vld [tilespmem:$0xF0]  }
0x5b: {  	vm1 =	vlt.s32 v4, $0x2710;
	v3 =	vnsel vm0, $0x2710, v3;
	[tilespmem:$0xB0] =	vst v2  }
0x5c: {  	v2 =	vnsel vm1, $0x2710, v4;
	vm0 =	vlt.s32 v5, $0x2710;
	[tilespmem:$0xA0] =	vst v3  }
0x5d: {  	vm1 =	vlt.s32 v6, $0x2710;
	[tilespmem:$0x90] =	vst v2;
	v2 =	vnsel vm0, $0x2710, v5  }
0x5e: {  	v3 =	vnsel vm1, $0x2710, v6;
	vm0 =	vlt.s32 v7, $0x2710;
	[tilespmem:$0xC0] =	vst v2  }
0x5f: {  	s25 =	simm.s32 $0x10;
	[tilespmem:$0x80] =	vst v3;
	v2 =	vnsel vm0, $0x2710, v7;
	vm0 =	vlt.s32 v1, $0x2710  }
.LBB2_4:
0x60: {  	p0 =	sne.s32 s25, $0x180;
	[tilespmem:$0xE0] =	vst v2;
	v1 =	vnsel vm0, $0x2710, v1;
	s26 =	smov.u32 s25;
	s25 =	sadd.s32 $0x10, s25  }
0x61: {  	[tilespmem:$0xF0] =	vst v1  }
0x62: {  	[tilespmem:s22], [sflag:$0x1] =	stream.indirect.gather [hbm4b:s4+s21], $0x80, s3, s21, $0xb8;
	[tilespmem:$0x19D00] =	vst v63  }
0x63: {  	_ =	swait.ge [sflag:s23], $0x4000  }
0x64: {  	[sflag:s23] =	ssyncset.done $0x0  }
0x65: {  	[sflag:s23] =	ssyncadd.s32 $0xFFFFC000  }
0x66: {  	[spmem:s2] =	stream.indirect.scatter.add.f32 [tilespmem:s22], [sflag:$0x2], $0x80, s21, s21, $0xb8;
	[tilespmem:$0x19D00] =	vst v63  }
0x67: {  	s28 =	sadd.s32 s26, s18;
	_ =	swait.ge [sflag:s20], $0x4000  }
0x68: {  	[sflag:s20] =	ssyncset.done $0x0  }
0x69: {  	[sflag:s20] =	ssyncadd.s32 $0xFFFFC000  }
0x6a: {  	[tilespmem:s3], [sflag:$0x2] =	stream.linear.gather [hbm4b:s28+s3], $0x80, $0x38;
	[tilespmem:$0x19D00] =	vst v63  }
0x6b: {  	_ =	swait.ge [sflag:s20], $0x80  }
0x6c: {  	[sflag:s20] =	ssyncset.done $0x0  }
0x6d: {  	s26 =	sadd.s32 s26, s17;
	[sflag:s20] =	ssyncadd.s32 $0xFFFFFF80  }
0x6e: {  	[tilespmem:s21], [sflag:$0x2] =	stream.linear.gather [hbm4b:s26+s3], $0x80, $0x38;
	[tilespmem:$0x19D00] =	vst v63  }
0x6f: {  	_ =	swait.ge [sflag:s20], $0x80  }
0x70: {  	[sflag:s20] =	ssyncset.done $0x0  }
0x71: {  	[sflag:s20] =	ssyncadd.s32 $0xFFFFFF80  }
0x72: {  	v1 =	vld [tilespmem:$0xD0]  }
0x73: {  	v2 =	vld [tilespmem:$0xB0]  }
0x74: {  	v3 =	vld [tilespmem:$0xA0]  }
0x75: {  	v4 =	vld [tilespmem:$0x90]  }
0x76: {  	v5 =	vld [tilespmem:$0xC0]  }
0x77: {  	v6 =	vld [tilespmem:$0x80];
	vm0 =	vlt.s32 v1, $0x2710  }
0x78: {  	vm1 =	vlt.s32 v2, $0x2710;
	v1 =	vnsel vm0, $0x2710, v1;
	v7 =	vld [tilespmem:$0xE0]  }
0x79: {  	vm0 =	vlt.s32 v3, $0x2710;
	v2 =	vnsel vm1, $0x2710, v2;
	[tilespmem:$0xD0] =	vst v1;
	v1 =	vld [tilespmem:$0xF0]  }
.Ltmp1:
0x7a: {  	vm1 =	vlt.s32 v4, $0x2710;
	v3 =	vnsel vm0, $0x2710, v3;
	[tilespmem:$0xB0] =	vst v2;
	(pc) =	sbr.rel @p0 .LBB2_4-.Ltmp1, $4  }
0x7b: {  	v2 =	vnsel vm1, $0x2710, v4;
	[tilespmem:$0xA0] =	vst v3;
	vm0 =	vlt.s32 v5, $0x2710  }
0x7c: {  	vm1 =	vlt.s32 v6, $0x2710;
	[tilespmem:$0x90] =	vst v2;
	v2 =	vnsel vm0, $0x2710, v5  }
0x7d: {  	v3 =	vnsel vm1, $0x2710, v6;
	[tilespmem:$0xC0] =	vst v2;
	vm0 =	vlt.s32 v7, $0x2710  }
0x7e: {  	[tilespmem:$0x80] =	vst v3;
	v2 =	vnsel vm0, $0x2710, v7;
	vm0 =	vlt.s32 v1, $0x2710  }
0x7f: {  	[tilespmem:$0xE0] =	vst v2;
	v1 =	vnsel vm0, $0x2710, v1  }
0x80: {  	[tilespmem:$0xF0] =	vst v1  }
0x81: {  	[tilespmem:s22], [sflag:$0x1] =	stream.indirect.gather [hbm4b:s4+s21], $0x80, s3, s21, $0xb8;
	[tilespmem:$0x19D00] =	vst v63  }
0x82: {  	_ =	swait.ge [sflag:s23], $0x4000  }
0x83: {  	[sflag:s23] =	ssyncset.done $0x0  }
0x84: {  	[sflag:s23] =	ssyncadd.s32 $0xFFFFC000  }
0x85: {  	[spmem:s2] =	stream.indirect.scatter.add.f32 [tilespmem:s22], [sflag:$0x2], $0x80, s21, s21, $0xb8;
	[tilespmem:$0x19D00] =	vst v63  }
0x86: {  	_ =	swait.ge [sflag:s20], $0x4000  }
0x87: {  	s25 =	sshll.u32 s1, $0x6;
	s24 =	sadd.s32 $0x1, s24;
	[sflag:s20] =	ssyncset.done $0x0  }
0x88: {  	s26 =	sshrl.u32 s5, $0x3;
	p0 =	sne.s32 s24, s8;
	[sflag:s20] =	ssyncadd.s32 $0xFFFFC000  }
.Ltmp2:
0x89: {  	s25 =	sor.u32 $0x1C02, s25;
	[bflag:$0x0] =	sbarrier.arrive $0xFFFF;
	(pc) =	sbr.rel @p0 .LBB2_1-.Ltmp2, $4  }
0x8a: {  	[hbm:s7], [sflag:s25] =	dma.local [spmem:s26], $0x2780  }
0x8b: {  	_ =	swait.ge [sflag:s20], $0x2780  }
0x8c: {  	[sflag:s20] =	ssyncset.done $0x0  }
0x8d: {  	[sflag:s20] =	ssyncadd.s32 $0xFFFFD880  }
0x8e: {  	_ =	sfence.sel $0x180000  }
0x8f: {  	[bflag:$0x0] =	sbarrier.arrive $0xFFFF  }
0x90: {  	p0 =	sne.s32 s1, $0x0;
	_ =	strace $0x9000004D  }
0x91: {  	s0 =	sadd.s32 @!p0 $0x100000, s0;
	[bflag:$0x2] =	sbarrier.arrive $0xFFFF  }
0x92: {  	[sflag:s0] =	ssyncadd.tile.s32 @!p0 $0x1;
	_ =	shalt  }
.Lfunc_end2:
_tile_overlayer_lowered:
.L_overlay_start_2:
0x93: {  	(tag) =	ssettag $0x2  }
0x94: {  	s0 =	rddreg [dreg:$0x0];
	s2 =	stileid.u32  }
0x95: {  	s1 =	rddreg [dreg:$0x1];
	p0 =	sne.s32 s2, $0x0  }
0x96: {  	s3 =	rddreg [dreg:$0x2];
	[bflag:$0x3] =	sbarrier.arrive $0xFFFF;
	s2 =	simm.s32 @!p0 $0x1C02  }
0x97: {  	[timem:s3], [sflag:s2] =	dma.local @!p0 [hbm:s0], s1  }
0x98: {  	s0 =	simm.s32 @!p0 $0x2  }
0x99: {  	_ =	swait.ge @!p0 [sflag:s0], s1  }
0x9a: {  	s1 =	ssub.s32 @!p0 $0x0, s1;
	[sflag:s0] =	ssyncset.done @!p0 $0x0  }
0x9b: {  	[sflag:s0] =	ssyncadd.s32 @!p0 s1  }
0x9c: {  	[bflag:$0x3] =	sbarrier.arrive $0xFFFF  }
0x9d: {  	_ =	shalt  }

// kernel: kernel.19.cloned.1.call-start
scs
__scs_entry_jumppad:
0x0: {  	(pc) =	sbr.rel $0x88, $3  }
0x1: {  	(tag) =	ssettag $0x0;
	lr =	simm.s32 $0x1  }
0x2: {  	[smem:$0x3F8D] =	sst lr;
	_ =	strace $0xD0000000  }
0x3: {  	_ = 	snop  }
0x4: {  	_ = 	snop  }
0x5: {  	_ = 	snop  }
0x6: {  	_ = 	snop  }
0x7: {  	_ = 	snop  }
__scs_overlays_trampoline_lowered:
0x8: {  	[smem:$0x3F9C] =	sst s0  }
0x9: {  	[smem:$0x3F9D] =	sst s1  }
0xa: {  	[smem:$0x3F9E] =	sst s2  }
0xb: {  	[smem:$0x3F9F] =	sst s3  }
0xc: {  	[smem:$0x3FA0] =	sst s4  }
0xd: {  	[smem:$0x3FA1] =	sst s5  }
0xe: {  	[smem:$0x3FA2] =	sst s6  }
0xf: {  	[smem:$0x3FA3] =	sst s7  }
0x10: {  	[smem:$0x3FA4] =	sst s8  }
0x11: {  	[smem:$0x3FA5] =	sst s9;
	s0 =	simm.s32 @!p0 $0x0  }
0x12: {  	s1 =	sld [smem:$0x3F8B];
	s0 =	simm.s32 @p0 $0x1  }
0x13: {  	[smem:$0x3FA6] =	sst s0;
	s0 =	simm.s32 @!p1 $0x0  }
0x14: {  	s2 =	sld [smem:$0x3F8A];
	s0 =	simm.s32 @p1 $0x1  }
0x15: {  	[smem:$0x3FA7] =	sst s0;
	s0 =	simm.s32 @!p2 $0x0  }
0x16: {  	s3 =	sld [smem:$0x3FDB];
	s0 =	simm.s32 @p2 $0x1  }
0x17: {  	s4 =	simm.s32 $0x1BF5;
	[smem:$0x3FA9] =	sst s0  }
0x18: {  	s0 =	sld [smem:$0x3F8C];
	_ =	swait.ge [sflag:s4], $0x0  }
0x19: {  	s7 =	sld [smem:$0x3F8D]  }
0x1a: {  	s8 =	sadd.s32 $0xFFFFE003, lr  }
0x1b: {  	s9 =	sadd.s32 $0xFFFFFEF7, lr;
	s5 =	simm.s32 $0xFFFFFFFF;
	p2 =	slt.u32 s8, $0xFFFFF086  }
0x1c: {  	p1 =	slt.u32 s9, $0xF7A;
	s5 =	simm.s32 @!p2 $0x0  }
0x1d: {  	s5 =	simm.s32 @p1 $0x1;
	p0 =	seq.s32 s7, s2  }
0x1e: {  	s7 =	smul.u32 @!p0 $0xF7A, s2;
	p2 =	seq.s32 @!p0 s5, $0x0  }
0x1f: {  	s9 =	smul.u32 $0xF7A, s1;
	s8 =	simm.s32 @!p0 $0x1BF5;
	p2 =	por !p2, p0  }
0x20: {  	[sflag:s8] =	ssyncset.s32 @!p0 $0xFFFFF086;
	s6 =	sadd.s32 @!p0 s3, s7;
	s7 =	simm.s32 @!p0 $0x108  }
0x21: {  	s3 =	sadd.s32 s3, s9;
	s6 =	sadd.s32 @!p0 $0x88, s6;
	s7 =	simm.s32 @p2 $0x1082  }
0x22: {  	[simem:s7], [sflag:s8] =	dma.local @!p0 [hbm:s6], $0xF7A  }
0x23: {  	s9 =	sor.u32 $0xD0000000, s2;
	s6 =	simm.s32 $0x108;
	_ =	swait.ge @!p0 [sflag:s8], $0x0  }
0x24: {  	s3 =	sadd.s32 $0x88, s3;
	s6 =	simm.s32 @!p1 $0x1082;
	[sflag:s4] =	ssyncset.s32 $0xFFFFF086  }
0x25: {  	[simem:s6], [sflag:s4] =	dma.local [hbm:s3], $0xF7A  }
0x26: {  	[smem:$0x3F8D] =	sst s1;
	(tag) =	ssettag s2;
	_ =	strace s9  }
0x27: {  	s1 =	sld [smem:$0x3F9D]  }
0x28: {  	s2 =	sld [smem:$0x3F9E]  }
0x29: {  	s4 =	sld [smem:$0x3FA0]  }
0x2a: {  	p0 =	seq.s32 s5, $0x0;
	s5 =	sld [smem:$0x3FA1]  }
0x2b: {  	s6 =	sld [smem:$0x3FA2]  }
0x2c: {  	s7 =	sld [smem:$0x3FA3]  }
0x2d: {  	s3 =	simm.s32 $0x108;
	s8 =	sld [smem:$0x3FA4]  }
0x2e: {  	s3 =	simm.s32 @!p0 $0x1082;
	s9 =	sld [smem:$0x3FA5]  }
0x2f: {  	lr =	sadd.s32 s0, s3;
	s0 =	sld [smem:$0x3F9C]  }
0x30: {  	s3 =	sld [smem:$0x3F9F]  }
0x31: {  	[smem:$0x3FA8] =	sst s10  }
0x32: {  	s10 =	sld [smem:$0x3FA6];
	_ =	sdelay $0x3  }
0x33: {  	p0 =	seq.s32 s10, $0x1;
	s10 =	sld [smem:$0x3FA8];
	_ =	sdelay $0x3  }
0x34: {  	[smem:$0x3FA8] =	sst s10  }
0x35: {  	s10 =	sld [smem:$0x3FA7];
	_ =	sdelay $0x3  }
0x36: {  	p1 =	seq.s32 s10, $0x1;
	s10 =	sld [smem:$0x3FA8];
	_ =	sdelay $0x3  }
0x37: {  	[smem:$0x3FA8] =	sst s10  }
0x38: {  	s10 =	sld [smem:$0x3FA9]  }
0x39: {  	_ = 	snop;
	(pc) =	sbr.ind lr, $3  }
0x3a: {  	_ = 	snop  }
0x3b: {  	_ = 	snop  }
0x3c: {  	p2 =	seq.s32 s10, $0x1;
	s10 =	sld [smem:$0x3FA8]  }
0x3d: {  	_ =	shalt  }
0x3e: {  	_ =	shalt  }
0x3f: {  	_ =	shalt  }
0x40: {  	_ =	shalt  }
0x41: {  	_ =	shalt  }
0x42: {  	_ =	shalt  }
0x43: {  	_ =	shalt  }
0x44: {  	_ =	shalt  }
0x45: {  	_ =	shalt  }
0x46: {  	_ =	shalt  }
0x47: {  	_ =	shalt  }
0x48: {  	_ =	shalt  }
0x49: {  	_ =	shalt  }
0x4a: {  	_ =	shalt  }
0x4b: {  	_ =	shalt  }
0x4c: {  	_ =	shalt  }
0x4d: {  	_ =	shalt  }
0x4e: {  	_ =	shalt  }
0x4f: {  	_ =	shalt  }
0x50: {  	_ =	shalt  }
0x51: {  	_ =	shalt  }
0x52: {  	_ =	shalt  }
0x53: {  	_ =	shalt  }
0x54: {  	_ =	shalt  }
0x55: {  	_ =	shalt  }
0x56: {  	_ =	shalt  }
0x57: {  	_ =	shalt  }
0x58: {  	_ =	shalt  }
0x59: {  	_ =	shalt  }
0x5a: {  	_ =	shalt  }
0x5b: {  	_ =	shalt  }
0x5c: {  	_ =	shalt  }
0x5d: {  	_ =	shalt  }
0x5e: {  	_ =	shalt  }
0x5f: {  	_ =	shalt  }
0x60: {  	_ =	shalt  }
0x61: {  	_ =	shalt  }
0x62: {  	_ =	shalt  }
0x63: {  	_ =	shalt  }
0x64: {  	_ =	shalt  }
0x65: {  	_ =	shalt  }
0x66: {  	_ =	shalt  }
0x67: {  	_ =	shalt  }
0x68: {  	_ =	shalt  }
0x69: {  	_ =	shalt  }
0x6a: {  	_ =	shalt  }
0x6b: {  	_ =	shalt  }
0x6c: {  	_ =	shalt  }
0x6d: {  	_ =	shalt  }
0x6e: {  	_ =	shalt  }
0x6f: {  	_ =	shalt  }
0x70: {  	_ =	shalt  }
0x71: {  	_ =	shalt  }
0x72: {  	_ =	shalt  }
0x73: {  	_ =	shalt  }
0x74: {  	_ =	shalt  }
0x75: {  	_ =	shalt  }
0x76: {  	_ =	shalt  }
0x77: {  	_ =	shalt  }
0x78: {  	_ =	shalt  }
0x79: {  	_ =	shalt  }
0x7a: {  	_ =	shalt  }
0x7b: {  	_ =	shalt  }
0x7c: {  	_ =	shalt  }
0x7d: {  	_ =	shalt  }
0x7e: {  	_ =	shalt  }
0x7f: {  	_ =	shalt  }
0x80: {  	_ =	shalt  }
0x81: {  	_ =	shalt  }
0x82: {  	_ =	shalt  }
0x83: {  	_ =	shalt  }
0x84: {  	_ =	shalt  }
0x85: {  	_ =	shalt  }
0x86: {  	_ =	shalt  }
0x87: {  	_ =	shalt  }
.Lfunc_end0:
.L_simem_size_0:
called_computation.3_lowered:
.L_overlay_start_0:
0x88: {  	s2 =	sld [smem:$0x3FD9]  }
0x89: {  	s3 =	sld [smem:$0x3FFE];
	_ =	sdelay $0x1  }
0x8a: {  	s1 =	srdreg.scid  }
0x8b: {  	s0 =	sand.u32 $0x1, s1  }
0x8c: {  	s16 =	sshll.u32 s0, $0xA;
	s2 =	sadd.s32 s3, s2  }
0x8d: {  	s2 =	sadd.s32 s2, s16  }
0x8e: {  	[smem:$0x3FB4] =	sst s2  }
0x8f: {  	_ = 	snop  }
0x90: {  	(tm) =	ssettm $0x1  }
0x91: {  	s17 =	sld [smem:$0x3FFB];
	_ =	sdelay $0x3  }
0x92: {  	_ =	strace s17  }
0x93: {  	s2 =	sld [smem:$0x3FFC];
	_ =	sdelay $0x3  }
0x94: {  	_ =	strace s2  }
0x95: {  	s2 =	sld [smem:$0x3FFD];
	_ =	sdelay $0x3  }
0x96: {  	_ =	strace s2  }
0x97: {  	_ =	strace $0x8FFFFFFF  }
0x98: {  	s18 =	sld [smem:$0x3FDB];
	_ =	sdelay $0x1  }
0x99: {  	s19 =	simm.s32 $_scs_section_size  }
0x9a: {  	s4 =	simm.s32 $_size__tile_overlayer_lowered;
	s5 =	simm.s32 $_tile_overlayer_lowered  }
0x9b: {  	s22 =	simm.s32 $0x1BFF;
	s21 =	sshll.u32 s5, $0x1;
	s2 =	sadd.s32 s19, s18  }
0x9c: {  	s6 =	simm.s32 $0x0;
	s20 =	sshll.u32 s4, $0x1;
	s4 =	sadd.s32 s21, s2  }
0x9d: {  	[timem:s6], [sflag:s22] =	dma.local [hbm:s4], s20  }
0x9e: {  	_ =	swait.ge [sflag:s22], s20  }
0x9f: {  	s3 =	ssub.s32 $0x0, s20;
	[sflag:s22] =	ssyncset.done $0x0  }
0xa0: {  	[sflag:s22] =	ssyncadd.s32 s3;
	_ =	sdelay $0x1  }
0xa1: {  	s23 =	simm.s32 $0x1B8B  }
0xa2: {  	_ =	swait.ge [sflag:s23], $0x1  }
0xa3: {  	[sflag:s23] =	ssyncset.done $0x0  }
0xa4: {  	s25 =	simm.s32 $0x1B8E;
	s24 =	sld [smem:$0x3FFE];
	[sflag:s23] =	ssyncadd.s32 $0xFFFFFFFF  }
0xa5: {  	s26 =	simm.s32 $execute0_lowered;
	[smem:$0x3FD2] =	sst s25  }
0xa6: {  	s4 =	sshll.u32 s26, $0x1;
	_ =	strace $0x8000004F;
	[dreg:$0x1] =	wrdreg $0xFFFFFFFF  }
0xa7: {  	s28 =	simm.s32 $_size_execute0_lowered;
	s2 =	sadd.s32 s2, s4;
	[dreg:$0x0] =	wrdreg $0x0  }
0xa8: {  	s4 =	sshll.u32 s28, $0x1;
	[dreg:$0x2] =	wrdreg s2  }
0xa9: {  	[dreg:$0x3] =	wrdreg s4  }
0xaa: {  	[dreg:$0x4] =	wrdreg $0xC0  }
0xab: {  	_ =	task [dreg:s6], $0x5FFFF  }
0xac: {  	[dreg:$0x1] =	wrdreg $0xFFFFFFFF  }
0xad: {  	[dreg:$0x0] =	wrdreg $0x60  }
0xae: {  	[dreg:$0x2] =	wrdreg s24  }
0xaf: {  	[dreg:$0x3] =	wrdreg $0x9  }
0xb0: {  	_ =	task.clear_ibuf [dreg:s6], $0x4FFFF;
	_ =	strace $0x9000004F  }
0xb1: {  	s29 =	simm.s32 $0x9;
	_ =	strace $0x80000051  }
0xb2: {  	_ =	swait.ge [sflag:s29], $0x1  }
0xb3: {  	[sflag:s29] =	ssyncadd.s32 $0xFFFFFFFF  }
0xb4: {  	_ =	strace $0x90000051  }
0xb5: {  	_ =	sfence  }
0xb6: {  	s30 =	sld [smem:$0x0];
	_ =	sdelay $0x2  }
0xb7: {  	s31 =	sshll.u32 s1, $0xD;
	s1 =	sshrl.u32 s1, $0x2  }
0xb8: {  	s3 =	sand.u32 $0x4000, s31;
	s1 =	sadd.s32 s1, s30  }
0xb9: {  	s0 =	sor.u32 s3, s0;
	s1 =	sshll.u32 s1, $0x11  }
0xba: {  	s0 =	sor.u32 s1, s0  }
0xbb: {  	s0 =	sadd.s32 $0x8F2B, s0  }
0xbc: {  	[sflag:s0] =	ssyncadd.remote.s32 $0x1  }
0xbd: {  	_ =	sfence.sel $0xFFFF  }
0xbe: {  	[dreg:$0x0] =	wrdreg $0xFFFFFFFF;
	(pc) =	sbr.abs _section_cstart, $3  }
0xbf: {  	[dreg:$0x1] =	wrdreg $0xFFFFFFFF  }
0xc0: {  	_ =	task.clear_ibuf [dreg:s6], $0x2FFFF;
	_ =	strace $0x9FFFFFFF  }
0xc1: {  	(tm) =	ssettm $0x7FFFFFFF  }
tec
execute0_lowered:
.L_overlay_start_1:
0x0: {  	(tag) =	ssettag $0x1  }
0x1: {  	s5 =	rddreg [dreg:$0x0]  }
0x2: {  	s0 =	rddreg [dreg:$0x1];
	s2 =	simm.s32 $0x0;
	s1 =	stileid.u32  }
0x3: {  	s3 =	srdreg.scid;
	s12 =	simm.s32 $0x1;
	s7 =	smul.u32 $0xF00, s1  }
0x4: {  	s13 =	simm.s32 $0x0;
	s6 =	sand.u32 $0x1, s3;
	s9 =	smul.u32 $0xF000, s1  }
0x5: {  	[smem:$0x7FF] =	sst s2;
	s3 =	sadd.s32 $0x3A00, s5;
	s8 =	smul.u32 $0x780, s6  }
0x6: {  	s4 =	sadd.s32 $0x2B200, s5;
	s29 =	ssub.s32 $0x2, s6;
	s6 =	smul.u32 $0x7800, s6  }
0x7: {  	_ =	strace $0x80000050;
	s9 =	sadd.s32 s9, s5;
	s10 =	sshrl.u32 s29, $0x1  }
0x8: {  	s7 =	sadd.s32 s8, s7;
	s30 =	ssub.s32 s29, s10;
	s31 =	sadd.s32 s6, s9  }
0x9: {  	s10 =	simm.s32 $0x2;
	s7 =	sshrl.u32 s7, $0x3;
	s6 =	sadd.s32 $0x52A00, s31  }
0xa: {  	s11 =	sadd.s32 s7, s5;
	s5 =	smax.u32 s30, $0x1;
	s7 =	sadd.s32 $0x1A2000, s31  }
0xb: {  	s8 =	sadd.s32 $0x1A0200, s11;
	s9 =	sadd.s32 $0x19E400, s11;
	s11 =	simm.s32 $0x80  }
.LBB2_1:
0xc: {  	s14 =	sadd.s32 $0x0, s9  }
0xd: {  	[tilespmem:s2], [sflag:$0x2] =	stream.linear.gather [hbm4b:s14+s2], $0x80, $0x38;
	[tilespmem:$0x4080] =	vst v63  }
0xe: {  	_ =	swait.ge [sflag:s10], $0x80  }
0xf: {  	[sflag:s10] =	ssyncset.done $0x0  }
0x10: {  	[sflag:s10] =	ssyncadd.s32 $0xFFFFFF80  }
0x11: {  	[tilespmem:s11], [sflag:$0x1] =	stream.indirect.gather [hbm4b:s3+s11], $0x80, s2, s11, $0xb8;
	[tilespmem:$0x4080] =	vst v63  }
0x12: {  	_ =	swait.ge [sflag:s12], $0x4000  }
0x13: {  	[sflag:s12] =	ssyncset.done $0x0  }
0x14: {  	[sflag:s12] =	ssyncadd.s32 $0xFFFFC000  }
0x15: {  	[hbm4b:s6+s2] =	stream.linear.scatter [tilespmem:s11], [sflag:$0x2], $0x4000, $0x38;
	[tilespmem:$0x4080] =	vst v63  }
0x16: {  	_ =	swait.ge [sflag:s10], $0x4000  }
0x17: {  	[sflag:s10] =	ssyncset.done $0x0  }
0x18: {  	s31 =	sadd.s32 $0x0, s8;
	[sflag:s10] =	ssyncadd.s32 $0xFFFFC000  }
0x19: {  	[tilespmem:s2], [sflag:$0x2] =	stream.linear.gather [hbm4b:s31+s2], $0x80, $0x38;
	[tilespmem:$0x4080] =	vst v63  }
0x1a: {  	_ =	swait.ge [sflag:s10], $0x80  }
0x1b: {  	[sflag:s10] =	ssyncset.done $0x0  }
0x1c: {  	[sflag:s10] =	ssyncadd.s32 $0xFFFFFF80  }
0x1d: {  	[tilespmem:s11], [sflag:$0x1] =	stream.indirect.gather [hbm4b:s4+s11], $0x80, s2, s11, $0xb8;
	[tilespmem:$0x4080] =	vst v63  }
0x1e: {  	_ =	swait.ge [sflag:s12], $0x4000  }
0x1f: {  	[sflag:s12] =	ssyncset.done $0x0  }
0x20: {  	[sflag:s12] =	ssyncadd.s32 $0xFFFFC000  }
0x21: {  	[hbm4b:s7+s2] =	stream.linear.scatter [tilespmem:s11], [sflag:$0x2], $0x4000, $0x38;
	[tilespmem:$0x4080] =	vst v63  }
0x22: {  	s15 =	simm.s32 $0x10;
	s17 =	simm.s32 $0x20;
	_ =	swait.ge [sflag:s10], $0x4000  }
0x23: {  	s16 =	sadd.s32 $0x800, s6;
	s14 =	sadd.s32 $0x800, s7;
	[sflag:s10] =	ssyncset.done $0x0  }
.LBB2_2:
0x24: {  	s18 =	sadd.s32 s15, s9  }
0x25: {  	[sflag:s10] =	ssyncadd.s32 $0xFFFFC000;
	s19 =	smov.u32 s17;
	s20 =	sadd.s32 $0x10, s17  }
0x26: {  	[tilespmem:s2], [sflag:$0x2] =	stream.linear.gather [hbm4b:s18+s2], $0x80, $0x38;
	[tilespmem:$0x4080] =	vst v63  }
0x27: {  	p0 =	sne.s32 s17, $0xE0;
	_ =	swait.ge [sflag:s10], $0x80  }
0x28: {  	[sflag:s10] =	ssyncset.done $0x0  }
0x29: {  	[sflag:s10] =	ssyncadd.s32 $0xFFFFFF80  }
0x2a: {  	[tilespmem:s11], [sflag:$0x1] =	stream.indirect.gather [hbm4b:s3+s11], $0x80, s2, s11, $0xb8;
	[tilespmem:$0x4080] =	vst v63  }
0x2b: {  	_ =	swait.ge [sflag:s12], $0x4000  }
0x2c: {  	[sflag:s12] =	ssyncset.done $0x0  }
0x2d: {  	[sflag:s12] =	ssyncadd.s32 $0xFFFFC000  }
0x2e: {  	[hbm4b:s16+s2] =	stream.linear.scatter [tilespmem:s11], [sflag:$0x2], $0x4000, $0x38;
	[tilespmem:$0x4080] =	vst v63  }
0x2f: {  	_ =	swait.ge [sflag:s10], $0x4000  }
0x30: {  	[sflag:s10] =	ssyncset.done $0x0  }
0x31: {  	s17 =	sadd.s32 s15, s8;
	s15 =	smov.u32 s19;
	[sflag:s10] =	ssyncadd.s32 $0xFFFFC000  }
0x32: {  	[tilespmem:s2], [sflag:$0x2] =	stream.linear.gather [hbm4b:s17+s2], $0x80, $0x38;
	[tilespmem:$0x4080] =	vst v63  }
0x33: {  	_ =	swait.ge [sflag:s10], $0x80  }
0x34: {  	[sflag:s10] =	ssyncset.done $0x0  }
0x35: {  	[sflag:s10] =	ssyncadd.s32 $0xFFFFFF80  }
0x36: {  	[tilespmem:s11], [sflag:$0x1] =	stream.indirect.gather [hbm4b:s4+s11], $0x80, s2, s11, $0xb8;
	[tilespmem:$0x4080] =	vst v63  }
0x37: {  	_ =	swait.ge [sflag:s12], $0x4000  }
.Ltmp0:
0x38: {  	[sflag:s12] =	ssyncset.done $0x0;
	(pc) =	sbr.rel @p0 .LBB2_2-.Ltmp0, $4  }
0x39: {  	[sflag:s12] =	ssyncadd.s32 $0xFFFFC000  }
0x3a: {  	[hbm4b:s14+s2] =	stream.linear.scatter [tilespmem:s11], [sflag:$0x2], $0x4000, $0x38;
	[tilespmem:$0x4080] =	vst v63  }
0x3b: {  	s16 =	sadd.s32 $0x800, s16;
	_ =	swait.ge [sflag:s10], $0x4000  }
0x3c: {  	s17 =	smov.u32 s20;
	s14 =	sadd.s32 $0x800, s14;
	[sflag:s10] =	ssyncset.done $0x0  }
0x3d: {  	s17 =	sadd.s32 s15, s9;
	[sflag:s10] =	ssyncadd.s32 $0xFFFFC000  }
0x3e: {  	[tilespmem:s2], [sflag:$0x2] =	stream.linear.gather [hbm4b:s17+s2], $0x80, $0x38;
	[tilespmem:$0x4080] =	vst v63  }
0x3f: {  	_ =	swait.ge [sflag:s10], $0x80  }
0x40: {  	[sflag:s10] =	ssyncset.done $0x0  }
0x41: {  	[sflag:s10] =	ssyncadd.s32 $0xFFFFFF80  }
0x42: {  	[tilespmem:s11], [sflag:$0x1] =	stream.indirect.gather [hbm4b:s3+s11], $0x80, s2, s11, $0xb8;
	[tilespmem:$0x4080] =	vst v63  }
0x43: {  	_ =	swait.ge [sflag:s12], $0x4000  }
0x44: {  	[sflag:s12] =	ssyncset.done $0x0  }
0x45: {  	[sflag:s12] =	ssyncadd.s32 $0xFFFFC000  }
0x46: {  	[hbm4b:s16+s2] =	stream.linear.scatter [tilespmem:s11], [sflag:$0x2], $0x4000, $0x38;
	[tilespmem:$0x4080] =	vst v63  }
0x47: {  	_ =	swait.ge [sflag:s10], $0x4000  }
0x48: {  	[sflag:s10] =	ssyncset.done $0x0  }
0x49: {  	s31 =	sadd.s32 s15, s8;
	[sflag:s10] =	ssyncadd.s32 $0xFFFFC000  }
0x4a: {  	[tilespmem:s2], [sflag:$0x2] =	stream.linear.gather [hbm4b:s31+s2], $0x80, $0x38;
	[tilespmem:$0x4080] =	vst v63  }
0x4b: {  	_ =	swait.ge [sflag:s10], $0x80  }
0x4c: {  	[sflag:s10] =	ssyncset.done $0x0  }
0x4d: {  	[sflag:s10] =	ssyncadd.s32 $0xFFFFFF80  }
0x4e: {  	[tilespmem:s11], [sflag:$0x1] =	stream.indirect.gather [hbm4b:s4+s11], $0x80, s2, s11, $0xb8;
	[tilespmem:$0x4080] =	vst v63  }
0x4f: {  	s13 =	sadd.s32 $0x1, s13;
	_ =	swait.ge [sflag:s12], $0x4000  }
0x50: {  	p0 =	sne.s32 s13, s5;
	[sflag:s12] =	ssyncset.done $0x0  }
.Ltmp1:
0x51: {  	[sflag:s12] =	ssyncadd.s32 $0xFFFFC000;
	(pc) =	sbr.rel @p0 .LBB2_1-.Ltmp1, $4  }
0x52: {  	[hbm4b:s14+s2] =	stream.linear.scatter [tilespmem:s11], [sflag:$0x2], $0x4000, $0x38;
	[tilespmem:$0x4080] =	vst v63  }
0x53: {  	_ =	swait.ge [sflag:s10], $0x4000  }
0x54: {  	[sflag:s10] =	ssyncset.done $0x0  }
0x55: {  	[sflag:s10] =	ssyncadd.s32 $0xFFFFC000  }
0x56: {  	_ =	sfence.sel $0x180000  }
0x57: {  	[bflag:$0x0] =	sbarrier.arrive $0xFFFF  }
0x58: {  	p0 =	sne.s32 s1, $0x0;
	_ =	strace $0x90000050  }
0x59: {  	s0 =	sadd.s32 @!p0 $0x100000, s0;
	[bflag:$0x2] =	sbarrier.arrive $0xFFFF  }
0x5a: {  	[sflag:s0] =	ssyncadd.tile.s32 @!p0 $0x1;
	_ =	shalt  }
.Lfunc_end2:
_tile_overlayer_lowered:
.L_overlay_start_2:
0x5b: {  	(tag) =	ssettag $0x2  }
0x5c: {  	s0 =	rddreg [dreg:$0x0];
	s2 =	stileid.u32  }
0x5d: {  	s1 =	rddreg [dreg:$0x1];
	p0 =	sne.s32 s2, $0x0  }
0x5e: {  	s3 =	rddreg [dreg:$0x2];
	[bflag:$0x3] =	sbarrier.arrive $0xFFFF;
	s2 =	simm.s32 @!p0 $0x1C02  }
0x5f: {  	[timem:s3], [sflag:s2] =	dma.local @!p0 [hbm:s0], s1  }
0x60: {  	s0 =	simm.s32 @!p0 $0x2  }
0x61: {  	_ =	swait.ge @!p0 [sflag:s0], s1  }
0x62: {  	s1 =	ssub.s32 @!p0 $0x0, s1;
	[sflag:s0] =	ssyncset.done @!p0 $0x0  }
0x63: {  	[sflag:s0] =	ssyncadd.s32 @!p0 s1  }
0x64: {  	[bflag:$0x3] =	sbarrier.arrive $0xFFFF  }
0x65: {  	_ =	shalt  }

</sc_bundles>
